<compile_context>
chip_gen: v7x
topology: tpu7x:2x2x1
jax: 0.10.2.dev20260603
libtpu: 0.0.44.dev20260713+nightly
codegen_flags: <defaults>
</compile_context>

<pallas_src>
import functools

import jax
import jax.numpy as jnp
from jax import lax
from jax.experimental import pallas as pl
from jax.experimental.pallas import tpu as pltpu
from jax.experimental.pallas import tpu_sc as plsc

E_NUM = 1000000
R_NUM = 1000
E_DIM = 32
R_DIM = 32
B = 4096
W_DIM = R_DIM * E_DIM

NW = 32
E_ROWS = 4 * B
R_ROWS = 2 * B
E_PER_W = E_ROWS // NW
R_PER_W = R_ROWS // NW
W_CHUNK = 16
E_CHUNK = 32
E_NCHUNK = E_PER_W // E_CHUNK

TBLK = 8192
_N_TBLK = -(-E_NUM // TBLK)


def _tr_body(src_ref, dst_ref):
    x = src_ref[...].astype(jnp.bfloat16)
    eye = jnp.eye(E_DIM, dtype=jnp.bfloat16)
    dst_ref[...] = jax.lax.dot_general(
        x, eye, dimension_numbers=(((0,), (0,)), ((), ())),
        preferred_element_type=jnp.float32)


_tr_ent = pl.pallas_call(
    _tr_body,
    grid=(_N_TBLK,),
    in_specs=[pl.BlockSpec((E_DIM, TBLK), lambda i: (0, i))],
    out_specs=pl.BlockSpec((TBLK, E_DIM), lambda i: (i, 0)),
    out_shape=jax.ShapeDtypeStruct((E_NUM, E_DIM), jnp.float32),
)



def _ring(n_chunks, issue_gather, issue_write):
    g = [None] * n_chunks
    w = [None] * n_chunks
    g[0] = issue_gather(0)
    if n_chunks > 1:
        g[1] = issue_gather(1)
    for c in range(n_chunks):
        g[c].wait()
        w[c] = issue_write(c)
        if c + 2 < n_chunks:
            w[c].wait()
            g[c + 2] = issue_gather(c + 2)
    for c in range(max(0, n_chunks - 2), n_chunks):
        w[c].wait()


def _sc_w_body(rel_idx, w_hbm, w_out, rtv, wb0, wb1, gs0, gs1, ws0, ws1):
    wid = lax.axis_index("s") * 2 + lax.axis_index("c")
    r_base = pl.multiple_of(wid * R_PER_W, R_PER_W)

    pltpu.sync_copy(rel_idx.at[pl.ds(r_base, R_PER_W)], rtv)

    wbufs = (wb0, wb1)

    def w_gather(c):
        return pltpu.async_copy(
            w_hbm.at[rtv.at[pl.ds(c * W_CHUNK, W_CHUNK)]],
            wbufs[c % 2], (gs0, gs1)[c % 2])

    def w_write(c):
        return pltpu.async_copy(
            wbufs[c % 2], w_out.at[pl.ds(r_base + c * W_CHUNK, W_CHUNK)],
            (ws0, ws1)[c % 2])

    _ring(R_PER_W // W_CHUNK, w_gather, w_write)


def _sc_ent_body(ent_idx, ent_hbm, ent_out, eiv, ebuf, esem):
    wid = lax.axis_index("s") * 2 + lax.axis_index("c")
    e_base = pl.multiple_of(wid * E_PER_W, E_PER_W)

    pltpu.sync_copy(ent_idx.at[pl.ds(e_base, E_PER_W)], eiv)

    lane = lax.iota(jnp.int32, 16)

    def ent_chunk(c, carry):
        handles = []
        for g in range(E_CHUNK // 16):
            v = eiv[pl.ds(c * E_CHUNK + g * 16, 16)]
            for j in range(16):
                i = jnp.sum(jnp.where(lane == j, v, 0))
                handles.append(pltpu.async_copy(
                    ent_hbm.at[pl.ds(i, 1)],
                    ebuf.at[pl.ds(c * E_CHUNK + g * 16 + j, 1)], esem))
        for h in handles:
            h.wait()
        return carry

    lax.fori_loop(0, E_NCHUNK, ent_chunk, 0)
    pltpu.sync_copy(ebuf, ent_out.at[pl.ds(e_base, E_PER_W)])


@functools.cache
def _sc_w_gather():
    return pl.kernel(
        _sc_w_body,
        out_type=jax.ShapeDtypeStruct((R_ROWS, W_DIM), jnp.float32),
        mesh=plsc.VectorSubcoreMesh(core_axis_name="c", subcore_axis_name="s"),
        scratch_types=[
            pltpu.VMEM((R_PER_W,), jnp.int32),
            pltpu.VMEM((W_CHUNK, W_DIM), jnp.float32),
            pltpu.VMEM((W_CHUNK, W_DIM), jnp.float32),
            pltpu.SemaphoreType.DMA,
            pltpu.SemaphoreType.DMA,
            pltpu.SemaphoreType.DMA,
            pltpu.SemaphoreType.DMA,
        ],
        compiler_params=pltpu.CompilerParams(needs_layout_passes=False),
    )


@functools.cache
def _sc_ent_gather():
    return pl.kernel(
        _sc_ent_body,
        out_type=jax.ShapeDtypeStruct((E_ROWS, E_DIM), jnp.float32),
        mesh=plsc.VectorSubcoreMesh(core_axis_name="c", subcore_axis_name="s"),
        scratch_types=[
            pltpu.VMEM((E_PER_W,), jnp.int32),
            pltpu.VMEM((E_PER_W, E_DIM), jnp.float32),
            pltpu.SemaphoreType.DMA,
        ],
        compiler_params=pltpu.CompilerParams(needs_layout_passes=False),
    )


BLK = 512
R_PAD = 1024
_N_BLK = R_ROWS // BLK


def _tc_body(h_ref, t_ref, li_ref, rel_ref, w_ref, out_ref):
    h = h_ref[...]
    t = t_ref[...]
    li = li_ref[...]
    w = w_ref[...]

    rel = rel_ref[...]
    rn2 = jnp.sum(rel * rel, axis=1, keepdims=True)
    rel_n = rel * lax.rsqrt(jnp.maximum(rn2, 1e-30))
    lane = lax.broadcasted_iota(jnp.int32, (BLK, R_PAD), 1)
    onehot = jnp.where(li == lane, 1.0, 0.0).astype(jnp.float32)
    ln = jax.lax.dot(onehot, rel_n,
                     preferred_element_type=jnp.float32)

    hn = h * lax.rsqrt(jnp.sum(h * h, axis=1, keepdims=True))
    tn = t * lax.rsqrt(jnp.sum(t * t, axis=1, keepdims=True))
    diff = hn - tn
    drep = jnp.concatenate([diff] * R_DIM, axis=1)
    p = w * drep
    j = lax.broadcasted_iota(jnp.int32, (W_DIM, R_DIM), 0)
    r = lax.broadcasted_iota(jnp.int32, (W_DIM, R_DIM), 1)
    seg = jnp.where(j // E_DIM == r, 1.0, 0.0).astype(jnp.float32)
    q = jax.lax.dot(p, seg,
                    preferred_element_type=jnp.float32)

    inv_wn = lax.rsqrt(jnp.sum(w * w, axis=1, keepdims=True))
    d = q * inv_wn + ln
    out_ref[...] = jnp.sqrt(jnp.sum(d * d, axis=1, keepdims=True))


_tc_dist = pl.pallas_call(
    _tc_body,
    grid=(_N_BLK,),
    in_specs=[
        pl.BlockSpec((BLK, E_DIM), lambda i: (i, 0)),
        pl.BlockSpec((BLK, E_DIM), lambda i: (i + _N_BLK, 0)),
        pl.BlockSpec((BLK, 1), lambda i: (i, 0)),
        pl.BlockSpec((R_PAD, R_DIM), lambda i: (0, 0)),
        pl.BlockSpec((BLK, W_DIM), lambda i: (i, 0)),
    ],
    out_specs=pl.BlockSpec((BLK, 1), lambda i: (i, 0)),
    out_shape=jax.ShapeDtypeStruct((R_ROWS, 1), jnp.float32),
)


def kernel(h_batch, t_batch, l_batch, h_apos_batch, t_apos_batch,
           l_apos_batch, entity_emb, relation_emb, w_emb):
    ent_idx = jnp.concatenate(
        [h_batch, h_apos_batch, t_batch, t_apos_batch]).astype(jnp.int32)
    rel_idx = jnp.concatenate([l_batch, l_apos_batch]).astype(jnp.int32)
    li = rel_idx.reshape(R_ROWS, 1)
    rel_pad = jnp.pad(relation_emb, ((0, R_PAD - R_NUM), (0, 0)))

    w_rows = _sc_w_gather()(rel_idx, w_emb)
    ent_rm = _tr_ent(entity_emb.T)
    ent_rows = _sc_ent_gather()(ent_idx, ent_rm)

    dist_all = _tc_dist(ent_rows, ent_rows, li, rel_pad, w_rows)[:, 0]
    return dist_all[:B], dist_all[B:]

# --- scband reference (transcript-rebuilt; emitter-appended) ---
"""Pipeline reference for scband-trans-r-8632884265485 (READ-ONLY COPY).

The authoritative reference and input builder live on the scoring server;
editing this copy changes nothing except your own understanding.
"""

import jax, jax.numpy as jnp
import numpy as np

E_NUM = 1000000
R_NUM = 1000
E_DIM = 32
R_DIM = 32
B = 4096


def _norm_rows(w):
    return w / jnp.linalg.norm(w, axis=1, keepdims=True)


def setup_inputs(seed: int = 0) -> dict:
    key = jax.random.key(seed)
    ks = jax.random.split(key, 9)
    h_batch = jax.random.randint(ks[0], (B,), 0, E_NUM, dtype=jnp.int64 if jax.config.jax_enable_x64 else jnp.int32).astype(jnp.int32)
    t_batch = jax.random.randint(ks[1], (B,), 0, E_NUM).astype(jnp.int32)
    l_batch = jax.random.randint(ks[2], (B,), 0, R_NUM).astype(jnp.int32)
    h_apos_batch = jax.random.randint(ks[3], (B,), 0, E_NUM).astype(jnp.int32)
    t_apos_batch = jax.random.randint(ks[4], (B,), 0, E_NUM).astype(jnp.int32)
    l_apos_batch = jax.random.randint(ks[5], (B,), 0, R_NUM).astype(jnp.int32)
    # xavier-normal init (scale is irrelevant after row normalization in forward)
    entity_emb = jax.random.normal(ks[6], (E_NUM, E_DIM), dtype=jnp.float32) * float(np.sqrt(2.0 / (E_NUM + E_DIM)))
    relation_emb = jax.random.normal(ks[7], (R_NUM, R_DIM), dtype=jnp.float32) * float(np.sqrt(2.0 / (R_NUM + R_DIM)))
    w_emb = jax.random.normal(ks[8], (R_NUM, R_DIM * E_DIM), dtype=jnp.float32) * float(np.sqrt(2.0 / (R_NUM + R_DIM * E_DIM)))
    return {
        'h_batch': h_batch, 't_batch': t_batch, 'l_batch': l_batch,
        'h_apos_batch': h_apos_batch, 't_apos_batch': t_apos_batch, 'l_apos_batch': l_apos_batch,
        'entity_emb': entity_emb, 'relation_emb': relation_emb, 'w_emb': w_emb,
    }


def reference(h_batch, t_batch, l_batch, h_apos_batch, t_apos_batch, l_apos_batch,
              entity_emb, relation_emb, w_emb):
    # forward begins by L2-normalizing all embedding tables row-wise (torch does this on .data)
    ent_n = _norm_rows(entity_emb)
    rel_n = _norm_rows(relation_emb)
    w_n = _norm_rows(w_emb)

    h_vec = jnp.take(ent_n, h_batch, axis=0)                      # [B, E_DIM]
    l_vec = jnp.take(rel_n, l_batch, axis=0)                      # [B, R_DIM]
    t_vec = jnp.take(ent_n, t_batch, axis=0)                      # [B, E_DIM]
    w_vec = jnp.take(w_n, l_batch, axis=0).reshape(-1, R_DIM, E_DIM)

    h_apos_vec = jnp.take(ent_n, h_apos_batch, axis=0)
    l_apos_vec = jnp.take(rel_n, l_apos_batch, axis=0)
    t_apos_vec = jnp.take(ent_n, t_apos_batch, axis=0)
    w_apos_vec = jnp.take(w_n, l_apos_batch, axis=0).reshape(-1, R_DIM, E_DIM)

    h_perp = jnp.einsum('bre,be->br', w_vec, h_vec)
    t_perp = jnp.einsum('bre,be->br', w_vec, t_vec)
    h_apos_perp = jnp.einsum('bre,be->br', w_apos_vec, h_apos_vec)
    t_apos_perp = jnp.einsum('bre,be->br', w_apos_vec, t_apos_vec)

    dist = jnp.linalg.norm(h_perp + l_vec - t_perp, ord=2, axis=1)
    dist_apos = jnp.linalg.norm(h_apos_perp + l_apos_vec - t_apos_perp, ord=2, axis=1)
    return (dist, dist_apos)

if __name__ == "__main__":
    import jax
    _d = setup_inputs()
    print(jax.jit(kernel)(*tuple(_d.values())))

</pallas_src>

<mosaic_0001>
#map = affine_map<(d0, d1) -> (0)>
#map1 = affine_map<(d0, d1) -> (0, 0)>
module attributes {stable_mosaic.version = 14 : i64} {
  func.func @_sc_w_body(%arg0: i32, %arg1: i32, %arg2: memref<8192xi32, #tpu.memory_space<hbm>>, %arg3: memref<1000x1024xf32, #tpu.memory_space<hbm>>, %arg4: memref<8192x1024xf32, #tpu.memory_space<hbm>>, %arg5: memref<256xi32, #tpu.memory_space<vmem>>, %arg6: memref<16x1024xf32, #tpu.memory_space<vmem>>, %arg7: memref<16x1024xf32, #tpu.memory_space<vmem>>, %arg8: memref<!tpu.dma_semaphore, #tpu.memory_space<semaphore_mem>>, %arg9: memref<!tpu.dma_semaphore, #tpu.memory_space<semaphore_mem>>, %arg10: memref<!tpu.dma_semaphore, #tpu.memory_space<semaphore_mem>>, %arg11: memref<!tpu.dma_semaphore, #tpu.memory_space<semaphore_mem>>) attributes {dimension_semantics = [#tpu.dimension_semantics<core_parallel>, #tpu.dimension_semantics<subcore_parallel>], iteration_bounds = array<i64: 2, 16>, scalar_prefetch = 0 : i64, scratch_operands = 7 : i64, tpu.core_type = #tpu.core_type<sc_vector_subcore>, window_params = [{transform_indices = #map}, {transform_indices = #map1}, {transform_indices = #map1}]} {
    %mul3A = arith.constant 2 : i32
    %mul3A_0 = arith.muli %arg1, %mul3A : i32
    %add3A = arith.addi %mul3A_0, %arg0 : i32
    %mul3A_1 = arith.constant 256 : i32
    %mul3A_2 = arith.muli %add3A, %mul3A_1 : i32
    %multiple_of3A = tpu.assume_multiple %mul3A_2, 256 : i32
    "tpu.region"() ({
      %run_scoped3A = tpu.sem_alloc : memref<!tpu.dma_semaphore, #tpu.memory_space<semaphore_mem>>
      %dma_start3A_321 = tpu.memref_slice %arg2[%multiple_of3A] : memref<8192xi32, #tpu.memory_space<hbm>> -> memref<256xi32, #tpu.memory_space<hbm>>
      %dma_start3A_322 = tpu.memref_slice %arg2[%multiple_of3A] : memref<8192xi32, #tpu.memory_space<hbm>> -> memref<256xi32, #tpu.memory_space<hbm>>
      tpu.enqueue_dma source(%dma_start3A_322 : memref<256xi32, #tpu.memory_space<hbm>>) target(%arg5 : memref<256xi32, #tpu.memory_space<vmem>>) target_semaphore(%run_scoped3A : memref<!tpu.dma_semaphore, #tpu.memory_space<semaphore_mem>>)
      %dma_wait3A_323 = tpu.memref_slice %arg2[%multiple_of3A] : memref<8192xi32, #tpu.memory_space<hbm>> -> memref<256xi32, #tpu.memory_space<hbm>>
      %dma_wait3A_324 = tpu.memref_slice %arg2[%multiple_of3A] : memref<8192xi32, #tpu.memory_space<hbm>> -> memref<256xi32, #tpu.memory_space<hbm>>
      tpu.wait_dma2 semaphore(%run_scoped3A : memref<!tpu.dma_semaphore, #tpu.memory_space<semaphore_mem>>) src(%dma_wait3A_324 : memref<256xi32, #tpu.memory_space<hbm>>) dst(%arg5 : memref<256xi32, #tpu.memory_space<vmem>>)
      tpu.yield
    }) : () -> ()
    %dma_start3A = arith.constant 0 : i32
    %dma_start3A_3 = tpu.memref_slice %arg5[%dma_start3A] : memref<256xi32, #tpu.memory_space<vmem>> -> memref<16xi32, #tpu.memory_space<vmem>>
    %dma_start3A_4 = arith.constant 0 : i32
    %dma_start3A_5 = arith.constant 0 : i32
    %dma_start3A_6 = tpu.memref_slice %arg3[%dma_start3A_4, %dma_start3A_5] : memref<1000x1024xf32, #tpu.memory_space<hbm>> -> memref<1000x1024xf32, #tpu.memory_space<hbm>>
    tpu.enqueue_indirect_dma source(%dma_start3A_6 : memref<1000x1024xf32, #tpu.memory_space<hbm>>) target(%arg6 : memref<16x1024xf32, #tpu.memory_space<vmem>>) offsets(%dma_start3A_3 : memref<16xi32, #tpu.memory_space<vmem>>) semaphore(%arg8 : memref<!tpu.dma_semaphore, #tpu.memory_space<semaphore_mem>>)
    %dma_start3A_7 = arith.constant 16 : i32
    %dma_start3A_8 = tpu.memref_slice %arg5[%dma_start3A_7] : memref<256xi32, #tpu.memory_space<vmem>> -> memref<16xi32, #tpu.memory_space<vmem>>
    %dma_start3A_9 = arith.constant 0 : i32
    %dma_start3A_10 = arith.constant 0 : i32
    %dma_start3A_11 = tpu.memref_slice %arg3[%dma_start3A_9, %dma_start3A_10] : memref<1000x1024xf32, #tpu.memory_space<hbm>> -> memref<1000x1024xf32, #tpu.memory_space<hbm>>
    tpu.enqueue_indirect_dma source(%dma_start3A_11 : memref<1000x1024xf32, #tpu.memory_space<hbm>>) target(%arg7 : memref<16x1024xf32, #tpu.memory_space<vmem>>) offsets(%dma_start3A_8 : memref<16xi32, #tpu.memory_space<vmem>>) semaphore(%arg9 : memref<!tpu.dma_semaphore, #tpu.memory_space<semaphore_mem>>)
    %dma_wait3A = arith.constant 0 : i32
    %dma_wait3A_12 = tpu.memref_slice %arg5[%dma_wait3A] : memref<256xi32, #tpu.memory_space<vmem>> -> memref<16xi32, #tpu.memory_space<vmem>>
    %dma_wait3A_13 = arith.constant 0 : i32
    %dma_wait3A_14 = arith.constant 0 : i32
    %dma_wait3A_15 = tpu.memref_slice %arg3[%dma_wait3A_13, %dma_wait3A_14] : memref<1000x1024xf32, #tpu.memory_space<hbm>> -> memref<1000x1024xf32, #tpu.memory_space<hbm>>
    tpu.wait_indirect_dma semaphore(%arg8 : memref<!tpu.dma_semaphore, #tpu.memory_space<semaphore_mem>>) src(%dma_wait3A_15 : memref<1000x1024xf32, #tpu.memory_space<hbm>>) dst(%arg6 : memref<16x1024xf32, #tpu.memory_space<vmem>>)
    %add3A_16 = arith.constant 0 : i32
    %add3A_17 = arith.addi %multiple_of3A, %add3A_16 : i32
    %dma_start3A_18 = arith.constant 0 : i32
    %dma_start3A_19 = tpu.memref_slice %arg4[%add3A_17, %dma_start3A_18] : memref<8192x1024xf32, #tpu.memory_space<hbm>> -> memref<16x1024xf32, #tpu.memory_space<hbm>>
    %dma_start3A_20 = arith.constant 0 : i32
    %dma_start3A_21 = tpu.memref_slice %arg4[%add3A_17, %dma_start3A_20] : memref<8192x1024xf32, #tpu.memory_space<hbm>> -> memref<16x1024xf32, #tpu.memory_space<hbm>>
    tpu.enqueue_dma source(%arg6 : memref<16x1024xf32, #tpu.memory_space<vmem>>) target(%dma_start3A_21 : memref<16x1024xf32, #tpu.memory_space<hbm>>) target_semaphore(%arg10 : memref<!tpu.dma_semaphore, #tpu.memory_space<semaphore_mem>>)
    %dma_wait3A_22 = arith.constant 0 : i32
    %dma_wait3A_23 = tpu.memref_slice %arg4[%add3A_17, %dma_wait3A_22] : memref<8192x1024xf32, #tpu.memory_space<hbm>> -> memref<16x1024xf32, #tpu.memory_space<hbm>>
    %dma_wait3A_24 = arith.constant 0 : i32
    %dma_wait3A_25 = tpu.memref_slice %arg4[%add3A_17, %dma_wait3A_24] : memref<8192x1024xf32, #tpu.memory_space<hbm>> -> memref<16x1024xf32, #tpu.memory_space<hbm>>
    tpu.wait_dma2 semaphore(%arg10 : memref<!tpu.dma_semaphore, #tpu.memory_space<semaphore_mem>>) src(%arg6 : memref<16x1024xf32, #tpu.memory_space<vmem>>) dst(%dma_wait3A_25 : memref<16x1024xf32, #tpu.memory_space<hbm>>)
    %dma_start3A_26 = arith.constant 32 : i32
    %dma_start3A_27 = tpu.memref_slice %arg5[%dma_start3A_26] : memref<256xi32, #tpu.memory_space<vmem>> -> memref<16xi32, #tpu.memory_space<vmem>>
    %dma_start3A_28 = arith.constant 0 : i32
    %dma_start3A_29 = arith.constant 0 : i32
    %dma_start3A_30 = tpu.memref_slice %arg3[%dma_start3A_28, %dma_start3A_29] : memref<1000x1024xf32, #tpu.memory_space<hbm>> -> memref<1000x1024xf32, #tpu.memory_space<hbm>>
    tpu.enqueue_indirect_dma source(%dma_start3A_30 : memref<1000x1024xf32, #tpu.memory_space<hbm>>) target(%arg6 : memref<16x1024xf32, #tpu.memory_space<vmem>>) offsets(%dma_start3A_27 : memref<16xi32, #tpu.memory_space<vmem>>) semaphore(%arg8 : memref<!tpu.dma_semaphore, #tpu.memory_space<semaphore_mem>>)
    %dma_wait3A_31 = arith.constant 16 : i32
    %dma_wait3A_32 = tpu.memref_slice %arg5[%dma_wait3A_31] : memref<256xi32, #tpu.memory_space<vmem>> -> memref<16xi32, #tpu.memory_space<vmem>>
    %dma_wait3A_33 = arith.constant 0 : i32
    %dma_wait3A_34 = arith.constant 0 : i32
    %dma_wait3A_35 = tpu.memref_slice %arg3[%dma_wait3A_33, %dma_wait3A_34] : memref<1000x1024xf32, #tpu.memory_space<hbm>> -> memref<1000x1024xf32, #tpu.memory_space<hbm>>
    tpu.wait_indirect_dma semaphore(%arg9 : memref<!tpu.dma_semaphore, #tpu.memory_space<semaphore_mem>>) src(%dma_wait3A_35 : memref<1000x1024xf32, #tpu.memory_space<hbm>>) dst(%arg7 : memref<16x1024xf32, #tpu.memory_space<vmem>>)
    %add3A_36 = arith.constant 16 : i32
    %add3A_37 = arith.addi %multiple_of3A, %add3A_36 : i32
    %dma_start3A_38 = arith.constant 0 : i32
    %dma_start3A_39 = tpu.memref_slice %arg4[%add3A_37, %dma_start3A_38] : memref<8192x1024xf32, #tpu.memory_space<hbm>> -> memref<16x1024xf32, #tpu.memory_space<hbm>>
    %dma_start3A_40 = arith.constant 0 : i32
    %dma_start3A_41 = tpu.memref_slice %arg4[%add3A_37, %dma_start3A_40] : memref<8192x1024xf32, #tpu.memory_space<hbm>> -> memref<16x1024xf32, #tpu.memory_space<hbm>>
    tpu.enqueue_dma source(%arg7 : memref<16x1024xf32, #tpu.memory_space<vmem>>) target(%dma_start3A_41 : memref<16x1024xf32, #tpu.memory_space<hbm>>) target_semaphore(%arg11 : memref<!tpu.dma_semaphore, #tpu.memory_space<semaphore_mem>>)
    %dma_wait3A_42 = arith.constant 0 : i32
    %dma_wait3A_43 = tpu.memref_slice %arg4[%add3A_37, %dma_wait3A_42] : memref<8192x1024xf32, #tpu.memory_space<hbm>> -> memref<16x1024xf32, #tpu.memory_space<hbm>>
    %dma_wait3A_44 = arith.constant 0 : i32
    %dma_wait3A_45 = tpu.memref_slice %arg4[%add3A_37, %dma_wait3A_44] : memref<8192x1024xf32, #tpu.memory_space<hbm>> -> memref<16x1024xf32, #tpu.memory_space<hbm>>
    tpu.wait_dma2 semaphore(%arg11 : memref<!tpu.dma_semaphore, #tpu.memory_space<semaphore_mem>>) src(%arg7 : memref<16x1024xf32, #tpu.memory_space<vmem>>) dst(%dma_wait3A_45 : memref<16x1024xf32, #tpu.memory_space<hbm>>)
    %dma_start3A_46 = arith.constant 48 : i32
    %dma_start3A_47 = tpu.memref_slice %arg5[%dma_start3A_46] : memref<256xi32, #tpu.memory_space<vmem>> -> memref<16xi32, #tpu.memory_space<vmem>>
    %dma_start3A_48 = arith.constant 0 : i32
    %dma_start3A_49 = arith.constant 0 : i32
    %dma_start3A_50 = tpu.memref_slice %arg3[%dma_start3A_48, %dma_start3A_49] : memref<1000x1024xf32, #tpu.memory_space<hbm>> -> memref<1000x1024xf32, #tpu.memory_space<hbm>>
    tpu.enqueue_indirect_dma source(%dma_start3A_50 : memref<1000x1024xf32, #tpu.memory_space<hbm>>) target(%arg7 : memref<16x1024xf32, #tpu.memory_space<vmem>>) offsets(%dma_start3A_47 : memref<16xi32, #tpu.memory_space<vmem>>) semaphore(%arg9 : memref<!tpu.dma_semaphore, #tpu.memory_space<semaphore_mem>>)
    %dma_wait3A_51 = arith.constant 32 : i32
    %dma_wait3A_52 = tpu.memref_slice %arg5[%dma_wait3A_51] : memref<256xi32, #tpu.memory_space<vmem>> -> memref<16xi32, #tpu.memory_space<vmem>>
    %dma_wait3A_53 = arith.constant 0 : i32
    %dma_wait3A_54 = arith.constant 0 : i32
    %dma_wait3A_55 = tpu.memref_slice %arg3[%dma_wait3A_53, %dma_wait3A_54] : memref<1000x1024xf32, #tpu.memory_space<hbm>> -> memref<1000x1024xf32, #tpu.memory_space<hbm>>
    tpu.wait_indirect_dma semaphore(%arg8 : memref<!tpu.dma_semaphore, #tpu.memory_space<semaphore_mem>>) src(%dma_wait3A_55 : memref<1000x1024xf32, #tpu.memory_space<hbm>>) dst(%arg6 : memref<16x1024xf32, #tpu.memory_space<vmem>>)
    %add3A_56 = arith.constant 32 : i32
    %add3A_57 = arith.addi %multiple_of3A, %add3A_56 : i32
    %dma_start3A_58 = arith.constant 0 : i32
    %dma_start3A_59 = tpu.memref_slice %arg4[%add3A_57, %dma_start3A_58] : memref<8192x1024xf32, #tpu.memory_space<hbm>> -> memref<16x1024xf32, #tpu.memory_space<hbm>>
    %dma_start3A_60 = arith.constant 0 : i32
    %dma_start3A_61 = tpu.memref_slice %arg4[%add3A_57, %dma_start3A_60] : memref<8192x1024xf32, #tpu.memory_space<hbm>> -> memref<16x1024xf32, #tpu.memory_space<hbm>>
    tpu.enqueue_dma source(%arg6 : memref<16x1024xf32, #tpu.memory_space<vmem>>) target(%dma_start3A_61 : memref<16x1024xf32, #tpu.memory_space<hbm>>) target_semaphore(%arg10 : memref<!tpu.dma_semaphore, #tpu.memory_space<semaphore_mem>>)
    %dma_wait3A_62 = arith.constant 0 : i32
    %dma_wait3A_63 = tpu.memref_slice %arg4[%add3A_57, %dma_wait3A_62] : memref<8192x1024xf32, #tpu.memory_space<hbm>> -> memref<16x1024xf32, #tpu.memory_space<hbm>>
    %dma_wait3A_64 = arith.constant 0 : i32
    %dma_wait3A_65 = tpu.memref_slice %arg4[%add3A_57, %dma_wait3A_64] : memref<8192x1024xf32, #tpu.memory_space<hbm>> -> memref<16x1024xf32, #tpu.memory_space<hbm>>
    tpu.wait_dma2 semaphore(%arg10 : memref<!tpu.dma_semaphore, #tpu.memory_space<semaphore_mem>>) src(%arg6 : memref<16x1024xf32, #tpu.memory_space<vmem>>) dst(%dma_wait3A_65 : memref<16x1024xf32, #tpu.memory_space<hbm>>)
    %dma_start3A_66 = arith.constant 64 : i32
    %dma_start3A_67 = tpu.memref_slice %arg5[%dma_start3A_66] : memref<256xi32, #tpu.memory_space<vmem>> -> memref<16xi32, #tpu.memory_space<vmem>>
    %dma_start3A_68 = arith.constant 0 : i32
    %dma_start3A_69 = arith.constant 0 : i32
    %dma_start3A_70 = tpu.memref_slice %arg3[%dma_start3A_68, %dma_start3A_69] : memref<1000x1024xf32, #tpu.memory_space<hbm>> -> memref<1000x1024xf32, #tpu.memory_space<hbm>>
    tpu.enqueue_indirect_dma source(%dma_start3A_70 : memref<1000x1024xf32, #tpu.memory_space<hbm>>) target(%arg6 : memref<16x1024xf32, #tpu.memory_space<vmem>>) offsets(%dma_start3A_67 : memref<16xi32, #tpu.memory_space<vmem>>) semaphore(%arg8 : memref<!tpu.dma_semaphore, #tpu.memory_space<semaphore_mem>>)
    %dma_wait3A_71 = arith.constant 48 : i32
    %dma_wait3A_72 = tpu.memref_slice %arg5[%dma_wait3A_71] : memref<256xi32, #tpu.memory_space<vmem>> -> memref<16xi32, #tpu.memory_space<vmem>>
    %dma_wait3A_73 = arith.constant 0 : i32
    %dma_wait3A_74 = arith.constant 0 : i32
    %dma_wait3A_75 = tpu.memref_slice %arg3[%dma_wait3A_73, %dma_wait3A_74] : memref<1000x1024xf32, #tpu.memory_space<hbm>> -> memref<1000x1024xf32, #tpu.memory_space<hbm>>
    tpu.wait_indirect_dma semaphore(%arg9 : memref<!tpu.dma_semaphore, #tpu.memory_space<semaphore_mem>>) src(%dma_wait3A_75 : memref<1000x1024xf32, #tpu.memory_space<hbm>>) dst(%arg7 : memref<16x1024xf32, #tpu.memory_space<vmem>>)
    %add3A_76 = arith.constant 48 : i32
    %add3A_77 = arith.addi %multiple_of3A, %add3A_76 : i32
    %dma_start3A_78 = arith.constant 0 : i32
    %dma_start3A_79 = tpu.memref_slice %arg4[%add3A_77, %dma_start3A_78] : memref<8192x1024xf32, #tpu.memory_space<hbm>> -> memref<16x1024xf32, #tpu.memory_space<hbm>>
    %dma_start3A_80 = arith.constant 0 : i32
    %dma_start3A_81 = tpu.memref_slice %arg4[%add3A_77, %dma_start3A_80] : memref<8192x1024xf32, #tpu.memory_space<hbm>> -> memref<16x1024xf32, #tpu.memory_space<hbm>>
    tpu.enqueue_dma source(%arg7 : memref<16x1024xf32, #tpu.memory_space<vmem>>) target(%dma_start3A_81 : memref<16x1024xf32, #tpu.memory_space<hbm>>) target_semaphore(%arg11 : memref<!tpu.dma_semaphore, #tpu.memory_space<semaphore_mem>>)
    %dma_wait3A_82 = arith.constant 0 : i32
    %dma_wait3A_83 = tpu.memref_slice %arg4[%add3A_77, %dma_wait3A_82] : memref<8192x1024xf32, #tpu.memory_space<hbm>> -> memref<16x1024xf32, #tpu.memory_space<hbm>>
    %dma_wait3A_84 = arith.constant 0 : i32
    %dma_wait3A_85 = tpu.memref_slice %arg4[%add3A_77, %dma_wait3A_84] : memref<8192x1024xf32, #tpu.memory_space<hbm>> -> memref<16x1024xf32, #tpu.memory_space<hbm>>
    tpu.wait_dma2 semaphore(%arg11 : memref<!tpu.dma_semaphore, #tpu.memory_space<semaphore_mem>>) src(%arg7 : memref<16x1024xf32, #tpu.memory_space<vmem>>) dst(%dma_wait3A_85 : memref<16x1024xf32, #tpu.memory_space<hbm>>)
    %dma_start3A_86 = arith.constant 80 : i32
    %dma_start3A_87 = tpu.memref_slice %arg5[%dma_start3A_86] : memref<256xi32, #tpu.memory_space<vmem>> -> memref<16xi32, #tpu.memory_space<vmem>>
    %dma_start3A_88 = arith.constant 0 : i32
    %dma_start3A_89 = arith.constant 0 : i32
    %dma_start3A_90 = tpu.memref_slice %arg3[%dma_start3A_88, %dma_start3A_89] : memref<1000x1024xf32, #tpu.memory_space<hbm>> -> memref<1000x1024xf32, #tpu.memory_space<hbm>>
    tpu.enqueue_indirect_dma source(%dma_start3A_90 : memref<1000x1024xf32, #tpu.memory_space<hbm>>) target(%arg7 : memref<16x1024xf32, #tpu.memory_space<vmem>>) offsets(%dma_start3A_87 : memref<16xi32, #tpu.memory_space<vmem>>) semaphore(%arg9 : memref<!tpu.dma_semaphore, #tpu.memory_space<semaphore_mem>>)
    %dma_wait3A_91 = arith.constant 64 : i32
    %dma_wait3A_92 = tpu.memref_slice %arg5[%dma_wait3A_91] : memref<256xi32, #tpu.memory_space<vmem>> -> memref<16xi32, #tpu.memory_space<vmem>>
    %dma_wait3A_93 = arith.constant 0 : i32
    %dma_wait3A_94 = arith.constant 0 : i32
    %dma_wait3A_95 = tpu.memref_slice %arg3[%dma_wait3A_93, %dma_wait3A_94] : memref<1000x1024xf32, #tpu.memory_space<hbm>> -> memref<1000x1024xf32, #tpu.memory_space<hbm>>
    tpu.wait_indirect_dma semaphore(%arg8 : memref<!tpu.dma_semaphore, #tpu.memory_space<semaphore_mem>>) src(%dma_wait3A_95 : memref<1000x1024xf32, #tpu.memory_space<hbm>>) dst(%arg6 : memref<16x1024xf32, #tpu.memory_space<vmem>>)
    %add3A_96 = arith.constant 64 : i32
    %add3A_97 = arith.addi %multiple_of3A, %add3A_96 : i32
    %dma_start3A_98 = arith.constant 0 : i32
    %dma_start3A_99 = tpu.memref_slice %arg4[%add3A_97, %dma_start3A_98] : memref<8192x1024xf32, #tpu.memory_space<hbm>> -> memref<16x1024xf32, #tpu.memory_space<hbm>>
    %dma_start3A_100 = arith.constant 0 : i32
    %dma_start3A_101 = tpu.memref_slice %arg4[%add3A_97, %dma_start3A_100] : memref<8192x1024xf32, #tpu.memory_space<hbm>> -> memref<16x1024xf32, #tpu.memory_space<hbm>>
    tpu.enqueue_dma source(%arg6 : memref<16x1024xf32, #tpu.memory_space<vmem>>) target(%dma_start3A_101 : memref<16x1024xf32, #tpu.memory_space<hbm>>) target_semaphore(%arg10 : memref<!tpu.dma_semaphore, #tpu.memory_space<semaphore_mem>>)
    %dma_wait3A_102 = arith.constant 0 : i32
    %dma_wait3A_103 = tpu.memref_slice %arg4[%add3A_97, %dma_wait3A_102] : memref<8192x1024xf32, #tpu.memory_space<hbm>> -> memref<16x1024xf32, #tpu.memory_space<hbm>>
    %dma_wait3A_104 = arith.constant 0 : i32
    %dma_wait3A_105 = tpu.memref_slice %arg4[%add3A_97, %dma_wait3A_104] : memref<8192x1024xf32, #tpu.memory_space<hbm>> -> memref<16x1024xf32, #tpu.memory_space<hbm>>
    tpu.wait_dma2 semaphore(%arg10 : memref<!tpu.dma_semaphore, #tpu.memory_space<semaphore_mem>>) src(%arg6 : memref<16x1024xf32, #tpu.memory_space<vmem>>) dst(%dma_wait3A_105 : memref<16x1024xf32, #tpu.memory_space<hbm>>)
    %dma_start3A_106 = arith.constant 96 : i32
    %dma_start3A_107 = tpu.memref_slice %arg5[%dma_start3A_106] : memref<256xi32, #tpu.memory_space<vmem>> -> memref<16xi32, #tpu.memory_space<vmem>>
    %dma_start3A_108 = arith.constant 0 : i32
    %dma_start3A_109 = arith.constant 0 : i32
    %dma_start3A_110 = tpu.memref_slice %arg3[%dma_start3A_108, %dma_start3A_109] : memref<1000x1024xf32, #tpu.memory_space<hbm>> -> memref<1000x1024xf32, #tpu.memory_space<hbm>>
    tpu.enqueue_indirect_dma source(%dma_start3A_110 : memref<1000x1024xf32, #tpu.memory_space<hbm>>) target(%arg6 : memref<16x1024xf32, #tpu.memory_space<vmem>>) offsets(%dma_start3A_107 : memref<16xi32, #tpu.memory_space<vmem>>) semaphore(%arg8 : memref<!tpu.dma_semaphore, #tpu.memory_space<semaphore_mem>>)
    %dma_wait3A_111 = arith.constant 80 : i32
    %dma_wait3A_112 = tpu.memref_slice %arg5[%dma_wait3A_111] : memref<256xi32, #tpu.memory_space<vmem>> -> memref<16xi32, #tpu.memory_space<vmem>>
    %dma_wait3A_113 = arith.constant 0 : i32
    %dma_wait3A_114 = arith.constant 0 : i32
    %dma_wait3A_115 = tpu.memref_slice %arg3[%dma_wait3A_113, %dma_wait3A_114] : memref<1000x1024xf32, #tpu.memory_space<hbm>> -> memref<1000x1024xf32, #tpu.memory_space<hbm>>
    tpu.wait_indirect_dma semaphore(%arg9 : memref<!tpu.dma_semaphore, #tpu.memory_space<semaphore_mem>>) src(%dma_wait3A_115 : memref<1000x1024xf32, #tpu.memory_space<hbm>>) dst(%arg7 : memref<16x1024xf32, #tpu.memory_space<vmem>>)
    %add3A_116 = arith.constant 80 : i32
    %add3A_117 = arith.addi %multiple_of3A, %add3A_116 : i32
    %dma_start3A_118 = arith.constant 0 : i32
    %dma_start3A_119 = tpu.memref_slice %arg4[%add3A_117, %dma_start3A_118] : memref<8192x1024xf32, #tpu.memory_space<hbm>> -> memref<16x1024xf32, #tpu.memory_space<hbm>>
    %dma_start3A_120 = arith.constant 0 : i32
    %dma_start3A_121 = tpu.memref_slice %arg4[%add3A_117, %dma_start3A_120] : memref<8192x1024xf32, #tpu.memory_space<hbm>> -> memref<16x1024xf32, #tpu.memory_space<hbm>>
    tpu.enqueue_dma source(%arg7 : memref<16x1024xf32, #tpu.memory_space<vmem>>) target(%dma_start3A_121 : memref<16x1024xf32, #tpu.memory_space<hbm>>) target_semaphore(%arg11 : memref<!tpu.dma_semaphore, #tpu.memory_space<semaphore_mem>>)
    %dma_wait3A_122 = arith.constant 0 : i32
    %dma_wait3A_123 = tpu.memref_slice %arg4[%add3A_117, %dma_wait3A_122] : memref<8192x1024xf32, #tpu.memory_space<hbm>> -> memref<16x1024xf32, #tpu.memory_space<hbm>>
    %dma_wait3A_124 = arith.constant 0 : i32
    %dma_wait3A_125 = tpu.memref_slice %arg4[%add3A_117, %dma_wait3A_124] : memref<8192x1024xf32, #tpu.memory_space<hbm>> -> memref<16x1024xf32, #tpu.memory_space<hbm>>
    tpu.wait_dma2 semaphore(%arg11 : memref<!tpu.dma_semaphore, #tpu.memory_space<semaphore_mem>>) src(%arg7 : memref<16x1024xf32, #tpu.memory_space<vmem>>) dst(%dma_wait3A_125 : memref<16x1024xf32, #tpu.memory_space<hbm>>)
    %dma_start3A_126 = arith.constant 112 : i32
    %dma_start3A_127 = tpu.memref_slice %arg5[%dma_start3A_126] : memref<256xi32, #tpu.memory_space<vmem>> -> memref<16xi32, #tpu.memory_space<vmem>>
    %dma_start3A_128 = arith.constant 0 : i32
    %dma_start3A_129 = arith.constant 0 : i32
    %dma_start3A_130 = tpu.memref_slice %arg3[%dma_start3A_128, %dma_start3A_129] : memref<1000x1024xf32, #tpu.memory_space<hbm>> -> memref<1000x1024xf32, #tpu.memory_space<hbm>>
    tpu.enqueue_indirect_dma source(%dma_start3A_130 : memref<1000x1024xf32, #tpu.memory_space<hbm>>) target(%arg7 : memref<16x1024xf32, #tpu.memory_space<vmem>>) offsets(%dma_start3A_127 : memref<16xi32, #tpu.memory_space<vmem>>) semaphore(%arg9 : memref<!tpu.dma_semaphore, #tpu.memory_space<semaphore_mem>>)
    %dma_wait3A_131 = arith.constant 96 : i32
    %dma_wait3A_132 = tpu.memref_slice %arg5[%dma_wait3A_131] : memref<256xi32, #tpu.memory_space<vmem>> -> memref<16xi32, #tpu.memory_space<vmem>>
    %dma_wait3A_133 = arith.constant 0 : i32
    %dma_wait3A_134 = arith.constant 0 : i32
    %dma_wait3A_135 = tpu.memref_slice %arg3[%dma_wait3A_133, %dma_wait3A_134] : memref<1000x1024xf32, #tpu.memory_space<hbm>> -> memref<1000x1024xf32, #tpu.memory_space<hbm>>
    tpu.wait_indirect_dma semaphore(%arg8 : memref<!tpu.dma_semaphore, #tpu.memory_space<semaphore_mem>>) src(%dma_wait3A_135 : memref<1000x1024xf32, #tpu.memory_space<hbm>>) dst(%arg6 : memref<16x1024xf32, #tpu.memory_space<vmem>>)
    %add3A_136 = arith.constant 96 : i32
    %add3A_137 = arith.addi %multiple_of3A, %add3A_136 : i32
    %dma_start3A_138 = arith.constant 0 : i32
    %dma_start3A_139 = tpu.memref_slice %arg4[%add3A_137, %dma_start3A_138] : memref<8192x1024xf32, #tpu.memory_space<hbm>> -> memref<16x1024xf32, #tpu.memory_space<hbm>>
    %dma_start3A_140 = arith.constant 0 : i32
    %dma_start3A_141 = tpu.memref_slice %arg4[%add3A_137, %dma_start3A_140] : memref<8192x1024xf32, #tpu.memory_space<hbm>> -> memref<16x1024xf32, #tpu.memory_space<hbm>>
    tpu.enqueue_dma source(%arg6 : memref<16x1024xf32, #tpu.memory_space<vmem>>) target(%dma_start3A_141 : memref<16x1024xf32, #tpu.memory_space<hbm>>) target_semaphore(%arg10 : memref<!tpu.dma_semaphore, #tpu.memory_space<semaphore_mem>>)
    %dma_wait3A_142 = arith.constant 0 : i32
    %dma_wait3A_143 = tpu.memref_slice %arg4[%add3A_137, %dma_wait3A_142] : memref<8192x1024xf32, #tpu.memory_space<hbm>> -> memref<16x1024xf32, #tpu.memory_space<hbm>>
    %dma_wait3A_144 = arith.constant 0 : i32
    %dma_wait3A_145 = tpu.memref_slice %arg4[%add3A_137, %dma_wait3A_144] : memref<8192x1024xf32, #tpu.memory_space<hbm>> -> memref<16x1024xf32, #tpu.memory_space<hbm>>
    tpu.wait_dma2 semaphore(%arg10 : memref<!tpu.dma_semaphore, #tpu.memory_space<semaphore_mem>>) src(%arg6 : memref<16x1024xf32, #tpu.memory_space<vmem>>) dst(%dma_wait3A_145 : memref<16x1024xf32, #tpu.memory_space<hbm>>)
    %dma_start3A_146 = arith.constant 128 : i32
    %dma_start3A_147 = tpu.memref_slice %arg5[%dma_start3A_146] : memref<256xi32, #tpu.memory_space<vmem>> -> memref<16xi32, #tpu.memory_space<vmem>>
    %dma_start3A_148 = arith.constant 0 : i32
    %dma_start3A_149 = arith.constant 0 : i32
    %dma_start3A_150 = tpu.memref_slice %arg3[%dma_start3A_148, %dma_start3A_149] : memref<1000x1024xf32, #tpu.memory_space<hbm>> -> memref<1000x1024xf32, #tpu.memory_space<hbm>>
    tpu.enqueue_indirect_dma source(%dma_start3A_150 : memref<1000x1024xf32, #tpu.memory_space<hbm>>) target(%arg6 : memref<16x1024xf32, #tpu.memory_space<vmem>>) offsets(%dma_start3A_147 : memref<16xi32, #tpu.memory_space<vmem>>) semaphore(%arg8 : memref<!tpu.dma_semaphore, #tpu.memory_space<semaphore_mem>>)
    %dma_wait3A_151 = arith.constant 112 : i32
    %dma_wait3A_152 = tpu.memref_slice %arg5[%dma_wait3A_151] : memref<256xi32, #tpu.memory_space<vmem>> -> memref<16xi32, #tpu.memory_space<vmem>>
    %dma_wait3A_153 = arith.constant 0 : i32
    %dma_wait3A_154 = arith.constant 0 : i32
    %dma_wait3A_155 = tpu.memref_slice %arg3[%dma_wait3A_153, %dma_wait3A_154] : memref<1000x1024xf32, #tpu.memory_space<hbm>> -> memref<1000x1024xf32, #tpu.memory_space<hbm>>
    tpu.wait_indirect_dma semaphore(%arg9 : memref<!tpu.dma_semaphore, #tpu.memory_space<semaphore_mem>>) src(%dma_wait3A_155 : memref<1000x1024xf32, #tpu.memory_space<hbm>>) dst(%arg7 : memref<16x1024xf32, #tpu.memory_space<vmem>>)
    %add3A_156 = arith.constant 112 : i32
    %add3A_157 = arith.addi %multiple_of3A, %add3A_156 : i32
    %dma_start3A_158 = arith.constant 0 : i32
    %dma_start3A_159 = tpu.memref_slice %arg4[%add3A_157, %dma_start3A_158] : memref<8192x1024xf32, #tpu.memory_space<hbm>> -> memref<16x1024xf32, #tpu.memory_space<hbm>>
    %dma_start3A_160 = arith.constant 0 : i32
    %dma_start3A_161 = tpu.memref_slice %arg4[%add3A_157, %dma_start3A_160] : memref<8192x1024xf32, #tpu.memory_space<hbm>> -> memref<16x1024xf32, #tpu.memory_space<hbm>>
    tpu.enqueue_dma source(%arg7 : memref<16x1024xf32, #tpu.memory_space<vmem>>) target(%dma_start3A_161 : memref<16x1024xf32, #tpu.memory_space<hbm>>) target_semaphore(%arg11 : memref<!tpu.dma_semaphore, #tpu.memory_space<semaphore_mem>>)
    %dma_wait3A_162 = arith.constant 0 : i32
    %dma_wait3A_163 = tpu.memref_slice %arg4[%add3A_157, %dma_wait3A_162] : memref<8192x1024xf32, #tpu.memory_space<hbm>> -> memref<16x1024xf32, #tpu.memory_space<hbm>>
    %dma_wait3A_164 = arith.constant 0 : i32
    %dma_wait3A_165 = tpu.memref_slice %arg4[%add3A_157, %dma_wait3A_164] : memref<8192x1024xf32, #tpu.memory_space<hbm>> -> memref<16x1024xf32, #tpu.memory_space<hbm>>
    tpu.wait_dma2 semaphore(%arg11 : memref<!tpu.dma_semaphore, #tpu.memory_space<semaphore_mem>>) src(%arg7 : memref<16x1024xf32, #tpu.memory_space<vmem>>) dst(%dma_wait3A_165 : memref<16x1024xf32, #tpu.memory_space<hbm>>)
    %dma_start3A_166 = arith.constant 144 : i32
    %dma_start3A_167 = tpu.memref_slice %arg5[%dma_start3A_166] : memref<256xi32, #tpu.memory_space<vmem>> -> memref<16xi32, #tpu.memory_space<vmem>>
    %dma_start3A_168 = arith.constant 0 : i32
    %dma_start3A_169 = arith.constant 0 : i32
    %dma_start3A_170 = tpu.memref_slice %arg3[%dma_start3A_168, %dma_start3A_169] : memref<1000x1024xf32, #tpu.memory_space<hbm>> -> memref<1000x1024xf32, #tpu.memory_space<hbm>>
    tpu.enqueue_indirect_dma source(%dma_start3A_170 : memref<1000x1024xf32, #tpu.memory_space<hbm>>) target(%arg7 : memref<16x1024xf32, #tpu.memory_space<vmem>>) offsets(%dma_start3A_167 : memref<16xi32, #tpu.memory_space<vmem>>) semaphore(%arg9 : memref<!tpu.dma_semaphore, #tpu.memory_space<semaphore_mem>>)
    %dma_wait3A_171 = arith.constant 128 : i32
    %dma_wait3A_172 = tpu.memref_slice %arg5[%dma_wait3A_171] : memref<256xi32, #tpu.memory_space<vmem>> -> memref<16xi32, #tpu.memory_space<vmem>>
    %dma_wait3A_173 = arith.constant 0 : i32
    %dma_wait3A_174 = arith.constant 0 : i32
    %dma_wait3A_175 = tpu.memref_slice %arg3[%dma_wait3A_173, %dma_wait3A_174] : memref<1000x1024xf32, #tpu.memory_space<hbm>> -> memref<1000x1024xf32, #tpu.memory_space<hbm>>
    tpu.wait_indirect_dma semaphore(%arg8 : memref<!tpu.dma_semaphore, #tpu.memory_space<semaphore_mem>>) src(%dma_wait3A_175 : memref<1000x1024xf32, #tpu.memory_space<hbm>>) dst(%arg6 : memref<16x1024xf32, #tpu.memory_space<vmem>>)
    %add3A_176 = arith.constant 128 : i32
    %add3A_177 = arith.addi %multiple_of3A, %add3A_176 : i32
    %dma_start3A_178 = arith.constant 0 : i32
    %dma_start3A_179 = tpu.memref_slice %arg4[%add3A_177, %dma_start3A_178] : memref<8192x1024xf32, #tpu.memory_space<hbm>> -> memref<16x1024xf32, #tpu.memory_space<hbm>>
    %dma_start3A_180 = arith.constant 0 : i32
    %dma_start3A_181 = tpu.memref_slice %arg4[%add3A_177, %dma_start3A_180] : memref<8192x1024xf32, #tpu.memory_space<hbm>> -> memref<16x1024xf32, #tpu.memory_space<hbm>>
    tpu.enqueue_dma source(%arg6 : memref<16x1024xf32, #tpu.memory_space<vmem>>) target(%dma_start3A_181 : memref<16x1024xf32, #tpu.memory_space<hbm>>) target_semaphore(%arg10 : memref<!tpu.dma_semaphore, #tpu.memory_space<semaphore_mem>>)
    %dma_wait3A_182 = arith.constant 0 : i32
    %dma_wait3A_183 = tpu.memref_slice %arg4[%add3A_177, %dma_wait3A_182] : memref<8192x1024xf32, #tpu.memory_space<hbm>> -> memref<16x1024xf32, #tpu.memory_space<hbm>>
    %dma_wait3A_184 = arith.constant 0 : i32
    %dma_wait3A_185 = tpu.memref_slice %arg4[%add3A_177, %dma_wait3A_184] : memref<8192x1024xf32, #tpu.memory_space<hbm>> -> memref<16x1024xf32, #tpu.memory_space<hbm>>
    tpu.wait_dma2 semaphore(%arg10 : memref<!tpu.dma_semaphore, #tpu.memory_space<semaphore_mem>>) src(%arg6 : memref<16x1024xf32, #tpu.memory_space<vmem>>) dst(%dma_wait3A_185 : memref<16x1024xf32, #tpu.memory_space<hbm>>)
    %dma_start3A_186 = arith.constant 160 : i32
    %dma_start3A_187 = tpu.memref_slice %arg5[%dma_start3A_186] : memref<256xi32, #tpu.memory_space<vmem>> -> memref<16xi32, #tpu.memory_space<vmem>>
    %dma_start3A_188 = arith.constant 0 : i32
    %dma_start3A_189 = arith.constant 0 : i32
    %dma_start3A_190 = tpu.memref_slice %arg3[%dma_start3A_188, %dma_start3A_189] : memref<1000x1024xf32, #tpu.memory_space<hbm>> -> memref<1000x1024xf32, #tpu.memory_space<hbm>>
    tpu.enqueue_indirect_dma source(%dma_start3A_190 : memref<1000x1024xf32, #tpu.memory_space<hbm>>) target(%arg6 : memref<16x1024xf32, #tpu.memory_space<vmem>>) offsets(%dma_start3A_187 : memref<16xi32, #tpu.memory_space<vmem>>) semaphore(%arg8 : memref<!tpu.dma_semaphore, #tpu.memory_space<semaphore_mem>>)
    %dma_wait3A_191 = arith.constant 144 : i32
    %dma_wait3A_192 = tpu.memref_slice %arg5[%dma_wait3A_191] : memref<256xi32, #tpu.memory_space<vmem>> -> memref<16xi32, #tpu.memory_space<vmem>>
    %dma_wait3A_193 = arith.constant 0 : i32
    %dma_wait3A_194 = arith.constant 0 : i32
    %dma_wait3A_195 = tpu.memref_slice %arg3[%dma_wait3A_193, %dma_wait3A_194] : memref<1000x1024xf32, #tpu.memory_space<hbm>> -> memref<1000x1024xf32, #tpu.memory_space<hbm>>
    tpu.wait_indirect_dma semaphore(%arg9 : memref<!tpu.dma_semaphore, #tpu.memory_space<semaphore_mem>>) src(%dma_wait3A_195 : memref<1000x1024xf32, #tpu.memory_space<hbm>>) dst(%arg7 : memref<16x1024xf32, #tpu.memory_space<vmem>>)
    %add3A_196 = arith.constant 144 : i32
    %add3A_197 = arith.addi %multiple_of3A, %add3A_196 : i32
    %dma_start3A_198 = arith.constant 0 : i32
    %dma_start3A_199 = tpu.memref_slice %arg4[%add3A_197, %dma_start3A_198] : memref<8192x1024xf32, #tpu.memory_space<hbm>> -> memref<16x1024xf32, #tpu.memory_space<hbm>>
    %dma_start3A_200 = arith.constant 0 : i32
    %dma_start3A_201 = tpu.memref_slice %arg4[%add3A_197, %dma_start3A_200] : memref<8192x1024xf32, #tpu.memory_space<hbm>> -> memref<16x1024xf32, #tpu.memory_space<hbm>>
    tpu.enqueue_dma source(%arg7 : memref<16x1024xf32, #tpu.memory_space<vmem>>) target(%dma_start3A_201 : memref<16x1024xf32, #tpu.memory_space<hbm>>) target_semaphore(%arg11 : memref<!tpu.dma_semaphore, #tpu.memory_space<semaphore_mem>>)
    %dma_wait3A_202 = arith.constant 0 : i32
    %dma_wait3A_203 = tpu.memref_slice %arg4[%add3A_197, %dma_wait3A_202] : memref<8192x1024xf32, #tpu.memory_space<hbm>> -> memref<16x1024xf32, #tpu.memory_space<hbm>>
    %dma_wait3A_204 = arith.constant 0 : i32
    %dma_wait3A_205 = tpu.memref_slice %arg4[%add3A_197, %dma_wait3A_204] : memref<8192x1024xf32, #tpu.memory_space<hbm>> -> memref<16x1024xf32, #tpu.memory_space<hbm>>
    tpu.wait_dma2 semaphore(%arg11 : memref<!tpu.dma_semaphore, #tpu.memory_space<semaphore_mem>>) src(%arg7 : memref<16x1024xf32, #tpu.memory_space<vmem>>) dst(%dma_wait3A_205 : memref<16x1024xf32, #tpu.memory_space<hbm>>)
    %dma_start3A_206 = arith.constant 176 : i32
    %dma_start3A_207 = tpu.memref_slice %arg5[%dma_start3A_206] : memref<256xi32, #tpu.memory_space<vmem>> -> memref<16xi32, #tpu.memory_space<vmem>>
    %dma_start3A_208 = arith.constant 0 : i32
    %dma_start3A_209 = arith.constant 0 : i32
    %dma_start3A_210 = tpu.memref_slice %arg3[%dma_start3A_208, %dma_start3A_209] : memref<1000x1024xf32, #tpu.memory_space<hbm>> -> memref<1000x1024xf32, #tpu.memory_space<hbm>>
    tpu.enqueue_indirect_dma source(%dma_start3A_210 : memref<1000x1024xf32, #tpu.memory_space<hbm>>) target(%arg7 : memref<16x1024xf32, #tpu.memory_space<vmem>>) offsets(%dma_start3A_207 : memref<16xi32, #tpu.memory_space<vmem>>) semaphore(%arg9 : memref<!tpu.dma_semaphore, #tpu.memory_space<semaphore_mem>>)
    %dma_wait3A_211 = arith.constant 160 : i32
    %dma_wait3A_212 = tpu.memref_slice %arg5[%dma_wait3A_211] : memref<256xi32, #tpu.memory_space<vmem>> -> memref<16xi32, #tpu.memory_space<vmem>>
    %dma_wait3A_213 = arith.constant 0 : i32
    %dma_wait3A_214 = arith.constant 0 : i32
    %dma_wait3A_215 = tpu.memref_slice %arg3[%dma_wait3A_213, %dma_wait3A_214] : memref<1000x1024xf32, #tpu.memory_space<hbm>> -> memref<1000x1024xf32, #tpu.memory_space<hbm>>
    tpu.wait_indirect_dma semaphore(%arg8 : memref<!tpu.dma_semaphore, #tpu.memory_space<semaphore_mem>>) src(%dma_wait3A_215 : memref<1000x1024xf32, #tpu.memory_space<hbm>>) dst(%arg6 : memref<16x1024xf32, #tpu.memory_space<vmem>>)
    %add3A_216 = arith.constant 160 : i32
    %add3A_217 = arith.addi %multiple_of3A, %add3A_216 : i32
    %dma_start3A_218 = arith.constant 0 : i32
    %dma_start3A_219 = tpu.memref_slice %arg4[%add3A_217, %dma_start3A_218] : memref<8192x1024xf32, #tpu.memory_space<hbm>> -> memref<16x1024xf32, #tpu.memory_space<hbm>>
    %dma_start3A_220 = arith.constant 0 : i32
    %dma_start3A_221 = tpu.memref_slice %arg4[%add3A_217, %dma_start3A_220] : memref<8192x1024xf32, #tpu.memory_space<hbm>> -> memref<16x1024xf32, #tpu.memory_space<hbm>>
    tpu.enqueue_dma source(%arg6 : memref<16x1024xf32, #tpu.memory_space<vmem>>) target(%dma_start3A_221 : memref<16x1024xf32, #tpu.memory_space<hbm>>) target_semaphore(%arg10 : memref<!tpu.dma_semaphore, #tpu.memory_space<semaphore_mem>>)
    %dma_wait3A_222 = arith.constant 0 : i32
    %dma_wait3A_223 = tpu.memref_slice %arg4[%add3A_217, %dma_wait3A_222] : memref<8192x1024xf32, #tpu.memory_space<hbm>> -> memref<16x1024xf32, #tpu.memory_space<hbm>>
    %dma_wait3A_224 = arith.constant 0 : i32
    %dma_wait3A_225 = tpu.memref_slice %arg4[%add3A_217, %dma_wait3A_224] : memref<8192x1024xf32, #tpu.memory_space<hbm>> -> memref<16x1024xf32, #tpu.memory_space<hbm>>
    tpu.wait_dma2 semaphore(%arg10 : memref<!tpu.dma_semaphore, #tpu.memory_space<semaphore_mem>>) src(%arg6 : memref<16x1024xf32, #tpu.memory_space<vmem>>) dst(%dma_wait3A_225 : memref<16x1024xf32, #tpu.memory_space<hbm>>)
    %dma_start3A_226 = arith.constant 192 : i32
    %dma_start3A_227 = tpu.memref_slice %arg5[%dma_start3A_226] : memref<256xi32, #tpu.memory_space<vmem>> -> memref<16xi32, #tpu.memory_space<vmem>>
    %dma_start3A_228 = arith.constant 0 : i32
    %dma_start3A_229 = arith.constant 0 : i32
    %dma_start3A_230 = tpu.memref_slice %arg3[%dma_start3A_228, %dma_start3A_229] : memref<1000x1024xf32, #tpu.memory_space<hbm>> -> memref<1000x1024xf32, #tpu.memory_space<hbm>>
    tpu.enqueue_indirect_dma source(%dma_start3A_230 : memref<1000x1024xf32, #tpu.memory_space<hbm>>) target(%arg6 : memref<16x1024xf32, #tpu.memory_space<vmem>>) offsets(%dma_start3A_227 : memref<16xi32, #tpu.memory_space<vmem>>) semaphore(%arg8 : memref<!tpu.dma_semaphore, #tpu.memory_space<semaphore_mem>>)
    %dma_wait3A_231 = arith.constant 176 : i32
    %dma_wait3A_232 = tpu.memref_slice %arg5[%dma_wait3A_231] : memref<256xi32, #tpu.memory_space<vmem>> -> memref<16xi32, #tpu.memory_space<vmem>>
    %dma_wait3A_233 = arith.constant 0 : i32
    %dma_wait3A_234 = arith.constant 0 : i32
    %dma_wait3A_235 = tpu.memref_slice %arg3[%dma_wait3A_233, %dma_wait3A_234] : memref<1000x1024xf32, #tpu.memory_space<hbm>> -> memref<1000x1024xf32, #tpu.memory_space<hbm>>
    tpu.wait_indirect_dma semaphore(%arg9 : memref<!tpu.dma_semaphore, #tpu.memory_space<semaphore_mem>>) src(%dma_wait3A_235 : memref<1000x1024xf32, #tpu.memory_space<hbm>>) dst(%arg7 : memref<16x1024xf32, #tpu.memory_space<vmem>>)
    %add3A_236 = arith.constant 176 : i32
    %add3A_237 = arith.addi %multiple_of3A, %add3A_236 : i32
    %dma_start3A_238 = arith.constant 0 : i32
    %dma_start3A_239 = tpu.memref_slice %arg4[%add3A_237, %dma_start3A_238] : memref<8192x1024xf32, #tpu.memory_space<hbm>> -> memref<16x1024xf32, #tpu.memory_space<hbm>>
    %dma_start3A_240 = arith.constant 0 : i32
    %dma_start3A_241 = tpu.memref_slice %arg4[%add3A_237, %dma_start3A_240] : memref<8192x1024xf32, #tpu.memory_space<hbm>> -> memref<16x1024xf32, #tpu.memory_space<hbm>>
    tpu.enqueue_dma source(%arg7 : memref<16x1024xf32, #tpu.memory_space<vmem>>) target(%dma_start3A_241 : memref<16x1024xf32, #tpu.memory_space<hbm>>) target_semaphore(%arg11 : memref<!tpu.dma_semaphore, #tpu.memory_space<semaphore_mem>>)
    %dma_wait3A_242 = arith.constant 0 : i32
    %dma_wait3A_243 = tpu.memref_slice %arg4[%add3A_237, %dma_wait3A_242] : memref<8192x1024xf32, #tpu.memory_space<hbm>> -> memref<16x1024xf32, #tpu.memory_space<hbm>>
    %dma_wait3A_244 = arith.constant 0 : i32
    %dma_wait3A_245 = tpu.memref_slice %arg4[%add3A_237, %dma_wait3A_244] : memref<8192x1024xf32, #tpu.memory_space<hbm>> -> memref<16x1024xf32, #tpu.memory_space<hbm>>
    tpu.wait_dma2 semaphore(%arg11 : memref<!tpu.dma_semaphore, #tpu.memory_space<semaphore_mem>>) src(%arg7 : memref<16x1024xf32, #tpu.memory_space<vmem>>) dst(%dma_wait3A_245 : memref<16x1024xf32, #tpu.memory_space<hbm>>)
    %dma_start3A_246 = arith.constant 208 : i32
    %dma_start3A_247 = tpu.memref_slice %arg5[%dma_start3A_246] : memref<256xi32, #tpu.memory_space<vmem>> -> memref<16xi32, #tpu.memory_space<vmem>>
    %dma_start3A_248 = arith.constant 0 : i32
    %dma_start3A_249 = arith.constant 0 : i32
    %dma_start3A_250 = tpu.memref_slice %arg3[%dma_start3A_248, %dma_start3A_249] : memref<1000x1024xf32, #tpu.memory_space<hbm>> -> memref<1000x1024xf32, #tpu.memory_space<hbm>>
    tpu.enqueue_indirect_dma source(%dma_start3A_250 : memref<1000x1024xf32, #tpu.memory_space<hbm>>) target(%arg7 : memref<16x1024xf32, #tpu.memory_space<vmem>>) offsets(%dma_start3A_247 : memref<16xi32, #tpu.memory_space<vmem>>) semaphore(%arg9 : memref<!tpu.dma_semaphore, #tpu.memory_space<semaphore_mem>>)
    %dma_wait3A_251 = arith.constant 192 : i32
    %dma_wait3A_252 = tpu.memref_slice %arg5[%dma_wait3A_251] : memref<256xi32, #tpu.memory_space<vmem>> -> memref<16xi32, #tpu.memory_space<vmem>>
    %dma_wait3A_253 = arith.constant 0 : i32
    %dma_wait3A_254 = arith.constant 0 : i32
    %dma_wait3A_255 = tpu.memref_slice %arg3[%dma_wait3A_253, %dma_wait3A_254] : memref<1000x1024xf32, #tpu.memory_space<hbm>> -> memref<1000x1024xf32, #tpu.memory_space<hbm>>
    tpu.wait_indirect_dma semaphore(%arg8 : memref<!tpu.dma_semaphore, #tpu.memory_space<semaphore_mem>>) src(%dma_wait3A_255 : memref<1000x1024xf32, #tpu.memory_space<hbm>>) dst(%arg6 : memref<16x1024xf32, #tpu.memory_space<vmem>>)
    %add3A_256 = arith.constant 192 : i32
    %add3A_257 = arith.addi %multiple_of3A, %add3A_256 : i32
    %dma_start3A_258 = arith.constant 0 : i32
    %dma_start3A_259 = tpu.memref_slice %arg4[%add3A_257, %dma_start3A_258] : memref<8192x1024xf32, #tpu.memory_space<hbm>> -> memref<16x1024xf32, #tpu.memory_space<hbm>>
    %dma_start3A_260 = arith.constant 0 : i32
    %dma_start3A_261 = tpu.memref_slice %arg4[%add3A_257, %dma_start3A_260] : memref<8192x1024xf32, #tpu.memory_space<hbm>> -> memref<16x1024xf32, #tpu.memory_space<hbm>>
    tpu.enqueue_dma source(%arg6 : memref<16x1024xf32, #tpu.memory_space<vmem>>) target(%dma_start3A_261 : memref<16x1024xf32, #tpu.memory_space<hbm>>) target_semaphore(%arg10 : memref<!tpu.dma_semaphore, #tpu.memory_space<semaphore_mem>>)
    %dma_wait3A_262 = arith.constant 0 : i32
    %dma_wait3A_263 = tpu.memref_slice %arg4[%add3A_257, %dma_wait3A_262] : memref<8192x1024xf32, #tpu.memory_space<hbm>> -> memref<16x1024xf32, #tpu.memory_space<hbm>>
    %dma_wait3A_264 = arith.constant 0 : i32
    %dma_wait3A_265 = tpu.memref_slice %arg4[%add3A_257, %dma_wait3A_264] : memref<8192x1024xf32, #tpu.memory_space<hbm>> -> memref<16x1024xf32, #tpu.memory_space<hbm>>
    tpu.wait_dma2 semaphore(%arg10 : memref<!tpu.dma_semaphore, #tpu.memory_space<semaphore_mem>>) src(%arg6 : memref<16x1024xf32, #tpu.memory_space<vmem>>) dst(%dma_wait3A_265 : memref<16x1024xf32, #tpu.memory_space<hbm>>)
    %dma_start3A_266 = arith.constant 224 : i32
    %dma_start3A_267 = tpu.memref_slice %arg5[%dma_start3A_266] : memref<256xi32, #tpu.memory_space<vmem>> -> memref<16xi32, #tpu.memory_space<vmem>>
    %dma_start3A_268 = arith.constant 0 : i32
    %dma_start3A_269 = arith.constant 0 : i32
    %dma_start3A_270 = tpu.memref_slice %arg3[%dma_start3A_268, %dma_start3A_269] : memref<1000x1024xf32, #tpu.memory_space<hbm>> -> memref<1000x1024xf32, #tpu.memory_space<hbm>>
    tpu.enqueue_indirect_dma source(%dma_start3A_270 : memref<1000x1024xf32, #tpu.memory_space<hbm>>) target(%arg6 : memref<16x1024xf32, #tpu.memory_space<vmem>>) offsets(%dma_start3A_267 : memref<16xi32, #tpu.memory_space<vmem>>) semaphore(%arg8 : memref<!tpu.dma_semaphore, #tpu.memory_space<semaphore_mem>>)
    %dma_wait3A_271 = arith.constant 208 : i32
    %dma_wait3A_272 = tpu.memref_slice %arg5[%dma_wait3A_271] : memref<256xi32, #tpu.memory_space<vmem>> -> memref<16xi32, #tpu.memory_space<vmem>>
    %dma_wait3A_273 = arith.constant 0 : i32
    %dma_wait3A_274 = arith.constant 0 : i32
    %dma_wait3A_275 = tpu.memref_slice %arg3[%dma_wait3A_273, %dma_wait3A_274] : memref<1000x1024xf32, #tpu.memory_space<hbm>> -> memref<1000x1024xf32, #tpu.memory_space<hbm>>
    tpu.wait_indirect_dma semaphore(%arg9 : memref<!tpu.dma_semaphore, #tpu.memory_space<semaphore_mem>>) src(%dma_wait3A_275 : memref<1000x1024xf32, #tpu.memory_space<hbm>>) dst(%arg7 : memref<16x1024xf32, #tpu.memory_space<vmem>>)
    %add3A_276 = arith.constant 208 : i32
    %add3A_277 = arith.addi %multiple_of3A, %add3A_276 : i32
    %dma_start3A_278 = arith.constant 0 : i32
    %dma_start3A_279 = tpu.memref_slice %arg4[%add3A_277, %dma_start3A_278] : memref<8192x1024xf32, #tpu.memory_space<hbm>> -> memref<16x1024xf32, #tpu.memory_space<hbm>>
    %dma_start3A_280 = arith.constant 0 : i32
    %dma_start3A_281 = tpu.memref_slice %arg4[%add3A_277, %dma_start3A_280] : memref<8192x1024xf32, #tpu.memory_space<hbm>> -> memref<16x1024xf32, #tpu.memory_space<hbm>>
    tpu.enqueue_dma source(%arg7 : memref<16x1024xf32, #tpu.memory_space<vmem>>) target(%dma_start3A_281 : memref<16x1024xf32, #tpu.memory_space<hbm>>) target_semaphore(%arg11 : memref<!tpu.dma_semaphore, #tpu.memory_space<semaphore_mem>>)
    %dma_wait3A_282 = arith.constant 0 : i32
    %dma_wait3A_283 = tpu.memref_slice %arg4[%add3A_277, %dma_wait3A_282] : memref<8192x1024xf32, #tpu.memory_space<hbm>> -> memref<16x1024xf32, #tpu.memory_space<hbm>>
    %dma_wait3A_284 = arith.constant 0 : i32
    %dma_wait3A_285 = tpu.memref_slice %arg4[%add3A_277, %dma_wait3A_284] : memref<8192x1024xf32, #tpu.memory_space<hbm>> -> memref<16x1024xf32, #tpu.memory_space<hbm>>
    tpu.wait_dma2 semaphore(%arg11 : memref<!tpu.dma_semaphore, #tpu.memory_space<semaphore_mem>>) src(%arg7 : memref<16x1024xf32, #tpu.memory_space<vmem>>) dst(%dma_wait3A_285 : memref<16x1024xf32, #tpu.memory_space<hbm>>)
    %dma_start3A_286 = arith.constant 240 : i32
    %dma_start3A_287 = tpu.memref_slice %arg5[%dma_start3A_286] : memref<256xi32, #tpu.memory_space<vmem>> -> memref<16xi32, #tpu.memory_space<vmem>>
    %dma_start3A_288 = arith.constant 0 : i32
    %dma_start3A_289 = arith.constant 0 : i32
    %dma_start3A_290 = tpu.memref_slice %arg3[%dma_start3A_288, %dma_start3A_289] : memref<1000x1024xf32, #tpu.memory_space<hbm>> -> memref<1000x1024xf32, #tpu.memory_space<hbm>>
    tpu.enqueue_indirect_dma source(%dma_start3A_290 : memref<1000x1024xf32, #tpu.memory_space<hbm>>) target(%arg7 : memref<16x1024xf32, #tpu.memory_space<vmem>>) offsets(%dma_start3A_287 : memref<16xi32, #tpu.memory_space<vmem>>) semaphore(%arg9 : memref<!tpu.dma_semaphore, #tpu.memory_space<semaphore_mem>>)
    %dma_wait3A_291 = arith.constant 224 : i32
    %dma_wait3A_292 = tpu.memref_slice %arg5[%dma_wait3A_291] : memref<256xi32, #tpu.memory_space<vmem>> -> memref<16xi32, #tpu.memory_space<vmem>>
    %dma_wait3A_293 = arith.constant 0 : i32
    %dma_wait3A_294 = arith.constant 0 : i32
    %dma_wait3A_295 = tpu.memref_slice %arg3[%dma_wait3A_293, %dma_wait3A_294] : memref<1000x1024xf32, #tpu.memory_space<hbm>> -> memref<1000x1024xf32, #tpu.memory_space<hbm>>
    tpu.wait_indirect_dma semaphore(%arg8 : memref<!tpu.dma_semaphore, #tpu.memory_space<semaphore_mem>>) src(%dma_wait3A_295 : memref<1000x1024xf32, #tpu.memory_space<hbm>>) dst(%arg6 : memref<16x1024xf32, #tpu.memory_space<vmem>>)
    %add3A_296 = arith.constant 224 : i32
    %add3A_297 = arith.addi %multiple_of3A, %add3A_296 : i32
    %dma_start3A_298 = arith.constant 0 : i32
    %dma_start3A_299 = tpu.memref_slice %arg4[%add3A_297, %dma_start3A_298] : memref<8192x1024xf32, #tpu.memory_space<hbm>> -> memref<16x1024xf32, #tpu.memory_space<hbm>>
    %dma_start3A_300 = arith.constant 0 : i32
    %dma_start3A_301 = tpu.memref_slice %arg4[%add3A_297, %dma_start3A_300] : memref<8192x1024xf32, #tpu.memory_space<hbm>> -> memref<16x1024xf32, #tpu.memory_space<hbm>>
    tpu.enqueue_dma source(%arg6 : memref<16x1024xf32, #tpu.memory_space<vmem>>) target(%dma_start3A_301 : memref<16x1024xf32, #tpu.memory_space<hbm>>) target_semaphore(%arg10 : memref<!tpu.dma_semaphore, #tpu.memory_space<semaphore_mem>>)
    %dma_wait3A_302 = arith.constant 240 : i32
    %dma_wait3A_303 = tpu.memref_slice %arg5[%dma_wait3A_302] : memref<256xi32, #tpu.memory_space<vmem>> -> memref<16xi32, #tpu.memory_space<vmem>>
    %dma_wait3A_304 = arith.constant 0 : i32
    %dma_wait3A_305 = arith.constant 0 : i32
    %dma_wait3A_306 = tpu.memref_slice %arg3[%dma_wait3A_304, %dma_wait3A_305] : memref<1000x1024xf32, #tpu.memory_space<hbm>> -> memref<1000x1024xf32, #tpu.memory_space<hbm>>
    tpu.wait_indirect_dma semaphore(%arg9 : memref<!tpu.dma_semaphore, #tpu.memory_space<semaphore_mem>>) src(%dma_wait3A_306 : memref<1000x1024xf32, #tpu.memory_space<hbm>>) dst(%arg7 : memref<16x1024xf32, #tpu.memory_space<vmem>>)
    %add3A_307 = arith.constant 240 : i32
    %add3A_308 = arith.addi %multiple_of3A, %add3A_307 : i32
    %dma_start3A_309 = arith.constant 0 : i32
    %dma_start3A_310 = tpu.memref_slice %arg4[%add3A_308, %dma_start3A_309] : memref<8192x1024xf32, #tpu.memory_space<hbm>> -> memref<16x1024xf32, #tpu.memory_space<hbm>>
    %dma_start3A_311 = arith.constant 0 : i32
    %dma_start3A_312 = tpu.memref_slice %arg4[%add3A_308, %dma_start3A_311] : memref<8192x1024xf32, #tpu.memory_space<hbm>> -> memref<16x1024xf32, #tpu.memory_space<hbm>>
    tpu.enqueue_dma source(%arg7 : memref<16x1024xf32, #tpu.memory_space<vmem>>) target(%dma_start3A_312 : memref<16x1024xf32, #tpu.memory_space<hbm>>) target_semaphore(%arg11 : memref<!tpu.dma_semaphore, #tpu.memory_space<semaphore_mem>>)
    %dma_wait3A_313 = arith.constant 0 : i32
    %dma_wait3A_314 = tpu.memref_slice %arg4[%add3A_297, %dma_wait3A_313] : memref<8192x1024xf32, #tpu.memory_space<hbm>> -> memref<16x1024xf32, #tpu.memory_space<hbm>>
    %dma_wait3A_315 = arith.constant 0 : i32
    %dma_wait3A_316 = tpu.memref_slice %arg4[%add3A_297, %dma_wait3A_315] : memref<8192x1024xf32, #tpu.memory_space<hbm>> -> memref<16x1024xf32, #tpu.memory_space<hbm>>
    tpu.wait_dma2 semaphore(%arg10 : memref<!tpu.dma_semaphore, #tpu.memory_space<semaphore_mem>>) src(%arg6 : memref<16x1024xf32, #tpu.memory_space<vmem>>) dst(%dma_wait3A_316 : memref<16x1024xf32, #tpu.memory_space<hbm>>)
    %dma_wait3A_317 = arith.constant 0 : i32
    %dma_wait3A_318 = tpu.memref_slice %arg4[%add3A_308, %dma_wait3A_317] : memref<8192x1024xf32, #tpu.memory_space<hbm>> -> memref<16x1024xf32, #tpu.memory_space<hbm>>
    %dma_wait3A_319 = arith.constant 0 : i32
    %dma_wait3A_320 = tpu.memref_slice %arg4[%add3A_308, %dma_wait3A_319] : memref<8192x1024xf32, #tpu.memory_space<hbm>> -> memref<16x1024xf32, #tpu.memory_space<hbm>>
    tpu.wait_dma2 semaphore(%arg11 : memref<!tpu.dma_semaphore, #tpu.memory_space<semaphore_mem>>) src(%arg7 : memref<16x1024xf32, #tpu.memory_space<vmem>>) dst(%dma_wait3A_320 : memref<16x1024xf32, #tpu.memory_space<hbm>>)
    return
  }
}

#map = affine_map<(d0, d1) -> (0)>
#map1 = affine_map<(d0, d1) -> (0, 0)>
module attributes {stable_mosaic.version = 14 : i64} {
  func.func @_sc_ent_body(%arg0: i32, %arg1: i32, %arg2: memref<16384xi32, #tpu.memory_space<hbm>>, %arg3: memref<1000000x32xf32, #tpu.memory_space<hbm>>, %arg4: memref<16384x32xf32, #tpu.memory_space<hbm>>, %arg5: memref<512xi32, #tpu.memory_space<vmem>>, %arg6: memref<512x32xf32, #tpu.memory_space<vmem>>, %arg7: memref<!tpu.dma_semaphore, #tpu.memory_space<semaphore_mem>>) attributes {dimension_semantics = [#tpu.dimension_semantics<core_parallel>, #tpu.dimension_semantics<subcore_parallel>], iteration_bounds = array<i64: 2, 16>, scalar_prefetch = 0 : i64, scratch_operands = 3 : i64, tpu.core_type = #tpu.core_type<sc_vector_subcore>, window_params = [{transform_indices = #map}, {transform_indices = #map1}, {transform_indices = #map1}]} {
    %mul3A = arith.constant 2 : i32
    %mul3A_0 = arith.muli %arg1, %mul3A : i32
    %add3A = arith.addi %mul3A_0, %arg0 : i32
    %mul3A_1 = arith.constant 512 : i32
    %mul3A_2 = arith.muli %add3A, %mul3A_1 : i32
    %multiple_of3A = tpu.assume_multiple %mul3A_2, 512 : i32
    "tpu.region"() ({
      %run_scoped3A = tpu.sem_alloc : memref<!tpu.dma_semaphore, #tpu.memory_space<semaphore_mem>>
      %dma_start3A = tpu.memref_slice %arg2[%multiple_of3A] : memref<16384xi32, #tpu.memory_space<hbm>> -> memref<512xi32, #tpu.memory_space<hbm>>
      %dma_start3A_8 = tpu.memref_slice %arg2[%multiple_of3A] : memref<16384xi32, #tpu.memory_space<hbm>> -> memref<512xi32, #tpu.memory_space<hbm>>
      tpu.enqueue_dma source(%dma_start3A_8 : memref<512xi32, #tpu.memory_space<hbm>>) target(%arg5 : memref<512xi32, #tpu.memory_space<vmem>>) target_semaphore(%run_scoped3A : memref<!tpu.dma_semaphore, #tpu.memory_space<semaphore_mem>>)
      %dma_wait3A = tpu.memref_slice %arg2[%multiple_of3A] : memref<16384xi32, #tpu.memory_space<hbm>> -> memref<512xi32, #tpu.memory_space<hbm>>
      %dma_wait3A_9 = tpu.memref_slice %arg2[%multiple_of3A] : memref<16384xi32, #tpu.memory_space<hbm>> -> memref<512xi32, #tpu.memory_space<hbm>>
      tpu.wait_dma2 semaphore(%run_scoped3A : memref<!tpu.dma_semaphore, #tpu.memory_space<semaphore_mem>>) src(%dma_wait3A_9 : memref<512xi32, #tpu.memory_space<hbm>>) dst(%arg5 : memref<512xi32, #tpu.memory_space<vmem>>)
      tpu.yield
    }) : () -> ()
    %iota3A = tpu.iota {dimensions = array<i32: 0>} : vector<16xi32>
    %scan3A = arith.constant 0 : i32
    %scan3A_3 = arith.constant 0 : i32
    %scan3A_4 = arith.constant 16 : i32
    %scan3A_5 = arith.addi %scan3A_3, %scan3A_4 : i32
    %scan3A_6 = arith.constant 1 : i32
    scf.for %scan3A_8 = %scan3A_3 to %scan3A_5 step %scan3A_6  : i32 {
      %mul3A_9 = arith.constant 32 : i32
      %mul3A_10 = arith.muli %scan3A_8, %mul3A_9 : i32
      %add3A_11 = arith.constant 0 : i32
      %add3A_12 = arith.addi %mul3A_10, %add3A_11 : i32
      %get3A = arith.index_cast %add3A_12 : i32 to index
      %get3A_13 = tpu.vector_load %arg5[%get3A] {strides = array<i32>} : memref<512xi32, #tpu.memory_space<vmem>>, vector<16xi32>,
      %eq3A = arith.constant 0 : i32
      %eq3A_14 = vector.broadcast %eq3A : i32 to vector<16xi32>
      %eq3A_15 = arith.cmpi eq, %iota3A, %eq3A_14 : vector<16xi32>
      %jit3A = arith.constant 0 : i32
      %broadcast_in_dim3A = vector.broadcast %jit3A : i32 to vector<16xi32>
      %select_n3A = arith.select %eq3A_15, %get3A_13, %broadcast_in_dim3A : vector<16xi1>, vector<16xi32>
      %reduce_sum3A = arith.constant true
      %reduce_sum3A_16 = vector.broadcast %reduce_sum3A : i1 to vector<16xi1>
      %reduce_sum3A_17 = tpu.scan <sum>, %select_n3A masked %reduce_sum3A_16 : vector<16xi32>, vector<16xi1> -> vector<16xi32>
      %reduce_sum3A_18 = vector.extract %reduce_sum3A_17[15] : i32 from vector<16xi32>
      %mul3A_19 = arith.constant 32 : i32
      %mul3A_20 = arith.muli %scan3A_8, %mul3A_19 : i32
      %add3A_21 = arith.constant 0 : i32
      %add3A_22 = arith.addi %mul3A_20, %add3A_21 : i32
      %add3A_23 = arith.constant 0 : i32
      %add3A_24 = arith.addi %add3A_22, %add3A_23 : i32
      %dma_start3A = arith.constant 0 : i32
      %dma_start3A_25 = tpu.memref_slice %arg6[%add3A_24, %dma_start3A] : memref<512x32xf32, #tpu.memory_space<vmem>> -> memref<1x32xf32, #tpu.memory_space<vmem>>
      %dma_start3A_26 = arith.constant 0 : i32
      %dma_start3A_27 = tpu.memref_slice %arg3[%reduce_sum3A_18, %dma_start3A_26] : memref<1000000x32xf32, #tpu.memory_space<hbm>> -> memref<1x32xf32, #tpu.memory_space<hbm>>
      %dma_start3A_28 = arith.constant 0 : i32
      %dma_start3A_29 = tpu.memref_slice %arg6[%add3A_24, %dma_start3A_28] : memref<512x32xf32, #tpu.memory_space<vmem>> -> memref<1x32xf32, #tpu.memory_space<vmem>>
      %dma_start3A_30 = arith.constant 0 : i32
      %dma_start3A_31 = tpu.memref_slice %arg3[%reduce_sum3A_18, %dma_start3A_30] : memref<1000000x32xf32, #tpu.memory_space<hbm>> -> memref<1x32xf32, #tpu.memory_space<hbm>>
      tpu.enqueue_dma source(%dma_start3A_31 : memref<1x32xf32, #tpu.memory_space<hbm>>) target(%dma_start3A_29 : memref<1x32xf32, #tpu.memory_space<vmem>>) target_semaphore(%arg7 : memref<!tpu.dma_semaphore, #tpu.memory_space<semaphore_mem>>)
      %eq3A_32 = arith.constant 1 : i32
      %eq3A_33 = vector.broadcast %eq3A_32 : i32 to vector<16xi32>
      %eq3A_34 = arith.cmpi eq, %iota3A, %eq3A_33 : vector<16xi32>
      %jit3A_35 = arith.constant 0 : i32
      %broadcast_in_dim3A_36 = vector.broadcast %jit3A_35 : i32 to vector<16xi32>
      %select_n3A_37 = arith.select %eq3A_34, %get3A_13, %broadcast_in_dim3A_36 : vector<16xi1>, vector<16xi32>
      %reduce_sum3A_38 = arith.constant true
      %reduce_sum3A_39 = vector.broadcast %reduce_sum3A_38 : i1 to vector<16xi1>
      %reduce_sum3A_40 = tpu.scan <sum>, %select_n3A_37 masked %reduce_sum3A_39 : vector<16xi32>, vector<16xi1> -> vector<16xi32>
      %reduce_sum3A_41 = vector.extract %reduce_sum3A_40[15] : i32 from vector<16xi32>
      %mul3A_42 = arith.constant 32 : i32
      %mul3A_43 = arith.muli %scan3A_8, %mul3A_42 : i32
      %add3A_44 = arith.constant 0 : i32
      %add3A_45 = arith.addi %mul3A_43, %add3A_44 : i32
      %add3A_46 = arith.constant 1 : i32
      %add3A_47 = arith.addi %add3A_45, %add3A_46 : i32
      %dma_start3A_48 = arith.constant 0 : i32
      %dma_start3A_49 = tpu.memref_slice %arg6[%add3A_47, %dma_start3A_48] : memref<512x32xf32, #tpu.memory_space<vmem>> -> memref<1x32xf32, #tpu.memory_space<vmem>>
      %dma_start3A_50 = arith.constant 0 : i32
      %dma_start3A_51 = tpu.memref_slice %arg3[%reduce_sum3A_41, %dma_start3A_50] : memref<1000000x32xf32, #tpu.memory_space<hbm>> -> memref<1x32xf32, #tpu.memory_space<hbm>>
      %dma_start3A_52 = arith.constant 0 : i32
      %dma_start3A_53 = tpu.memref_slice %arg6[%add3A_47, %dma_start3A_52] : memref<512x32xf32, #tpu.memory_space<vmem>> -> memref<1x32xf32, #tpu.memory_space<vmem>>
      %dma_start3A_54 = arith.constant 0 : i32
      %dma_start3A_55 = tpu.memref_slice %arg3[%reduce_sum3A_41, %dma_start3A_54] : memref<1000000x32xf32, #tpu.memory_space<hbm>> -> memref<1x32xf32, #tpu.memory_space<hbm>>
      tpu.enqueue_dma source(%dma_start3A_55 : memref<1x32xf32, #tpu.memory_space<hbm>>) target(%dma_start3A_53 : memref<1x32xf32, #tpu.memory_space<vmem>>) target_semaphore(%arg7 : memref<!tpu.dma_semaphore, #tpu.memory_space<semaphore_mem>>)
      %eq3A_56 = arith.constant 2 : i32
      %eq3A_57 = vector.broadcast %eq3A_56 : i32 to vector<16xi32>
      %eq3A_58 = arith.cmpi eq, %iota3A, %eq3A_57 : vector<16xi32>
      %jit3A_59 = arith.constant 0 : i32
      %broadcast_in_dim3A_60 = vector.broadcast %jit3A_59 : i32 to vector<16xi32>
      %select_n3A_61 = arith.select %eq3A_58, %get3A_13, %broadcast_in_dim3A_60 : vector<16xi1>, vector<16xi32>
      %reduce_sum3A_62 = arith.constant true
      %reduce_sum3A_63 = vector.broadcast %reduce_sum3A_62 : i1 to vector<16xi1>
      %reduce_sum3A_64 = tpu.scan <sum>, %select_n3A_61 masked %reduce_sum3A_63 : vector<16xi32>, vector<16xi1> -> vector<16xi32>
      %reduce_sum3A_65 = vector.extract %reduce_sum3A_64[15] : i32 from vector<16xi32>
      %mul3A_66 = arith.constant 32 : i32
      %mul3A_67 = arith.muli %scan3A_8, %mul3A_66 : i32
      %add3A_68 = arith.constant 0 : i32
      %add3A_69 = arith.addi %mul3A_67, %add3A_68 : i32
      %add3A_70 = arith.constant 2 : i32
      %add3A_71 = arith.addi %add3A_69, %add3A_70 : i32
      %dma_start3A_72 = arith.constant 0 : i32
      %dma_start3A_73 = tpu.memref_slice %arg6[%add3A_71, %dma_start3A_72] : memref<512x32xf32, #tpu.memory_space<vmem>> -> memref<1x32xf32, #tpu.memory_space<vmem>>
      %dma_start3A_74 = arith.constant 0 : i32
      %dma_start3A_75 = tpu.memref_slice %arg3[%reduce_sum3A_65, %dma_start3A_74] : memref<1000000x32xf32, #tpu.memory_space<hbm>> -> memref<1x32xf32, #tpu.memory_space<hbm>>
      %dma_start3A_76 = arith.constant 0 : i32
      %dma_start3A_77 = tpu.memref_slice %arg6[%add3A_71, %dma_start3A_76] : memref<512x32xf32, #tpu.memory_space<vmem>> -> memref<1x32xf32, #tpu.memory_space<vmem>>
      %dma_start3A_78 = arith.constant 0 : i32
      %dma_start3A_79 = tpu.memref_slice %arg3[%reduce_sum3A_65, %dma_start3A_78] : memref<1000000x32xf32, #tpu.memory_space<hbm>> -> memref<1x32xf32, #tpu.memory_space<hbm>>
      tpu.enqueue_dma source(%dma_start3A_79 : memref<1x32xf32, #tpu.memory_space<hbm>>) target(%dma_start3A_77 : memref<1x32xf32, #tpu.memory_space<vmem>>) target_semaphore(%arg7 : memref<!tpu.dma_semaphore, #tpu.memory_space<semaphore_mem>>)
      %eq3A_80 = arith.constant 3 : i32
      %eq3A_81 = vector.broadcast %eq3A_80 : i32 to vector<16xi32>
      %eq3A_82 = arith.cmpi eq, %iota3A, %eq3A_81 : vector<16xi32>
      %jit3A_83 = arith.constant 0 : i32
      %broadcast_in_dim3A_84 = vector.broadcast %jit3A_83 : i32 to vector<16xi32>
      %select_n3A_85 = arith.select %eq3A_82, %get3A_13, %broadcast_in_dim3A_84 : vector<16xi1>, vector<16xi32>
      %reduce_sum3A_86 = arith.constant true
      %reduce_sum3A_87 = vector.broadcast %reduce_sum3A_86 : i1 to vector<16xi1>
      %reduce_sum3A_88 = tpu.scan <sum>, %select_n3A_85 masked %reduce_sum3A_87 : vector<16xi32>, vector<16xi1> -> vector<16xi32>
      %reduce_sum3A_89 = vector.extract %reduce_sum3A_88[15] : i32 from vector<16xi32>
      %mul3A_90 = arith.constant 32 : i32
      %mul3A_91 = arith.muli %scan3A_8, %mul3A_90 : i32
      %add3A_92 = arith.constant 0 : i32
      %add3A_93 = arith.addi %mul3A_91, %add3A_92 : i32
      %add3A_94 = arith.constant 3 : i32
      %add3A_95 = arith.addi %add3A_93, %add3A_94 : i32
      %dma_start3A_96 = arith.constant 0 : i32
      %dma_start3A_97 = tpu.memref_slice %arg6[%add3A_95, %dma_start3A_96] : memref<512x32xf32, #tpu.memory_space<vmem>> -> memref<1x32xf32, #tpu.memory_space<vmem>>
      %dma_start3A_98 = arith.constant 0 : i32
      %dma_start3A_99 = tpu.memref_slice %arg3[%reduce_sum3A_89, %dma_start3A_98] : memref<1000000x32xf32, #tpu.memory_space<hbm>> -> memref<1x32xf32, #tpu.memory_space<hbm>>
      %dma_start3A_100 = arith.constant 0 : i32
      %dma_start3A_101 = tpu.memref_slice %arg6[%add3A_95, %dma_start3A_100] : memref<512x32xf32, #tpu.memory_space<vmem>> -> memref<1x32xf32, #tpu.memory_space<vmem>>
      %dma_start3A_102 = arith.constant 0 : i32
      %dma_start3A_103 = tpu.memref_slice %arg3[%reduce_sum3A_89, %dma_start3A_102] : memref<1000000x32xf32, #tpu.memory_space<hbm>> -> memref<1x32xf32, #tpu.memory_space<hbm>>
      tpu.enqueue_dma source(%dma_start3A_103 : memref<1x32xf32, #tpu.memory_space<hbm>>) target(%dma_start3A_101 : memref<1x32xf32, #tpu.memory_space<vmem>>) target_semaphore(%arg7 : memref<!tpu.dma_semaphore, #tpu.memory_space<semaphore_mem>>)
      %eq3A_104 = arith.constant 4 : i32
      %eq3A_105 = vector.broadcast %eq3A_104 : i32 to vector<16xi32>
      %eq3A_106 = arith.cmpi eq, %iota3A, %eq3A_105 : vector<16xi32>
      %jit3A_107 = arith.constant 0 : i32
      %broadcast_in_dim3A_108 = vector.broadcast %jit3A_107 : i32 to vector<16xi32>
      %select_n3A_109 = arith.select %eq3A_106, %get3A_13, %broadcast_in_dim3A_108 : vector<16xi1>, vector<16xi32>
      %reduce_sum3A_110 = arith.constant true
      %reduce_sum3A_111 = vector.broadcast %reduce_sum3A_110 : i1 to vector<16xi1>
      %reduce_sum3A_112 = tpu.scan <sum>, %select_n3A_109 masked %reduce_sum3A_111 : vector<16xi32>, vector<16xi1> -> vector<16xi32>
      %reduce_sum3A_113 = vector.extract %reduce_sum3A_112[15] : i32 from vector<16xi32>
      %mul3A_114 = arith.constant 32 : i32
      %mul3A_115 = arith.muli %scan3A_8, %mul3A_114 : i32
      %add3A_116 = arith.constant 0 : i32
      %add3A_117 = arith.addi %mul3A_115, %add3A_116 : i32
      %add3A_118 = arith.constant 4 : i32
      %add3A_119 = arith.addi %add3A_117, %add3A_118 : i32
      %dma_start3A_120 = arith.constant 0 : i32
      %dma_start3A_121 = tpu.memref_slice %arg6[%add3A_119, %dma_start3A_120] : memref<512x32xf32, #tpu.memory_space<vmem>> -> memref<1x32xf32, #tpu.memory_space<vmem>>
      %dma_start3A_122 = arith.constant 0 : i32
      %dma_start3A_123 = tpu.memref_slice %arg3[%reduce_sum3A_113, %dma_start3A_122] : memref<1000000x32xf32, #tpu.memory_space<hbm>> -> memref<1x32xf32, #tpu.memory_space<hbm>>
      %dma_start3A_124 = arith.constant 0 : i32
      %dma_start3A_125 = tpu.memref_slice %arg6[%add3A_119, %dma_start3A_124] : memref<512x32xf32, #tpu.memory_space<vmem>> -> memref<1x32xf32, #tpu.memory_space<vmem>>
      %dma_start3A_126 = arith.constant 0 : i32
      %dma_start3A_127 = tpu.memref_slice %arg3[%reduce_sum3A_113, %dma_start3A_126] : memref<1000000x32xf32, #tpu.memory_space<hbm>> -> memref<1x32xf32, #tpu.memory_space<hbm>>
      tpu.enqueue_dma source(%dma_start3A_127 : memref<1x32xf32, #tpu.memory_space<hbm>>) target(%dma_start3A_125 : memref<1x32xf32, #tpu.memory_space<vmem>>) target_semaphore(%arg7 : memref<!tpu.dma_semaphore, #tpu.memory_space<semaphore_mem>>)
      %eq3A_128 = arith.constant 5 : i32
      %eq3A_129 = vector.broadcast %eq3A_128 : i32 to vector<16xi32>
      %eq3A_130 = arith.cmpi eq, %iota3A, %eq3A_129 : vector<16xi32>
      %jit3A_131 = arith.constant 0 : i32
      %broadcast_in_dim3A_132 = vector.broadcast %jit3A_131 : i32 to vector<16xi32>
      %select_n3A_133 = arith.select %eq3A_130, %get3A_13, %broadcast_in_dim3A_132 : vector<16xi1>, vector<16xi32>
      %reduce_sum3A_134 = arith.constant true
      %reduce_sum3A_135 = vector.broadcast %reduce_sum3A_134 : i1 to vector<16xi1>
      %reduce_sum3A_136 = tpu.scan <sum>, %select_n3A_133 masked %reduce_sum3A_135 : vector<16xi32>, vector<16xi1> -> vector<16xi32>
      %reduce_sum3A_137 = vector.extract %reduce_sum3A_136[15] : i32 from vector<16xi32>
      %mul3A_138 = arith.constant 32 : i32
      %mul3A_139 = arith.muli %scan3A_8, %mul3A_138 : i32
      %add3A_140 = arith.constant 0 : i32
      %add3A_141 = arith.addi %mul3A_139, %add3A_140 : i32
      %add3A_142 = arith.constant 5 : i32
      %add3A_143 = arith.addi %add3A_141, %add3A_142 : i32
      %dma_start3A_144 = arith.constant 0 : i32
      %dma_start3A_145 = tpu.memref_slice %arg6[%add3A_143, %dma_start3A_144] : memref<512x32xf32, #tpu.memory_space<vmem>> -> memref<1x32xf32, #tpu.memory_space<vmem>>
      %dma_start3A_146 = arith.constant 0 : i32
      %dma_start3A_147 = tpu.memref_slice %arg3[%reduce_sum3A_137, %dma_start3A_146] : memref<1000000x32xf32, #tpu.memory_space<hbm>> -> memref<1x32xf32, #tpu.memory_space<hbm>>
      %dma_start3A_148 = arith.constant 0 : i32
      %dma_start3A_149 = tpu.memref_slice %arg6[%add3A_143, %dma_start3A_148] : memref<512x32xf32, #tpu.memory_space<vmem>> -> memref<1x32xf32, #tpu.memory_space<vmem>>
      %dma_start3A_150 = arith.constant 0 : i32
      %dma_start3A_151 = tpu.memref_slice %arg3[%reduce_sum3A_137, %dma_start3A_150] : memref<1000000x32xf32, #tpu.memory_space<hbm>> -> memref<1x32xf32, #tpu.memory_space<hbm>>
      tpu.enqueue_dma source(%dma_start3A_151 : memref<1x32xf32, #tpu.memory_space<hbm>>) target(%dma_start3A_149 : memref<1x32xf32, #tpu.memory_space<vmem>>) target_semaphore(%arg7 : memref<!tpu.dma_semaphore, #tpu.memory_space<semaphore_mem>>)
      %eq3A_152 = arith.constant 6 : i32
      %eq3A_153 = vector.broadcast %eq3A_152 : i32 to vector<16xi32>
      %eq3A_154 = arith.cmpi eq, %iota3A, %eq3A_153 : vector<16xi32>
      %jit3A_155 = arith.constant 0 : i32
      %broadcast_in_dim3A_156 = vector.broadcast %jit3A_155 : i32 to vector<16xi32>
      %select_n3A_157 = arith.select %eq3A_154, %get3A_13, %broadcast_in_dim3A_156 : vector<16xi1>, vector<16xi32>
      %reduce_sum3A_158 = arith.constant true
      %reduce_sum3A_159 = vector.broadcast %reduce_sum3A_158 : i1 to vector<16xi1>
      %reduce_sum3A_160 = tpu.scan <sum>, %select_n3A_157 masked %reduce_sum3A_159 : vector<16xi32>, vector<16xi1> -> vector<16xi32>
      %reduce_sum3A_161 = vector.extract %reduce_sum3A_160[15] : i32 from vector<16xi32>
      %mul3A_162 = arith.constant 32 : i32
      %mul3A_163 = arith.muli %scan3A_8, %mul3A_162 : i32
      %add3A_164 = arith.constant 0 : i32
      %add3A_165 = arith.addi %mul3A_163, %add3A_164 : i32
      %add3A_166 = arith.constant 6 : i32
      %add3A_167 = arith.addi %add3A_165, %add3A_166 : i32
      %dma_start3A_168 = arith.constant 0 : i32
      %dma_start3A_169 = tpu.memref_slice %arg6[%add3A_167, %dma_start3A_168] : memref<512x32xf32, #tpu.memory_space<vmem>> -> memref<1x32xf32, #tpu.memory_space<vmem>>
      %dma_start3A_170 = arith.constant 0 : i32
      %dma_start3A_171 = tpu.memref_slice %arg3[%reduce_sum3A_161, %dma_start3A_170] : memref<1000000x32xf32, #tpu.memory_space<hbm>> -> memref<1x32xf32, #tpu.memory_space<hbm>>
      %dma_start3A_172 = arith.constant 0 : i32
      %dma_start3A_173 = tpu.memref_slice %arg6[%add3A_167, %dma_start3A_172] : memref<512x32xf32, #tpu.memory_space<vmem>> -> memref<1x32xf32, #tpu.memory_space<vmem>>
      %dma_start3A_174 = arith.constant 0 : i32
      %dma_start3A_175 = tpu.memref_slice %arg3[%reduce_sum3A_161, %dma_start3A_174] : memref<1000000x32xf32, #tpu.memory_space<hbm>> -> memref<1x32xf32, #tpu.memory_space<hbm>>
      tpu.enqueue_dma source(%dma_start3A_175 : memref<1x32xf32, #tpu.memory_space<hbm>>) target(%dma_start3A_173 : memref<1x32xf32, #tpu.memory_space<vmem>>) target_semaphore(%arg7 : memref<!tpu.dma_semaphore, #tpu.memory_space<semaphore_mem>>)
      %eq3A_176 = arith.constant 7 : i32
      %eq3A_177 = vector.broadcast %eq3A_176 : i32 to vector<16xi32>
      %eq3A_178 = arith.cmpi eq, %iota3A, %eq3A_177 : vector<16xi32>
      %jit3A_179 = arith.constant 0 : i32
      %broadcast_in_dim3A_180 = vector.broadcast %jit3A_179 : i32 to vector<16xi32>
      %select_n3A_181 = arith.select %eq3A_178, %get3A_13, %broadcast_in_dim3A_180 : vector<16xi1>, vector<16xi32>
      %reduce_sum3A_182 = arith.constant true
      %reduce_sum3A_183 = vector.broadcast %reduce_sum3A_182 : i1 to vector<16xi1>
      %reduce_sum3A_184 = tpu.scan <sum>, %select_n3A_181 masked %reduce_sum3A_183 : vector<16xi32>, vector<16xi1> -> vector<16xi32>
      %reduce_sum3A_185 = vector.extract %reduce_sum3A_184[15] : i32 from vector<16xi32>
      %mul3A_186 = arith.constant 32 : i32
      %mul3A_187 = arith.muli %scan3A_8, %mul3A_186 : i32
      %add3A_188 = arith.constant 0 : i32
      %add3A_189 = arith.addi %mul3A_187, %add3A_188 : i32
      %add3A_190 = arith.constant 7 : i32
      %add3A_191 = arith.addi %add3A_189, %add3A_190 : i32
      %dma_start3A_192 = arith.constant 0 : i32
      %dma_start3A_193 = tpu.memref_slice %arg6[%add3A_191, %dma_start3A_192] : memref<512x32xf32, #tpu.memory_space<vmem>> -> memref<1x32xf32, #tpu.memory_space<vmem>>
      %dma_start3A_194 = arith.constant 0 : i32
      %dma_start3A_195 = tpu.memref_slice %arg3[%reduce_sum3A_185, %dma_start3A_194] : memref<1000000x32xf32, #tpu.memory_space<hbm>> -> memref<1x32xf32, #tpu.memory_space<hbm>>
      %dma_start3A_196 = arith.constant 0 : i32
      %dma_start3A_197 = tpu.memref_slice %arg6[%add3A_191, %dma_start3A_196] : memref<512x32xf32, #tpu.memory_space<vmem>> -> memref<1x32xf32, #tpu.memory_space<vmem>>
      %dma_start3A_198 = arith.constant 0 : i32
      %dma_start3A_199 = tpu.memref_slice %arg3[%reduce_sum3A_185, %dma_start3A_198] : memref<1000000x32xf32, #tpu.memory_space<hbm>> -> memref<1x32xf32, #tpu.memory_space<hbm>>
      tpu.enqueue_dma source(%dma_start3A_199 : memref<1x32xf32, #tpu.memory_space<hbm>>) target(%dma_start3A_197 : memref<1x32xf32, #tpu.memory_space<vmem>>) target_semaphore(%arg7 : memref<!tpu.dma_semaphore, #tpu.memory_space<semaphore_mem>>)
      %eq3A_200 = arith.constant 8 : i32
      %eq3A_201 = vector.broadcast %eq3A_200 : i32 to vector<16xi32>
      %eq3A_202 = arith.cmpi eq, %iota3A, %eq3A_201 : vector<16xi32>
      %jit3A_203 = arith.constant 0 : i32
      %broadcast_in_dim3A_204 = vector.broadcast %jit3A_203 : i32 to vector<16xi32>
      %select_n3A_205 = arith.select %eq3A_202, %get3A_13, %broadcast_in_dim3A_204 : vector<16xi1>, vector<16xi32>
      %reduce_sum3A_206 = arith.constant true
      %reduce_sum3A_207 = vector.broadcast %reduce_sum3A_206 : i1 to vector<16xi1>
      %reduce_sum3A_208 = tpu.scan <sum>, %select_n3A_205 masked %reduce_sum3A_207 : vector<16xi32>, vector<16xi1> -> vector<16xi32>
      %reduce_sum3A_209 = vector.extract %reduce_sum3A_208[15] : i32 from vector<16xi32>
      %mul3A_210 = arith.constant 32 : i32
      %mul3A_211 = arith.muli %scan3A_8, %mul3A_210 : i32
      %add3A_212 = arith.constant 0 : i32
      %add3A_213 = arith.addi %mul3A_211, %add3A_212 : i32
      %add3A_214 = arith.constant 8 : i32
      %add3A_215 = arith.addi %add3A_213, %add3A_214 : i32
      %dma_start3A_216 = arith.constant 0 : i32
      %dma_start3A_217 = tpu.memref_slice %arg6[%add3A_215, %dma_start3A_216] : memref<512x32xf32, #tpu.memory_space<vmem>> -> memref<1x32xf32, #tpu.memory_space<vmem>>
      %dma_start3A_218 = arith.constant 0 : i32
      %dma_start3A_219 = tpu.memref_slice %arg3[%reduce_sum3A_209, %dma_start3A_218] : memref<1000000x32xf32, #tpu.memory_space<hbm>> -> memref<1x32xf32, #tpu.memory_space<hbm>>
      %dma_start3A_220 = arith.constant 0 : i32
      %dma_start3A_221 = tpu.memref_slice %arg6[%add3A_215, %dma_start3A_220] : memref<512x32xf32, #tpu.memory_space<vmem>> -> memref<1x32xf32, #tpu.memory_space<vmem>>
      %dma_start3A_222 = arith.constant 0 : i32
      %dma_start3A_223 = tpu.memref_slice %arg3[%reduce_sum3A_209, %dma_start3A_222] : memref<1000000x32xf32, #tpu.memory_space<hbm>> -> memref<1x32xf32, #tpu.memory_space<hbm>>
      tpu.enqueue_dma source(%dma_start3A_223 : memref<1x32xf32, #tpu.memory_space<hbm>>) target(%dma_start3A_221 : memref<1x32xf32, #tpu.memory_space<vmem>>) target_semaphore(%arg7 : memref<!tpu.dma_semaphore, #tpu.memory_space<semaphore_mem>>)
      %eq3A_224 = arith.constant 9 : i32
      %eq3A_225 = vector.broadcast %eq3A_224 : i32 to vector<16xi32>
      %eq3A_226 = arith.cmpi eq, %iota3A, %eq3A_225 : vector<16xi32>
      %jit3A_227 = arith.constant 0 : i32
      %broadcast_in_dim3A_228 = vector.broadcast %jit3A_227 : i32 to vector<16xi32>
      %select_n3A_229 = arith.select %eq3A_226, %get3A_13, %broadcast_in_dim3A_228 : vector<16xi1>, vector<16xi32>
      %reduce_sum3A_230 = arith.constant true
      %reduce_sum3A_231 = vector.broadcast %reduce_sum3A_230 : i1 to vector<16xi1>
      %reduce_sum3A_232 = tpu.scan <sum>, %select_n3A_229 masked %reduce_sum3A_231 : vector<16xi32>, vector<16xi1> -> vector<16xi32>
      %reduce_sum3A_233 = vector.extract %reduce_sum3A_232[15] : i32 from vector<16xi32>
      %mul3A_234 = arith.constant 32 : i32
      %mul3A_235 = arith.muli %scan3A_8, %mul3A_234 : i32
      %add3A_236 = arith.constant 0 : i32
      %add3A_237 = arith.addi %mul3A_235, %add3A_236 : i32
      %add3A_238 = arith.constant 9 : i32
      %add3A_239 = arith.addi %add3A_237, %add3A_238 : i32
      %dma_start3A_240 = arith.constant 0 : i32
      %dma_start3A_241 = tpu.memref_slice %arg6[%add3A_239, %dma_start3A_240] : memref<512x32xf32, #tpu.memory_space<vmem>> -> memref<1x32xf32, #tpu.memory_space<vmem>>
      %dma_start3A_242 = arith.constant 0 : i32
      %dma_start3A_243 = tpu.memref_slice %arg3[%reduce_sum3A_233, %dma_start3A_242] : memref<1000000x32xf32, #tpu.memory_space<hbm>> -> memref<1x32xf32, #tpu.memory_space<hbm>>
      %dma_start3A_244 = arith.constant 0 : i32
      %dma_start3A_245 = tpu.memref_slice %arg6[%add3A_239, %dma_start3A_244] : memref<512x32xf32, #tpu.memory_space<vmem>> -> memref<1x32xf32, #tpu.memory_space<vmem>>
      %dma_start3A_246 = arith.constant 0 : i32
      %dma_start3A_247 = tpu.memref_slice %arg3[%reduce_sum3A_233, %dma_start3A_246] : memref<1000000x32xf32, #tpu.memory_space<hbm>> -> memref<1x32xf32, #tpu.memory_space<hbm>>
      tpu.enqueue_dma source(%dma_start3A_247 : memref<1x32xf32, #tpu.memory_space<hbm>>) target(%dma_start3A_245 : memref<1x32xf32, #tpu.memory_space<vmem>>) target_semaphore(%arg7 : memref<!tpu.dma_semaphore, #tpu.memory_space<semaphore_mem>>)
      %eq3A_248 = arith.constant 10 : i32
      %eq3A_249 = vector.broadcast %eq3A_248 : i32 to vector<16xi32>
      %eq3A_250 = arith.cmpi eq, %iota3A, %eq3A_249 : vector<16xi32>
      %jit3A_251 = arith.constant 0 : i32
      %broadcast_in_dim3A_252 = vector.broadcast %jit3A_251 : i32 to vector<16xi32>
      %select_n3A_253 = arith.select %eq3A_250, %get3A_13, %broadcast_in_dim3A_252 : vector<16xi1>, vector<16xi32>
      %reduce_sum3A_254 = arith.constant true
      %reduce_sum3A_255 = vector.broadcast %reduce_sum3A_254 : i1 to vector<16xi1>
      %reduce_sum3A_256 = tpu.scan <sum>, %select_n3A_253 masked %reduce_sum3A_255 : vector<16xi32>, vector<16xi1> -> vector<16xi32>
      %reduce_sum3A_257 = vector.extract %reduce_sum3A_256[15] : i32 from vector<16xi32>
      %mul3A_258 = arith.constant 32 : i32
      %mul3A_259 = arith.muli %scan3A_8, %mul3A_258 : i32
      %add3A_260 = arith.constant 0 : i32
      %add3A_261 = arith.addi %mul3A_259, %add3A_260 : i32
      %add3A_262 = arith.constant 10 : i32
      %add3A_263 = arith.addi %add3A_261, %add3A_262 : i32
      %dma_start3A_264 = arith.constant 0 : i32
      %dma_start3A_265 = tpu.memref_slice %arg6[%add3A_263, %dma_start3A_264] : memref<512x32xf32, #tpu.memory_space<vmem>> -> memref<1x32xf32, #tpu.memory_space<vmem>>
      %dma_start3A_266 = arith.constant 0 : i32
      %dma_start3A_267 = tpu.memref_slice %arg3[%reduce_sum3A_257, %dma_start3A_266] : memref<1000000x32xf32, #tpu.memory_space<hbm>> -> memref<1x32xf32, #tpu.memory_space<hbm>>
      %dma_start3A_268 = arith.constant 0 : i32
      %dma_start3A_269 = tpu.memref_slice %arg6[%add3A_263, %dma_start3A_268] : memref<512x32xf32, #tpu.memory_space<vmem>> -> memref<1x32xf32, #tpu.memory_space<vmem>>
      %dma_start3A_270 = arith.constant 0 : i32
      %dma_start3A_271 = tpu.memref_slice %arg3[%reduce_sum3A_257, %dma_start3A_270] : memref<1000000x32xf32, #tpu.memory_space<hbm>> -> memref<1x32xf32, #tpu.memory_space<hbm>>
      tpu.enqueue_dma source(%dma_start3A_271 : memref<1x32xf32, #tpu.memory_space<hbm>>) target(%dma_start3A_269 : memref<1x32xf32, #tpu.memory_space<vmem>>) target_semaphore(%arg7 : memref<!tpu.dma_semaphore, #tpu.memory_space<semaphore_mem>>)
      %eq3A_272 = arith.constant 11 : i32
      %eq3A_273 = vector.broadcast %eq3A_272 : i32 to vector<16xi32>
      %eq3A_274 = arith.cmpi eq, %iota3A, %eq3A_273 : vector<16xi32>
      %jit3A_275 = arith.constant 0 : i32
      %broadcast_in_dim3A_276 = vector.broadcast %jit3A_275 : i32 to vector<16xi32>
      %select_n3A_277 = arith.select %eq3A_274, %get3A_13, %broadcast_in_dim3A_276 : vector<16xi1>, vector<16xi32>
      %reduce_sum3A_278 = arith.constant true
      %reduce_sum3A_279 = vector.broadcast %reduce_sum3A_278 : i1 to vector<16xi1>
      %reduce_sum3A_280 = tpu.scan <sum>, %select_n3A_277 masked %reduce_sum3A_279 : vector<16xi32>, vector<16xi1> -> vector<16xi32>
      %reduce_sum3A_281 = vector.extract %reduce_sum3A_280[15] : i32 from vector<16xi32>
      %mul3A_282 = arith.constant 32 : i32
      %mul3A_283 = arith.muli %scan3A_8, %mul3A_282 : i32
      %add3A_284 = arith.constant 0 : i32
      %add3A_285 = arith.addi %mul3A_283, %add3A_284 : i32
      %add3A_286 = arith.constant 11 : i32
      %add3A_287 = arith.addi %add3A_285, %add3A_286 : i32
      %dma_start3A_288 = arith.constant 0 : i32
      %dma_start3A_289 = tpu.memref_slice %arg6[%add3A_287, %dma_start3A_288] : memref<512x32xf32, #tpu.memory_space<vmem>> -> memref<1x32xf32, #tpu.memory_space<vmem>>
      %dma_start3A_290 = arith.constant 0 : i32
      %dma_start3A_291 = tpu.memref_slice %arg3[%reduce_sum3A_281, %dma_start3A_290] : memref<1000000x32xf32, #tpu.memory_space<hbm>> -> memref<1x32xf32, #tpu.memory_space<hbm>>
      %dma_start3A_292 = arith.constant 0 : i32
      %dma_start3A_293 = tpu.memref_slice %arg6[%add3A_287, %dma_start3A_292] : memref<512x32xf32, #tpu.memory_space<vmem>> -> memref<1x32xf32, #tpu.memory_space<vmem>>
      %dma_start3A_294 = arith.constant 0 : i32
      %dma_start3A_295 = tpu.memref_slice %arg3[%reduce_sum3A_281, %dma_start3A_294] : memref<1000000x32xf32, #tpu.memory_space<hbm>> -> memref<1x32xf32, #tpu.memory_space<hbm>>
      tpu.enqueue_dma source(%dma_start3A_295 : memref<1x32xf32, #tpu.memory_space<hbm>>) target(%dma_start3A_293 : memref<1x32xf32, #tpu.memory_space<vmem>>) target_semaphore(%arg7 : memref<!tpu.dma_semaphore, #tpu.memory_space<semaphore_mem>>)
      %eq3A_296 = arith.constant 12 : i32
      %eq3A_297 = vector.broadcast %eq3A_296 : i32 to vector<16xi32>
      %eq3A_298 = arith.cmpi eq, %iota3A, %eq3A_297 : vector<16xi32>
      %jit3A_299 = arith.constant 0 : i32
      %broadcast_in_dim3A_300 = vector.broadcast %jit3A_299 : i32 to vector<16xi32>
      %select_n3A_301 = arith.select %eq3A_298, %get3A_13, %broadcast_in_dim3A_300 : vector<16xi1>, vector<16xi32>
      %reduce_sum3A_302 = arith.constant true
      %reduce_sum3A_303 = vector.broadcast %reduce_sum3A_302 : i1 to vector<16xi1>
      %reduce_sum3A_304 = tpu.scan <sum>, %select_n3A_301 masked %reduce_sum3A_303 : vector<16xi32>, vector<16xi1> -> vector<16xi32>
      %reduce_sum3A_305 = vector.extract %reduce_sum3A_304[15] : i32 from vector<16xi32>
      %mul3A_306 = arith.constant 32 : i32
      %mul3A_307 = arith.muli %scan3A_8, %mul3A_306 : i32
      %add3A_308 = arith.constant 0 : i32
      %add3A_309 = arith.addi %mul3A_307, %add3A_308 : i32
      %add3A_310 = arith.constant 12 : i32
      %add3A_311 = arith.addi %add3A_309, %add3A_310 : i32
      %dma_start3A_312 = arith.constant 0 : i32
      %dma_start3A_313 = tpu.memref_slice %arg6[%add3A_311, %dma_start3A_312] : memref<512x32xf32, #tpu.memory_space<vmem>> -> memref<1x32xf32, #tpu.memory_space<vmem>>
      %dma_start3A_314 = arith.constant 0 : i32
      %dma_start3A_315 = tpu.memref_slice %arg3[%reduce_sum3A_305, %dma_start3A_314] : memref<1000000x32xf32, #tpu.memory_space<hbm>> -> memref<1x32xf32, #tpu.memory_space<hbm>>
      %dma_start3A_316 = arith.constant 0 : i32
      %dma_start3A_317 = tpu.memref_slice %arg6[%add3A_311, %dma_start3A_316] : memref<512x32xf32, #tpu.memory_space<vmem>> -> memref<1x32xf32, #tpu.memory_space<vmem>>
      %dma_start3A_318 = arith.constant 0 : i32
      %dma_start3A_319 = tpu.memref_slice %arg3[%reduce_sum3A_305, %dma_start3A_318] : memref<1000000x32xf32, #tpu.memory_space<hbm>> -> memref<1x32xf32, #tpu.memory_space<hbm>>
      tpu.enqueue_dma source(%dma_start3A_319 : memref<1x32xf32, #tpu.memory_space<hbm>>) target(%dma_start3A_317 : memref<1x32xf32, #tpu.memory_space<vmem>>) target_semaphore(%arg7 : memref<!tpu.dma_semaphore, #tpu.memory_space<semaphore_mem>>)
      %eq3A_320 = arith.constant 13 : i32
      %eq3A_321 = vector.broadcast %eq3A_320 : i32 to vector<16xi32>
      %eq3A_322 = arith.cmpi eq, %iota3A, %eq3A_321 : vector<16xi32>
      %jit3A_323 = arith.constant 0 : i32
      %broadcast_in_dim3A_324 = vector.broadcast %jit3A_323 : i32 to vector<16xi32>
      %select_n3A_325 = arith.select %eq3A_322, %get3A_13, %broadcast_in_dim3A_324 : vector<16xi1>, vector<16xi32>
      %reduce_sum3A_326 = arith.constant true
      %reduce_sum3A_327 = vector.broadcast %reduce_sum3A_326 : i1 to vector<16xi1>
      %reduce_sum3A_328 = tpu.scan <sum>, %select_n3A_325 masked %reduce_sum3A_327 : vector<16xi32>, vector<16xi1> -> vector<16xi32>
      %reduce_sum3A_329 = vector.extract %reduce_sum3A_328[15] : i32 from vector<16xi32>
      %mul3A_330 = arith.constant 32 : i32
      %mul3A_331 = arith.muli %scan3A_8, %mul3A_330 : i32
      %add3A_332 = arith.constant 0 : i32
      %add3A_333 = arith.addi %mul3A_331, %add3A_332 : i32
      %add3A_334 = arith.constant 13 : i32
      %add3A_335 = arith.addi %add3A_333, %add3A_334 : i32
      %dma_start3A_336 = arith.constant 0 : i32
      %dma_start3A_337 = tpu.memref_slice %arg6[%add3A_335, %dma_start3A_336] : memref<512x32xf32, #tpu.memory_space<vmem>> -> memref<1x32xf32, #tpu.memory_space<vmem>>
      %dma_start3A_338 = arith.constant 0 : i32
      %dma_start3A_339 = tpu.memref_slice %arg3[%reduce_sum3A_329, %dma_start3A_338] : memref<1000000x32xf32, #tpu.memory_space<hbm>> -> memref<1x32xf32, #tpu.memory_space<hbm>>
      %dma_start3A_340 = arith.constant 0 : i32
      %dma_start3A_341 = tpu.memref_slice %arg6[%add3A_335, %dma_start3A_340] : memref<512x32xf32, #tpu.memory_space<vmem>> -> memref<1x32xf32, #tpu.memory_space<vmem>>
      %dma_start3A_342 = arith.constant 0 : i32
      %dma_start3A_343 = tpu.memref_slice %arg3[%reduce_sum3A_329, %dma_start3A_342] : memref<1000000x32xf32, #tpu.memory_space<hbm>> -> memref<1x32xf32, #tpu.memory_space<hbm>>
      tpu.enqueue_dma source(%dma_start3A_343 : memref<1x32xf32, #tpu.memory_space<hbm>>) target(%dma_start3A_341 : memref<1x32xf32, #tpu.memory_space<vmem>>) target_semaphore(%arg7 : memref<!tpu.dma_semaphore, #tpu.memory_space<semaphore_mem>>)
      %eq3A_344 = arith.constant 14 : i32
      %eq3A_345 = vector.broadcast %eq3A_344 : i32 to vector<16xi32>
      %eq3A_346 = arith.cmpi eq, %iota3A, %eq3A_345 : vector<16xi32>
      %jit3A_347 = arith.constant 0 : i32
      %broadcast_in_dim3A_348 = vector.broadcast %jit3A_347 : i32 to vector<16xi32>
      %select_n3A_349 = arith.select %eq3A_346, %get3A_13, %broadcast_in_dim3A_348 : vector<16xi1>, vector<16xi32>
      %reduce_sum3A_350 = arith.constant true
      %reduce_sum3A_351 = vector.broadcast %reduce_sum3A_350 : i1 to vector<16xi1>
      %reduce_sum3A_352 = tpu.scan <sum>, %select_n3A_349 masked %reduce_sum3A_351 : vector<16xi32>, vector<16xi1> -> vector<16xi32>
      %reduce_sum3A_353 = vector.extract %reduce_sum3A_352[15] : i32 from vector<16xi32>
      %mul3A_354 = arith.constant 32 : i32
      %mul3A_355 = arith.muli %scan3A_8, %mul3A_354 : i32
      %add3A_356 = arith.constant 0 : i32
      %add3A_357 = arith.addi %mul3A_355, %add3A_356 : i32
      %add3A_358 = arith.constant 14 : i32
      %add3A_359 = arith.addi %add3A_357, %add3A_358 : i32
      %dma_start3A_360 = arith.constant 0 : i32
      %dma_start3A_361 = tpu.memref_slice %arg6[%add3A_359, %dma_start3A_360] : memref<512x32xf32, #tpu.memory_space<vmem>> -> memref<1x32xf32, #tpu.memory_space<vmem>>
      %dma_start3A_362 = arith.constant 0 : i32
      %dma_start3A_363 = tpu.memref_slice %arg3[%reduce_sum3A_353, %dma_start3A_362] : memref<1000000x32xf32, #tpu.memory_space<hbm>> -> memref<1x32xf32, #tpu.memory_space<hbm>>
      %dma_start3A_364 = arith.constant 0 : i32
      %dma_start3A_365 = tpu.memref_slice %arg6[%add3A_359, %dma_start3A_364] : memref<512x32xf32, #tpu.memory_space<vmem>> -> memref<1x32xf32, #tpu.memory_space<vmem>>
      %dma_start3A_366 = arith.constant 0 : i32
      %dma_start3A_367 = tpu.memref_slice %arg3[%reduce_sum3A_353, %dma_start3A_366] : memref<1000000x32xf32, #tpu.memory_space<hbm>> -> memref<1x32xf32, #tpu.memory_space<hbm>>
      tpu.enqueue_dma source(%dma_start3A_367 : memref<1x32xf32, #tpu.memory_space<hbm>>) target(%dma_start3A_365 : memref<1x32xf32, #tpu.memory_space<vmem>>) target_semaphore(%arg7 : memref<!tpu.dma_semaphore, #tpu.memory_space<semaphore_mem>>)
      %eq3A_368 = arith.constant 15 : i32
      %eq3A_369 = vector.broadcast %eq3A_368 : i32 to vector<16xi32>
      %eq3A_370 = arith.cmpi eq, %iota3A, %eq3A_369 : vector<16xi32>
      %jit3A_371 = arith.constant 0 : i32
      %broadcast_in_dim3A_372 = vector.broadcast %jit3A_371 : i32 to vector<16xi32>
      %select_n3A_373 = arith.select %eq3A_370, %get3A_13, %broadcast_in_dim3A_372 : vector<16xi1>, vector<16xi32>
      %reduce_sum3A_374 = arith.constant true
      %reduce_sum3A_375 = vector.broadcast %reduce_sum3A_374 : i1 to vector<16xi1>
      %reduce_sum3A_376 = tpu.scan <sum>, %select_n3A_373 masked %reduce_sum3A_375 : vector<16xi32>, vector<16xi1> -> vector<16xi32>
      %reduce_sum3A_377 = vector.extract %reduce_sum3A_376[15] : i32 from vector<16xi32>
      %mul3A_378 = arith.constant 32 : i32
      %mul3A_379 = arith.muli %scan3A_8, %mul3A_378 : i32
      %add3A_380 = arith.constant 0 : i32
      %add3A_381 = arith.addi %mul3A_379, %add3A_380 : i32
      %add3A_382 = arith.constant 15 : i32
      %add3A_383 = arith.addi %add3A_381, %add3A_382 : i32
      %dma_start3A_384 = arith.constant 0 : i32
      %dma_start3A_385 = tpu.memref_slice %arg6[%add3A_383, %dma_start3A_384] : memref<512x32xf32, #tpu.memory_space<vmem>> -> memref<1x32xf32, #tpu.memory_space<vmem>>
      %dma_start3A_386 = arith.constant 0 : i32
      %dma_start3A_387 = tpu.memref_slice %arg3[%reduce_sum3A_377, %dma_start3A_386] : memref<1000000x32xf32, #tpu.memory_space<hbm>> -> memref<1x32xf32, #tpu.memory_space<hbm>>
      %dma_start3A_388 = arith.constant 0 : i32
      %dma_start3A_389 = tpu.memref_slice %arg6[%add3A_383, %dma_start3A_388] : memref<512x32xf32, #tpu.memory_space<vmem>> -> memref<1x32xf32, #tpu.memory_space<vmem>>
      %dma_start3A_390 = arith.constant 0 : i32
      %dma_start3A_391 = tpu.memref_slice %arg3[%reduce_sum3A_377, %dma_start3A_390] : memref<1000000x32xf32, #tpu.memory_space<hbm>> -> memref<1x32xf32, #tpu.memory_space<hbm>>
      tpu.enqueue_dma source(%dma_start3A_391 : memref<1x32xf32, #tpu.memory_space<hbm>>) target(%dma_start3A_389 : memref<1x32xf32, #tpu.memory_space<vmem>>) target_semaphore(%arg7 : memref<!tpu.dma_semaphore, #tpu.memory_space<semaphore_mem>>)
      %mul3A_392 = arith.constant 32 : i32
      %mul3A_393 = arith.muli %scan3A_8, %mul3A_392 : i32
      %add3A_394 = arith.constant 16 : i32
      %add3A_395 = arith.addi %mul3A_393, %add3A_394 : i32
      %get3A_396 = arith.index_cast %add3A_395 : i32 to index
      %get3A_397 = tpu.vector_load %arg5[%get3A_396] {strides = array<i32>} : memref<512xi32, #tpu.memory_space<vmem>>, vector<16xi32>,
      %eq3A_398 = arith.constant 0 : i32
      %eq3A_399 = vector.broadcast %eq3A_398 : i32 to vector<16xi32>
      %eq3A_400 = arith.cmpi eq, %iota3A, %eq3A_399 : vector<16xi32>
      %jit3A_401 = arith.constant 0 : i32
      %broadcast_in_dim3A_402 = vector.broadcast %jit3A_401 : i32 to vector<16xi32>
      %select_n3A_403 = arith.select %eq3A_400, %get3A_397, %broadcast_in_dim3A_402 : vector<16xi1>, vector<16xi32>
      %reduce_sum3A_404 = arith.constant true
      %reduce_sum3A_405 = vector.broadcast %reduce_sum3A_404 : i1 to vector<16xi1>
      %reduce_sum3A_406 = tpu.scan <sum>, %select_n3A_403 masked %reduce_sum3A_405 : vector<16xi32>, vector<16xi1> -> vector<16xi32>
      %reduce_sum3A_407 = vector.extract %reduce_sum3A_406[15] : i32 from vector<16xi32>
      %mul3A_408 = arith.constant 32 : i32
      %mul3A_409 = arith.muli %scan3A_8, %mul3A_408 : i32
      %add3A_410 = arith.constant 16 : i32
      %add3A_411 = arith.addi %mul3A_409, %add3A_410 : i32
      %add3A_412 = arith.constant 0 : i32
      %add3A_413 = arith.addi %add3A_411, %add3A_412 : i32
      %dma_start3A_414 = arith.constant 0 : i32
      %dma_start3A_415 = tpu.memref_slice %arg6[%add3A_413, %dma_start3A_414] : memref<512x32xf32, #tpu.memory_space<vmem>> -> memref<1x32xf32, #tpu.memory_space<vmem>>
      %dma_start3A_416 = arith.constant 0 : i32
      %dma_start3A_417 = tpu.memref_slice %arg3[%reduce_sum3A_407, %dma_start3A_416] : memref<1000000x32xf32, #tpu.memory_space<hbm>> -> memref<1x32xf32, #tpu.memory_space<hbm>>
      %dma_start3A_418 = arith.constant 0 : i32
      %dma_start3A_419 = tpu.memref_slice %arg6[%add3A_413, %dma_start3A_418] : memref<512x32xf32, #tpu.memory_space<vmem>> -> memref<1x32xf32, #tpu.memory_space<vmem>>
      %dma_start3A_420 = arith.constant 0 : i32
      %dma_start3A_421 = tpu.memref_slice %arg3[%reduce_sum3A_407, %dma_start3A_420] : memref<1000000x32xf32, #tpu.memory_space<hbm>> -> memref<1x32xf32, #tpu.memory_space<hbm>>
      tpu.enqueue_dma source(%dma_start3A_421 : memref<1x32xf32, #tpu.memory_space<hbm>>) target(%dma_start3A_419 : memref<1x32xf32, #tpu.memory_space<vmem>>) target_semaphore(%arg7 : memref<!tpu.dma_semaphore, #tpu.memory_space<semaphore_mem>>)
      %eq3A_422 = arith.constant 1 : i32
      %eq3A_423 = vector.broadcast %eq3A_422 : i32 to vector<16xi32>
      %eq3A_424 = arith.cmpi eq, %iota3A, %eq3A_423 : vector<16xi32>
      %jit3A_425 = arith.constant 0 : i32
      %broadcast_in_dim3A_426 = vector.broadcast %jit3A_425 : i32 to vector<16xi32>
      %select_n3A_427 = arith.select %eq3A_424, %get3A_397, %broadcast_in_dim3A_426 : vector<16xi1>, vector<16xi32>
      %reduce_sum3A_428 = arith.constant true
      %reduce_sum3A_429 = vector.broadcast %reduce_sum3A_428 : i1 to vector<16xi1>
      %reduce_sum3A_430 = tpu.scan <sum>, %select_n3A_427 masked %reduce_sum3A_429 : vector<16xi32>, vector<16xi1> -> vector<16xi32>
      %reduce_sum3A_431 = vector.extract %reduce_sum3A_430[15] : i32 from vector<16xi32>
      %mul3A_432 = arith.constant 32 : i32
      %mul3A_433 = arith.muli %scan3A_8, %mul3A_432 : i32
      %add3A_434 = arith.constant 16 : i32
      %add3A_435 = arith.addi %mul3A_433, %add3A_434 : i32
      %add3A_436 = arith.constant 1 : i32
      %add3A_437 = arith.addi %add3A_435, %add3A_436 : i32
      %dma_start3A_438 = arith.constant 0 : i32
      %dma_start3A_439 = tpu.memref_slice %arg6[%add3A_437, %dma_start3A_438] : memref<512x32xf32, #tpu.memory_space<vmem>> -> memref<1x32xf32, #tpu.memory_space<vmem>>
      %dma_start3A_440 = arith.constant 0 : i32
      %dma_start3A_441 = tpu.memref_slice %arg3[%reduce_sum3A_431, %dma_start3A_440] : memref<1000000x32xf32, #tpu.memory_space<hbm>> -> memref<1x32xf32, #tpu.memory_space<hbm>>
      %dma_start3A_442 = arith.constant 0 : i32
      %dma_start3A_443 = tpu.memref_slice %arg6[%add3A_437, %dma_start3A_442] : memref<512x32xf32, #tpu.memory_space<vmem>> -> memref<1x32xf32, #tpu.memory_space<vmem>>
      %dma_start3A_444 = arith.constant 0 : i32
      %dma_start3A_445 = tpu.memref_slice %arg3[%reduce_sum3A_431, %dma_start3A_444] : memref<1000000x32xf32, #tpu.memory_space<hbm>> -> memref<1x32xf32, #tpu.memory_space<hbm>>
      tpu.enqueue_dma source(%dma_start3A_445 : memref<1x32xf32, #tpu.memory_space<hbm>>) target(%dma_start3A_443 : memref<1x32xf32, #tpu.memory_space<vmem>>) target_semaphore(%arg7 : memref<!tpu.dma_semaphore, #tpu.memory_space<semaphore_mem>>)
      %eq3A_446 = arith.constant 2 : i32
      %eq3A_447 = vector.broadcast %eq3A_446 : i32 to vector<16xi32>
      %eq3A_448 = arith.cmpi eq, %iota3A, %eq3A_447 : vector<16xi32>
      %jit3A_449 = arith.constant 0 : i32
      %broadcast_in_dim3A_450 = vector.broadcast %jit3A_449 : i32 to vector<16xi32>
      %select_n3A_451 = arith.select %eq3A_448, %get3A_397, %broadcast_in_dim3A_450 : vector<16xi1>, vector<16xi32>
      %reduce_sum3A_452 = arith.constant true
      %reduce_sum3A_453 = vector.broadcast %reduce_sum3A_452 : i1 to vector<16xi1>
      %reduce_sum3A_454 = tpu.scan <sum>, %select_n3A_451 masked %reduce_sum3A_453 : vector<16xi32>, vector<16xi1> -> vector<16xi32>
      %reduce_sum3A_455 = vector.extract %reduce_sum3A_454[15] : i32 from vector<16xi32>
      %mul3A_456 = arith.constant 32 : i32
      %mul3A_457 = arith.muli %scan3A_8, %mul3A_456 : i32
      %add3A_458 = arith.constant 16 : i32
      %add3A_459 = arith.addi %mul3A_457, %add3A_458 : i32
      %add3A_460 = arith.constant 2 : i32
      %add3A_461 = arith.addi %add3A_459, %add3A_460 : i32
      %dma_start3A_462 = arith.constant 0 : i32
      %dma_start3A_463 = tpu.memref_slice %arg6[%add3A_461, %dma_start3A_462] : memref<512x32xf32, #tpu.memory_space<vmem>> -> memref<1x32xf32, #tpu.memory_space<vmem>>
      %dma_start3A_464 = arith.constant 0 : i32
      %dma_start3A_465 = tpu.memref_slice %arg3[%reduce_sum3A_455, %dma_start3A_464] : memref<1000000x32xf32, #tpu.memory_space<hbm>> -> memref<1x32xf32, #tpu.memory_space<hbm>>
      %dma_start3A_466 = arith.constant 0 : i32
      %dma_start3A_467 = tpu.memref_slice %arg6[%add3A_461, %dma_start3A_466] : memref<512x32xf32, #tpu.memory_space<vmem>> -> memref<1x32xf32, #tpu.memory_space<vmem>>
      %dma_start3A_468 = arith.constant 0 : i32
      %dma_start3A_469 = tpu.memref_slice %arg3[%reduce_sum3A_455, %dma_start3A_468] : memref<1000000x32xf32, #tpu.memory_space<hbm>> -> memref<1x32xf32, #tpu.memory_space<hbm>>
      tpu.enqueue_dma source(%dma_start3A_469 : memref<1x32xf32, #tpu.memory_space<hbm>>) target(%dma_start3A_467 : memref<1x32xf32, #tpu.memory_space<vmem>>) target_semaphore(%arg7 : memref<!tpu.dma_semaphore, #tpu.memory_space<semaphore_mem>>)
      %eq3A_470 = arith.constant 3 : i32
      %eq3A_471 = vector.broadcast %eq3A_470 : i32 to vector<16xi32>
      %eq3A_472 = arith.cmpi eq, %iota3A, %eq3A_471 : vector<16xi32>
      %jit3A_473 = arith.constant 0 : i32
      %broadcast_in_dim3A_474 = vector.broadcast %jit3A_473 : i32 to vector<16xi32>
      %select_n3A_475 = arith.select %eq3A_472, %get3A_397, %broadcast_in_dim3A_474 : vector<16xi1>, vector<16xi32>
      %reduce_sum3A_476 = arith.constant true
      %reduce_sum3A_477 = vector.broadcast %reduce_sum3A_476 : i1 to vector<16xi1>
      %reduce_sum3A_478 = tpu.scan <sum>, %select_n3A_475 masked %reduce_sum3A_477 : vector<16xi32>, vector<16xi1> -> vector<16xi32>
      %reduce_sum3A_479 = vector.extract %reduce_sum3A_478[15] : i32 from vector<16xi32>
      %mul3A_480 = arith.constant 32 : i32
      %mul3A_481 = arith.muli %scan3A_8, %mul3A_480 : i32
      %add3A_482 = arith.constant 16 : i32
      %add3A_483 = arith.addi %mul3A_481, %add3A_482 : i32
      %add3A_484 = arith.constant 3 : i32
      %add3A_485 = arith.addi %add3A_483, %add3A_484 : i32
      %dma_start3A_486 = arith.constant 0 : i32
      %dma_start3A_487 = tpu.memref_slice %arg6[%add3A_485, %dma_start3A_486] : memref<512x32xf32, #tpu.memory_space<vmem>> -> memref<1x32xf32, #tpu.memory_space<vmem>>
      %dma_start3A_488 = arith.constant 0 : i32
      %dma_start3A_489 = tpu.memref_slice %arg3[%reduce_sum3A_479, %dma_start3A_488] : memref<1000000x32xf32, #tpu.memory_space<hbm>> -> memref<1x32xf32, #tpu.memory_space<hbm>>
      %dma_start3A_490 = arith.constant 0 : i32
      %dma_start3A_491 = tpu.memref_slice %arg6[%add3A_485, %dma_start3A_490] : memref<512x32xf32, #tpu.memory_space<vmem>> -> memref<1x32xf32, #tpu.memory_space<vmem>>
      %dma_start3A_492 = arith.constant 0 : i32
      %dma_start3A_493 = tpu.memref_slice %arg3[%reduce_sum3A_479, %dma_start3A_492] : memref<1000000x32xf32, #tpu.memory_space<hbm>> -> memref<1x32xf32, #tpu.memory_space<hbm>>
      tpu.enqueue_dma source(%dma_start3A_493 : memref<1x32xf32, #tpu.memory_space<hbm>>) target(%dma_start3A_491 : memref<1x32xf32, #tpu.memory_space<vmem>>) target_semaphore(%arg7 : memref<!tpu.dma_semaphore, #tpu.memory_space<semaphore_mem>>)
      %eq3A_494 = arith.constant 4 : i32
      %eq3A_495 = vector.broadcast %eq3A_494 : i32 to vector<16xi32>
      %eq3A_496 = arith.cmpi eq, %iota3A, %eq3A_495 : vector<16xi32>
      %jit3A_497 = arith.constant 0 : i32
      %broadcast_in_dim3A_498 = vector.broadcast %jit3A_497 : i32 to vector<16xi32>
      %select_n3A_499 = arith.select %eq3A_496, %get3A_397, %broadcast_in_dim3A_498 : vector<16xi1>, vector<16xi32>
      %reduce_sum3A_500 = arith.constant true
      %reduce_sum3A_501 = vector.broadcast %reduce_sum3A_500 : i1 to vector<16xi1>
      %reduce_sum3A_502 = tpu.scan <sum>, %select_n3A_499 masked %reduce_sum3A_501 : vector<16xi32>, vector<16xi1> -> vector<16xi32>
      %reduce_sum3A_503 = vector.extract %reduce_sum3A_502[15] : i32 from vector<16xi32>
      %mul3A_504 = arith.constant 32 : i32
      %mul3A_505 = arith.muli %scan3A_8, %mul3A_504 : i32
      %add3A_506 = arith.constant 16 : i32
      %add3A_507 = arith.addi %mul3A_505, %add3A_506 : i32
      %add3A_508 = arith.constant 4 : i32
      %add3A_509 = arith.addi %add3A_507, %add3A_508 : i32
      %dma_start3A_510 = arith.constant 0 : i32
      %dma_start3A_511 = tpu.memref_slice %arg6[%add3A_509, %dma_start3A_510] : memref<512x32xf32, #tpu.memory_space<vmem>> -> memref<1x32xf32, #tpu.memory_space<vmem>>
      %dma_start3A_512 = arith.constant 0 : i32
      %dma_start3A_513 = tpu.memref_slice %arg3[%reduce_sum3A_503, %dma_start3A_512] : memref<1000000x32xf32, #tpu.memory_space<hbm>> -> memref<1x32xf32, #tpu.memory_space<hbm>>
      %dma_start3A_514 = arith.constant 0 : i32
      %dma_start3A_515 = tpu.memref_slice %arg6[%add3A_509, %dma_start3A_514] : memref<512x32xf32, #tpu.memory_space<vmem>> -> memref<1x32xf32, #tpu.memory_space<vmem>>
      %dma_start3A_516 = arith.constant 0 : i32
      %dma_start3A_517 = tpu.memref_slice %arg3[%reduce_sum3A_503, %dma_start3A_516] : memref<1000000x32xf32, #tpu.memory_space<hbm>> -> memref<1x32xf32, #tpu.memory_space<hbm>>
      tpu.enqueue_dma source(%dma_start3A_517 : memref<1x32xf32, #tpu.memory_space<hbm>>) target(%dma_start3A_515 : memref<1x32xf32, #tpu.memory_space<vmem>>) target_semaphore(%arg7 : memref<!tpu.dma_semaphore, #tpu.memory_space<semaphore_mem>>)
      %eq3A_518 = arith.constant 5 : i32
      %eq3A_519 = vector.broadcast %eq3A_518 : i32 to vector<16xi32>
      %eq3A_520 = arith.cmpi eq, %iota3A, %eq3A_519 : vector<16xi32>
      %jit3A_521 = arith.constant 0 : i32
      %broadcast_in_dim3A_522 = vector.broadcast %jit3A_521 : i32 to vector<16xi32>
      %select_n3A_523 = arith.select %eq3A_520, %get3A_397, %broadcast_in_dim3A_522 : vector<16xi1>, vector<16xi32>
      %reduce_sum3A_524 = arith.constant true
      %reduce_sum3A_525 = vector.broadcast %reduce_sum3A_524 : i1 to vector<16xi1>
      %reduce_sum3A_526 = tpu.scan <sum>, %select_n3A_523 masked %reduce_sum3A_525 : vector<16xi32>, vector<16xi1> -> vector<16xi32>
      %reduce_sum3A_527 = vector.extract %reduce_sum3A_526[15] : i32 from vector<16xi32>
      %mul3A_528 = arith.constant 32 : i32
      %mul3A_529 = arith.muli %scan3A_8, %mul3A_528 : i32
      %add3A_530 = arith.constant 16 : i32
      %add3A_531 = arith.addi %mul3A_529, %add3A_530 : i32
      %add3A_532 = arith.constant 5 : i32
      %add3A_533 = arith.addi %add3A_531, %add3A_532 : i32
      %dma_start3A_534 = arith.constant 0 : i32
      %dma_start3A_535 = tpu.memref_slice %arg6[%add3A_533, %dma_start3A_534] : memref<512x32xf32, #tpu.memory_space<vmem>> -> memref<1x32xf32, #tpu.memory_space<vmem>>
      %dma_start3A_536 = arith.constant 0 : i32
      %dma_start3A_537 = tpu.memref_slice %arg3[%reduce_sum3A_527, %dma_start3A_536] : memref<1000000x32xf32, #tpu.memory_space<hbm>> -> memref<1x32xf32, #tpu.memory_space<hbm>>
      %dma_start3A_538 = arith.constant 0 : i32
      %dma_start3A_539 = tpu.memref_slice %arg6[%add3A_533, %dma_start3A_538] : memref<512x32xf32, #tpu.memory_space<vmem>> -> memref<1x32xf32, #tpu.memory_space<vmem>>
      %dma_start3A_540 = arith.constant 0 : i32
      %dma_start3A_541 = tpu.memref_slice %arg3[%reduce_sum3A_527, %dma_start3A_540] : memref<1000000x32xf32, #tpu.memory_space<hbm>> -> memref<1x32xf32, #tpu.memory_space<hbm>>
      tpu.enqueue_dma source(%dma_start3A_541 : memref<1x32xf32, #tpu.memory_space<hbm>>) target(%dma_start3A_539 : memref<1x32xf32, #tpu.memory_space<vmem>>) target_semaphore(%arg7 : memref<!tpu.dma_semaphore, #tpu.memory_space<semaphore_mem>>)
      %eq3A_542 = arith.constant 6 : i32
      %eq3A_543 = vector.broadcast %eq3A_542 : i32 to vector<16xi32>
      %eq3A_544 = arith.cmpi eq, %iota3A, %eq3A_543 : vector<16xi32>
      %jit3A_545 = arith.constant 0 : i32
      %broadcast_in_dim3A_546 = vector.broadcast %jit3A_545 : i32 to vector<16xi32>
      %select_n3A_547 = arith.select %eq3A_544, %get3A_397, %broadcast_in_dim3A_546 : vector<16xi1>, vector<16xi32>
      %reduce_sum3A_548 = arith.constant true
      %reduce_sum3A_549 = vector.broadcast %reduce_sum3A_548 : i1 to vector<16xi1>
      %reduce_sum3A_550 = tpu.scan <sum>, %select_n3A_547 masked %reduce_sum3A_549 : vector<16xi32>, vector<16xi1> -> vector<16xi32>
      %reduce_sum3A_551 = vector.extract %reduce_sum3A_550[15] : i32 from vector<16xi32>
      %mul3A_552 = arith.constant 32 : i32
      %mul3A_553 = arith.muli %scan3A_8, %mul3A_552 : i32
      %add3A_554 = arith.constant 16 : i32
      %add3A_555 = arith.addi %mul3A_553, %add3A_554 : i32
      %add3A_556 = arith.constant 6 : i32
      %add3A_557 = arith.addi %add3A_555, %add3A_556 : i32
      %dma_start3A_558 = arith.constant 0 : i32
      %dma_start3A_559 = tpu.memref_slice %arg6[%add3A_557, %dma_start3A_558] : memref<512x32xf32, #tpu.memory_space<vmem>> -> memref<1x32xf32, #tpu.memory_space<vmem>>
      %dma_start3A_560 = arith.constant 0 : i32
      %dma_start3A_561 = tpu.memref_slice %arg3[%reduce_sum3A_551, %dma_start3A_560] : memref<1000000x32xf32, #tpu.memory_space<hbm>> -> memref<1x32xf32, #tpu.memory_space<hbm>>
      %dma_start3A_562 = arith.constant 0 : i32
      %dma_start3A_563 = tpu.memref_slice %arg6[%add3A_557, %dma_start3A_562] : memref<512x32xf32, #tpu.memory_space<vmem>> -> memref<1x32xf32, #tpu.memory_space<vmem>>
      %dma_start3A_564 = arith.constant 0 : i32
      %dma_start3A_565 = tpu.memref_slice %arg3[%reduce_sum3A_551, %dma_start3A_564] : memref<1000000x32xf32, #tpu.memory_space<hbm>> -> memref<1x32xf32, #tpu.memory_space<hbm>>
      tpu.enqueue_dma source(%dma_start3A_565 : memref<1x32xf32, #tpu.memory_space<hbm>>) target(%dma_start3A_563 : memref<1x32xf32, #tpu.memory_space<vmem>>) target_semaphore(%arg7 : memref<!tpu.dma_semaphore, #tpu.memory_space<semaphore_mem>>)
      %eq3A_566 = arith.constant 7 : i32
      %eq3A_567 = vector.broadcast %eq3A_566 : i32 to vector<16xi32>
      %eq3A_568 = arith.cmpi eq, %iota3A, %eq3A_567 : vector<16xi32>
      %jit3A_569 = arith.constant 0 : i32
      %broadcast_in_dim3A_570 = vector.broadcast %jit3A_569 : i32 to vector<16xi32>
      %select_n3A_571 = arith.select %eq3A_568, %get3A_397, %broadcast_in_dim3A_570 : vector<16xi1>, vector<16xi32>
      %reduce_sum3A_572 = arith.constant true
      %reduce_sum3A_573 = vector.broadcast %reduce_sum3A_572 : i1 to vector<16xi1>
      %reduce_sum3A_574 = tpu.scan <sum>, %select_n3A_571 masked %reduce_sum3A_573 : vector<16xi32>, vector<16xi1> -> vector<16xi32>
      %reduce_sum3A_575 = vector.extract %reduce_sum3A_574[15] : i32 from vector<16xi32>
      %mul3A_576 = arith.constant 32 : i32
      %mul3A_577 = arith.muli %scan3A_8, %mul3A_576 : i32
      %add3A_578 = arith.constant 16 : i32
      %add3A_579 = arith.addi %mul3A_577, %add3A_578 : i32
      %add3A_580 = arith.constant 7 : i32
      %add3A_581 = arith.addi %add3A_579, %add3A_580 : i32
      %dma_start3A_582 = arith.constant 0 : i32
      %dma_start3A_583 = tpu.memref_slice %arg6[%add3A_581, %dma_start3A_582] : memref<512x32xf32, #tpu.memory_space<vmem>> -> memref<1x32xf32, #tpu.memory_space<vmem>>
      %dma_start3A_584 = arith.constant 0 : i32
      %dma_start3A_585 = tpu.memref_slice %arg3[%reduce_sum3A_575, %dma_start3A_584] : memref<1000000x32xf32, #tpu.memory_space<hbm>> -> memref<1x32xf32, #tpu.memory_space<hbm>>
      %dma_start3A_586 = arith.constant 0 : i32
      %dma_start3A_587 = tpu.memref_slice %arg6[%add3A_581, %dma_start3A_586] : memref<512x32xf32, #tpu.memory_space<vmem>> -> memref<1x32xf32, #tpu.memory_space<vmem>>
      %dma_start3A_588 = arith.constant 0 : i32
      %dma_start3A_589 = tpu.memref_slice %arg3[%reduce_sum3A_575, %dma_start3A_588] : memref<1000000x32xf32, #tpu.memory_space<hbm>> -> memref<1x32xf32, #tpu.memory_space<hbm>>
      tpu.enqueue_dma source(%dma_start3A_589 : memref<1x32xf32, #tpu.memory_space<hbm>>) target(%dma_start3A_587 : memref<1x32xf32, #tpu.memory_space<vmem>>) target_semaphore(%arg7 : memref<!tpu.dma_semaphore, #tpu.memory_space<semaphore_mem>>)
      %eq3A_590 = arith.constant 8 : i32
      %eq3A_591 = vector.broadcast %eq3A_590 : i32 to vector<16xi32>
      %eq3A_592 = arith.cmpi eq, %iota3A, %eq3A_591 : vector<16xi32>
      %jit3A_593 = arith.constant 0 : i32
      %broadcast_in_dim3A_594 = vector.broadcast %jit3A_593 : i32 to vector<16xi32>
      %select_n3A_595 = arith.select %eq3A_592, %get3A_397, %broadcast_in_dim3A_594 : vector<16xi1>, vector<16xi32>
      %reduce_sum3A_596 = arith.constant true
      %reduce_sum3A_597 = vector.broadcast %reduce_sum3A_596 : i1 to vector<16xi1>
      %reduce_sum3A_598 = tpu.scan <sum>, %select_n3A_595 masked %reduce_sum3A_597 : vector<16xi32>, vector<16xi1> -> vector<16xi32>
      %reduce_sum3A_599 = vector.extract %reduce_sum3A_598[15] : i32 from vector<16xi32>
      %mul3A_600 = arith.constant 32 : i32
      %mul3A_601 = arith.muli %scan3A_8, %mul3A_600 : i32
      %add3A_602 = arith.constant 16 : i32
      %add3A_603 = arith.addi %mul3A_601, %add3A_602 : i32
      %add3A_604 = arith.constant 8 : i32
      %add3A_605 = arith.addi %add3A_603, %add3A_604 : i32
      %dma_start3A_606 = arith.constant 0 : i32
      %dma_start3A_607 = tpu.memref_slice %arg6[%add3A_605, %dma_start3A_606] : memref<512x32xf32, #tpu.memory_space<vmem>> -> memref<1x32xf32, #tpu.memory_space<vmem>>
      %dma_start3A_608 = arith.constant 0 : i32
      %dma_start3A_609 = tpu.memref_slice %arg3[%reduce_sum3A_599, %dma_start3A_608] : memref<1000000x32xf32, #tpu.memory_space<hbm>> -> memref<1x32xf32, #tpu.memory_space<hbm>>
      %dma_start3A_610 = arith.constant 0 : i32
      %dma_start3A_611 = tpu.memref_slice %arg6[%add3A_605, %dma_start3A_610] : memref<512x32xf32, #tpu.memory_space<vmem>> -> memref<1x32xf32, #tpu.memory_space<vmem>>
      %dma_start3A_612 = arith.constant 0 : i32
      %dma_start3A_613 = tpu.memref_slice %arg3[%reduce_sum3A_599, %dma_start3A_612] : memref<1000000x32xf32, #tpu.memory_space<hbm>> -> memref<1x32xf32, #tpu.memory_space<hbm>>
      tpu.enqueue_dma source(%dma_start3A_613 : memref<1x32xf32, #tpu.memory_space<hbm>>) target(%dma_start3A_611 : memref<1x32xf32, #tpu.memory_space<vmem>>) target_semaphore(%arg7 : memref<!tpu.dma_semaphore, #tpu.memory_space<semaphore_mem>>)
      %eq3A_614 = arith.constant 9 : i32
      %eq3A_615 = vector.broadcast %eq3A_614 : i32 to vector<16xi32>
      %eq3A_616 = arith.cmpi eq, %iota3A, %eq3A_615 : vector<16xi32>
      %jit3A_617 = arith.constant 0 : i32
      %broadcast_in_dim3A_618 = vector.broadcast %jit3A_617 : i32 to vector<16xi32>
      %select_n3A_619 = arith.select %eq3A_616, %get3A_397, %broadcast_in_dim3A_618 : vector<16xi1>, vector<16xi32>
      %reduce_sum3A_620 = arith.constant true
      %reduce_sum3A_621 = vector.broadcast %reduce_sum3A_620 : i1 to vector<16xi1>
      %reduce_sum3A_622 = tpu.scan <sum>, %select_n3A_619 masked %reduce_sum3A_621 : vector<16xi32>, vector<16xi1> -> vector<16xi32>
      %reduce_sum3A_623 = vector.extract %reduce_sum3A_622[15] : i32 from vector<16xi32>
      %mul3A_624 = arith.constant 32 : i32
      %mul3A_625 = arith.muli %scan3A_8, %mul3A_624 : i32
      %add3A_626 = arith.constant 16 : i32
      %add3A_627 = arith.addi %mul3A_625, %add3A_626 : i32
      %add3A_628 = arith.constant 9 : i32
      %add3A_629 = arith.addi %add3A_627, %add3A_628 : i32
      %dma_start3A_630 = arith.constant 0 : i32
      %dma_start3A_631 = tpu.memref_slice %arg6[%add3A_629, %dma_start3A_630] : memref<512x32xf32, #tpu.memory_space<vmem>> -> memref<1x32xf32, #tpu.memory_space<vmem>>
      %dma_start3A_632 = arith.constant 0 : i32
      %dma_start3A_633 = tpu.memref_slice %arg3[%reduce_sum3A_623, %dma_start3A_632] : memref<1000000x32xf32, #tpu.memory_space<hbm>> -> memref<1x32xf32, #tpu.memory_space<hbm>>
      %dma_start3A_634 = arith.constant 0 : i32
      %dma_start3A_635 = tpu.memref_slice %arg6[%add3A_629, %dma_start3A_634] : memref<512x32xf32, #tpu.memory_space<vmem>> -> memref<1x32xf32, #tpu.memory_space<vmem>>
      %dma_start3A_636 = arith.constant 0 : i32
      %dma_start3A_637 = tpu.memref_slice %arg3[%reduce_sum3A_623, %dma_start3A_636] : memref<1000000x32xf32, #tpu.memory_space<hbm>> -> memref<1x32xf32, #tpu.memory_space<hbm>>
      tpu.enqueue_dma source(%dma_start3A_637 : memref<1x32xf32, #tpu.memory_space<hbm>>) target(%dma_start3A_635 : memref<1x32xf32, #tpu.memory_space<vmem>>) target_semaphore(%arg7 : memref<!tpu.dma_semaphore, #tpu.memory_space<semaphore_mem>>)
      %eq3A_638 = arith.constant 10 : i32
      %eq3A_639 = vector.broadcast %eq3A_638 : i32 to vector<16xi32>
      %eq3A_640 = arith.cmpi eq, %iota3A, %eq3A_639 : vector<16xi32>
      %jit3A_641 = arith.constant 0 : i32
      %broadcast_in_dim3A_642 = vector.broadcast %jit3A_641 : i32 to vector<16xi32>
      %select_n3A_643 = arith.select %eq3A_640, %get3A_397, %broadcast_in_dim3A_642 : vector<16xi1>, vector<16xi32>
      %reduce_sum3A_644 = arith.constant true
      %reduce_sum3A_645 = vector.broadcast %reduce_sum3A_644 : i1 to vector<16xi1>
      %reduce_sum3A_646 = tpu.scan <sum>, %select_n3A_643 masked %reduce_sum3A_645 : vector<16xi32>, vector<16xi1> -> vector<16xi32>
      %reduce_sum3A_647 = vector.extract %reduce_sum3A_646[15] : i32 from vector<16xi32>
      %mul3A_648 = arith.constant 32 : i32
      %mul3A_649 = arith.muli %scan3A_8, %mul3A_648 : i32
      %add3A_650 = arith.constant 16 : i32
      %add3A_651 = arith.addi %mul3A_649, %add3A_650 : i32
      %add3A_652 = arith.constant 10 : i32
      %add3A_653 = arith.addi %add3A_651, %add3A_652 : i32
      %dma_start3A_654 = arith.constant 0 : i32
      %dma_start3A_655 = tpu.memref_slice %arg6[%add3A_653, %dma_start3A_654] : memref<512x32xf32, #tpu.memory_space<vmem>> -> memref<1x32xf32, #tpu.memory_space<vmem>>
      %dma_start3A_656 = arith.constant 0 : i32
      %dma_start3A_657 = tpu.memref_slice %arg3[%reduce_sum3A_647, %dma_start3A_656] : memref<1000000x32xf32, #tpu.memory_space<hbm>> -> memref<1x32xf32, #tpu.memory_space<hbm>>
      %dma_start3A_658 = arith.constant 0 : i32
      %dma_start3A_659 = tpu.memref_slice %arg6[%add3A_653, %dma_start3A_658] : memref<512x32xf32, #tpu.memory_space<vmem>> -> memref<1x32xf32, #tpu.memory_space<vmem>>
      %dma_start3A_660 = arith.constant 0 : i32
      %dma_start3A_661 = tpu.memref_slice %arg3[%reduce_sum3A_647, %dma_start3A_660] : memref<1000000x32xf32, #tpu.memory_space<hbm>> -> memref<1x32xf32, #tpu.memory_space<hbm>>
      tpu.enqueue_dma source(%dma_start3A_661 : memref<1x32xf32, #tpu.memory_space<hbm>>) target(%dma_start3A_659 : memref<1x32xf32, #tpu.memory_space<vmem>>) target_semaphore(%arg7 : memref<!tpu.dma_semaphore, #tpu.memory_space<semaphore_mem>>)
      %eq3A_662 = arith.constant 11 : i32
      %eq3A_663 = vector.broadcast %eq3A_662 : i32 to vector<16xi32>
      %eq3A_664 = arith.cmpi eq, %iota3A, %eq3A_663 : vector<16xi32>
      %jit3A_665 = arith.constant 0 : i32
      %broadcast_in_dim3A_666 = vector.broadcast %jit3A_665 : i32 to vector<16xi32>
      %select_n3A_667 = arith.select %eq3A_664, %get3A_397, %broadcast_in_dim3A_666 : vector<16xi1>, vector<16xi32>
      %reduce_sum3A_668 = arith.constant true
      %reduce_sum3A_669 = vector.broadcast %reduce_sum3A_668 : i1 to vector<16xi1>
      %reduce_sum3A_670 = tpu.scan <sum>, %select_n3A_667 masked %reduce_sum3A_669 : vector<16xi32>, vector<16xi1> -> vector<16xi32>
      %reduce_sum3A_671 = vector.extract %reduce_sum3A_670[15] : i32 from vector<16xi32>
      %mul3A_672 = arith.constant 32 : i32
      %mul3A_673 = arith.muli %scan3A_8, %mul3A_672 : i32
      %add3A_674 = arith.constant 16 : i32
      %add3A_675 = arith.addi %mul3A_673, %add3A_674 : i32
      %add3A_676 = arith.constant 11 : i32
      %add3A_677 = arith.addi %add3A_675, %add3A_676 : i32
      %dma_start3A_678 = arith.constant 0 : i32
      %dma_start3A_679 = tpu.memref_slice %arg6[%add3A_677, %dma_start3A_678] : memref<512x32xf32, #tpu.memory_space<vmem>> -> memref<1x32xf32, #tpu.memory_space<vmem>>
      %dma_start3A_680 = arith.constant 0 : i32
      %dma_start3A_681 = tpu.memref_slice %arg3[%reduce_sum3A_671, %dma_start3A_680] : memref<1000000x32xf32, #tpu.memory_space<hbm>> -> memref<1x32xf32, #tpu.memory_space<hbm>>
      %dma_start3A_682 = arith.constant 0 : i32
      %dma_start3A_683 = tpu.memref_slice %arg6[%add3A_677, %dma_start3A_682] : memref<512x32xf32, #tpu.memory_space<vmem>> -> memref<1x32xf32, #tpu.memory_space<vmem>>
      %dma_start3A_684 = arith.constant 0 : i32
      %dma_start3A_685 = tpu.memref_slice %arg3[%reduce_sum3A_671, %dma_start3A_684] : memref<1000000x32xf32, #tpu.memory_space<hbm>> -> memref<1x32xf32, #tpu.memory_space<hbm>>
      tpu.enqueue_dma source(%dma_start3A_685 : memref<1x32xf32, #tpu.memory_space<hbm>>) target(%dma_start3A_683 : memref<1x32xf32, #tpu.memory_space<vmem>>) target_semaphore(%arg7 : memref<!tpu.dma_semaphore, #tpu.memory_space<semaphore_mem>>)
      %eq3A_686 = arith.constant 12 : i32
      %eq3A_687 = vector.broadcast %eq3A_686 : i32 to vector<16xi32>
      %eq3A_688 = arith.cmpi eq, %iota3A, %eq3A_687 : vector<16xi32>
      %jit3A_689 = arith.constant 0 : i32
      %broadcast_in_dim3A_690 = vector.broadcast %jit3A_689 : i32 to vector<16xi32>
      %select_n3A_691 = arith.select %eq3A_688, %get3A_397, %broadcast_in_dim3A_690 : vector<16xi1>, vector<16xi32>
      %reduce_sum3A_692 = arith.constant true
      %reduce_sum3A_693 = vector.broadcast %reduce_sum3A_692 : i1 to vector<16xi1>
      %reduce_sum3A_694 = tpu.scan <sum>, %select_n3A_691 masked %reduce_sum3A_693 : vector<16xi32>, vector<16xi1> -> vector<16xi32>
      %reduce_sum3A_695 = vector.extract %reduce_sum3A_694[15] : i32 from vector<16xi32>
      %mul3A_696 = arith.constant 32 : i32
      %mul3A_697 = arith.muli %scan3A_8, %mul3A_696 : i32
      %add3A_698 = arith.constant 16 : i32
      %add3A_699 = arith.addi %mul3A_697, %add3A_698 : i32
      %add3A_700 = arith.constant 12 : i32
      %add3A_701 = arith.addi %add3A_699, %add3A_700 : i32
      %dma_start3A_702 = arith.constant 0 : i32
      %dma_start3A_703 = tpu.memref_slice %arg6[%add3A_701, %dma_start3A_702] : memref<512x32xf32, #tpu.memory_space<vmem>> -> memref<1x32xf32, #tpu.memory_space<vmem>>
      %dma_start3A_704 = arith.constant 0 : i32
      %dma_start3A_705 = tpu.memref_slice %arg3[%reduce_sum3A_695, %dma_start3A_704] : memref<1000000x32xf32, #tpu.memory_space<hbm>> -> memref<1x32xf32, #tpu.memory_space<hbm>>
      %dma_start3A_706 = arith.constant 0 : i32
      %dma_start3A_707 = tpu.memref_slice %arg6[%add3A_701, %dma_start3A_706] : memref<512x32xf32, #tpu.memory_space<vmem>> -> memref<1x32xf32, #tpu.memory_space<vmem>>
      %dma_start3A_708 = arith.constant 0 : i32
      %dma_start3A_709 = tpu.memref_slice %arg3[%reduce_sum3A_695, %dma_start3A_708] : memref<1000000x32xf32, #tpu.memory_space<hbm>> -> memref<1x32xf32, #tpu.memory_space<hbm>>
      tpu.enqueue_dma source(%dma_start3A_709 : memref<1x32xf32, #tpu.memory_space<hbm>>) target(%dma_start3A_707 : memref<1x32xf32, #tpu.memory_space<vmem>>) target_semaphore(%arg7 : memref<!tpu.dma_semaphore, #tpu.memory_space<semaphore_mem>>)
      %eq3A_710 = arith.constant 13 : i32
      %eq3A_711 = vector.broadcast %eq3A_710 : i32 to vector<16xi32>
      %eq3A_712 = arith.cmpi eq, %iota3A, %eq3A_711 : vector<16xi32>
      %jit3A_713 = arith.constant 0 : i32
      %broadcast_in_dim3A_714 = vector.broadcast %jit3A_713 : i32 to vector<16xi32>
      %select_n3A_715 = arith.select %eq3A_712, %get3A_397, %broadcast_in_dim3A_714 : vector<16xi1>, vector<16xi32>
      %reduce_sum3A_716 = arith.constant true
      %reduce_sum3A_717 = vector.broadcast %reduce_sum3A_716 : i1 to vector<16xi1>
      %reduce_sum3A_718 = tpu.scan <sum>, %select_n3A_715 masked %reduce_sum3A_717 : vector<16xi32>, vector<16xi1> -> vector<16xi32>
      %reduce_sum3A_719 = vector.extract %reduce_sum3A_718[15] : i32 from vector<16xi32>
      %mul3A_720 = arith.constant 32 : i32
      %mul3A_721 = arith.muli %scan3A_8, %mul3A_720 : i32
      %add3A_722 = arith.constant 16 : i32
      %add3A_723 = arith.addi %mul3A_721, %add3A_722 : i32
      %add3A_724 = arith.constant 13 : i32
      %add3A_725 = arith.addi %add3A_723, %add3A_724 : i32
      %dma_start3A_726 = arith.constant 0 : i32
      %dma_start3A_727 = tpu.memref_slice %arg6[%add3A_725, %dma_start3A_726] : memref<512x32xf32, #tpu.memory_space<vmem>> -> memref<1x32xf32, #tpu.memory_space<vmem>>
      %dma_start3A_728 = arith.constant 0 : i32
      %dma_start3A_729 = tpu.memref_slice %arg3[%reduce_sum3A_719, %dma_start3A_728] : memref<1000000x32xf32, #tpu.memory_space<hbm>> -> memref<1x32xf32, #tpu.memory_space<hbm>>
      %dma_start3A_730 = arith.constant 0 : i32
      %dma_start3A_731 = tpu.memref_slice %arg6[%add3A_725, %dma_start3A_730] : memref<512x32xf32, #tpu.memory_space<vmem>> -> memref<1x32xf32, #tpu.memory_space<vmem>>
      %dma_start3A_732 = arith.constant 0 : i32
      %dma_start3A_733 = tpu.memref_slice %arg3[%reduce_sum3A_719, %dma_start3A_732] : memref<1000000x32xf32, #tpu.memory_space<hbm>> -> memref<1x32xf32, #tpu.memory_space<hbm>>
      tpu.enqueue_dma source(%dma_start3A_733 : memref<1x32xf32, #tpu.memory_space<hbm>>) target(%dma_start3A_731 : memref<1x32xf32, #tpu.memory_space<vmem>>) target_semaphore(%arg7 : memref<!tpu.dma_semaphore, #tpu.memory_space<semaphore_mem>>)
      %eq3A_734 = arith.constant 14 : i32
      %eq3A_735 = vector.broadcast %eq3A_734 : i32 to vector<16xi32>
      %eq3A_736 = arith.cmpi eq, %iota3A, %eq3A_735 : vector<16xi32>
      %jit3A_737 = arith.constant 0 : i32
      %broadcast_in_dim3A_738 = vector.broadcast %jit3A_737 : i32 to vector<16xi32>
      %select_n3A_739 = arith.select %eq3A_736, %get3A_397, %broadcast_in_dim3A_738 : vector<16xi1>, vector<16xi32>
      %reduce_sum3A_740 = arith.constant true
      %reduce_sum3A_741 = vector.broadcast %reduce_sum3A_740 : i1 to vector<16xi1>
      %reduce_sum3A_742 = tpu.scan <sum>, %select_n3A_739 masked %reduce_sum3A_741 : vector<16xi32>, vector<16xi1> -> vector<16xi32>
      %reduce_sum3A_743 = vector.extract %reduce_sum3A_742[15] : i32 from vector<16xi32>
      %mul3A_744 = arith.constant 32 : i32
      %mul3A_745 = arith.muli %scan3A_8, %mul3A_744 : i32
      %add3A_746 = arith.constant 16 : i32
      %add3A_747 = arith.addi %mul3A_745, %add3A_746 : i32
      %add3A_748 = arith.constant 14 : i32
      %add3A_749 = arith.addi %add3A_747, %add3A_748 : i32
      %dma_start3A_750 = arith.constant 0 : i32
      %dma_start3A_751 = tpu.memref_slice %arg6[%add3A_749, %dma_start3A_750] : memref<512x32xf32, #tpu.memory_space<vmem>> -> memref<1x32xf32, #tpu.memory_space<vmem>>
      %dma_start3A_752 = arith.constant 0 : i32
      %dma_start3A_753 = tpu.memref_slice %arg3[%reduce_sum3A_743, %dma_start3A_752] : memref<1000000x32xf32, #tpu.memory_space<hbm>> -> memref<1x32xf32, #tpu.memory_space<hbm>>
      %dma_start3A_754 = arith.constant 0 : i32
      %dma_start3A_755 = tpu.memref_slice %arg6[%add3A_749, %dma_start3A_754] : memref<512x32xf32, #tpu.memory_space<vmem>> -> memref<1x32xf32, #tpu.memory_space<vmem>>
      %dma_start3A_756 = arith.constant 0 : i32
      %dma_start3A_757 = tpu.memref_slice %arg3[%reduce_sum3A_743, %dma_start3A_756] : memref<1000000x32xf32, #tpu.memory_space<hbm>> -> memref<1x32xf32, #tpu.memory_space<hbm>>
      tpu.enqueue_dma source(%dma_start3A_757 : memref<1x32xf32, #tpu.memory_space<hbm>>) target(%dma_start3A_755 : memref<1x32xf32, #tpu.memory_space<vmem>>) target_semaphore(%arg7 : memref<!tpu.dma_semaphore, #tpu.memory_space<semaphore_mem>>)
      %eq3A_758 = arith.constant 15 : i32
      %eq3A_759 = vector.broadcast %eq3A_758 : i32 to vector<16xi32>
      %eq3A_760 = arith.cmpi eq, %iota3A, %eq3A_759 : vector<16xi32>
      %jit3A_761 = arith.constant 0 : i32
      %broadcast_in_dim3A_762 = vector.broadcast %jit3A_761 : i32 to vector<16xi32>
      %select_n3A_763 = arith.select %eq3A_760, %get3A_397, %broadcast_in_dim3A_762 : vector<16xi1>, vector<16xi32>
      %reduce_sum3A_764 = arith.constant true
      %reduce_sum3A_765 = vector.broadcast %reduce_sum3A_764 : i1 to vector<16xi1>
      %reduce_sum3A_766 = tpu.scan <sum>, %select_n3A_763 masked %reduce_sum3A_765 : vector<16xi32>, vector<16xi1> -> vector<16xi32>
      %reduce_sum3A_767 = vector.extract %reduce_sum3A_766[15] : i32 from vector<16xi32>
      %mul3A_768 = arith.constant 32 : i32
      %mul3A_769 = arith.muli %scan3A_8, %mul3A_768 : i32
      %add3A_770 = arith.constant 16 : i32
      %add3A_771 = arith.addi %mul3A_769, %add3A_770 : i32
      %add3A_772 = arith.constant 15 : i32
      %add3A_773 = arith.addi %add3A_771, %add3A_772 : i32
      %dma_start3A_774 = arith.constant 0 : i32
      %dma_start3A_775 = tpu.memref_slice %arg6[%add3A_773, %dma_start3A_774] : memref<512x32xf32, #tpu.memory_space<vmem>> -> memref<1x32xf32, #tpu.memory_space<vmem>>
      %dma_start3A_776 = arith.constant 0 : i32
      %dma_start3A_777 = tpu.memref_slice %arg3[%reduce_sum3A_767, %dma_start3A_776] : memref<1000000x32xf32, #tpu.memory_space<hbm>> -> memref<1x32xf32, #tpu.memory_space<hbm>>
      %dma_start3A_778 = arith.constant 0 : i32
      %dma_start3A_779 = tpu.memref_slice %arg6[%add3A_773, %dma_start3A_778] : memref<512x32xf32, #tpu.memory_space<vmem>> -> memref<1x32xf32, #tpu.memory_space<vmem>>
      %dma_start3A_780 = arith.constant 0 : i32
      %dma_start3A_781 = tpu.memref_slice %arg3[%reduce_sum3A_767, %dma_start3A_780] : memref<1000000x32xf32, #tpu.memory_space<hbm>> -> memref<1x32xf32, #tpu.memory_space<hbm>>
      tpu.enqueue_dma source(%dma_start3A_781 : memref<1x32xf32, #tpu.memory_space<hbm>>) target(%dma_start3A_779 : memref<1x32xf32, #tpu.memory_space<vmem>>) target_semaphore(%arg7 : memref<!tpu.dma_semaphore, #tpu.memory_space<semaphore_mem>>)
      %dma_wait3A = arith.constant 0 : i32
      %dma_wait3A_782 = tpu.memref_slice %arg6[%add3A_24, %dma_wait3A] : memref<512x32xf32, #tpu.memory_space<vmem>> -> memref<1x32xf32, #tpu.memory_space<vmem>>
      %dma_wait3A_783 = arith.constant 0 : i32
      %dma_wait3A_784 = tpu.memref_slice %arg3[%reduce_sum3A_18, %dma_wait3A_783] : memref<1000000x32xf32, #tpu.memory_space<hbm>> -> memref<1x32xf32, #tpu.memory_space<hbm>>
      %dma_wait3A_785 = arith.constant 0 : i32
      %dma_wait3A_786 = tpu.memref_slice %arg6[%add3A_24, %dma_wait3A_785] : memref<512x32xf32, #tpu.memory_space<vmem>> -> memref<1x32xf32, #tpu.memory_space<vmem>>
      %dma_wait3A_787 = arith.constant 0 : i32
      %dma_wait3A_788 = tpu.memref_slice %arg3[%reduce_sum3A_18, %dma_wait3A_787] : memref<1000000x32xf32, #tpu.memory_space<hbm>> -> memref<1x32xf32, #tpu.memory_space<hbm>>
      tpu.wait_dma2 semaphore(%arg7 : memref<!tpu.dma_semaphore, #tpu.memory_space<semaphore_mem>>) src(%dma_wait3A_788 : memref<1x32xf32, #tpu.memory_space<hbm>>) dst(%dma_wait3A_786 : memref<1x32xf32, #tpu.memory_space<vmem>>)
      %dma_wait3A_789 = arith.constant 0 : i32
      %dma_wait3A_790 = tpu.memref_slice %arg6[%add3A_47, %dma_wait3A_789] : memref<512x32xf32, #tpu.memory_space<vmem>> -> memref<1x32xf32, #tpu.memory_space<vmem>>
      %dma_wait3A_791 = arith.constant 0 : i32
      %dma_wait3A_792 = tpu.memref_slice %arg3[%reduce_sum3A_41, %dma_wait3A_791] : memref<1000000x32xf32, #tpu.memory_space<hbm>> -> memref<1x32xf32, #tpu.memory_space<hbm>>
      %dma_wait3A_793 = arith.constant 0 : i32
      %dma_wait3A_794 = tpu.memref_slice %arg6[%add3A_47, %dma_wait3A_793] : memref<512x32xf32, #tpu.memory_space<vmem>> -> memref<1x32xf32, #tpu.memory_space<vmem>>
      %dma_wait3A_795 = arith.constant 0 : i32
      %dma_wait3A_796 = tpu.memref_slice %arg3[%reduce_sum3A_41, %dma_wait3A_795] : memref<1000000x32xf32, #tpu.memory_space<hbm>> -> memref<1x32xf32, #tpu.memory_space<hbm>>
      tpu.wait_dma2 semaphore(%arg7 : memref<!tpu.dma_semaphore, #tpu.memory_space<semaphore_mem>>) src(%dma_wait3A_796 : memref<1x32xf32, #tpu.memory_space<hbm>>) dst(%dma_wait3A_794 : memref<1x32xf32, #tpu.memory_space<vmem>>)
      %dma_wait3A_797 = arith.constant 0 : i32
      %dma_wait3A_798 = tpu.memref_slice %arg6[%add3A_71, %dma_wait3A_797] : memref<512x32xf32, #tpu.memory_space<vmem>> -> memref<1x32xf32, #tpu.memory_space<vmem>>
      %dma_wait3A_799 = arith.constant 0 : i32
      %dma_wait3A_800 = tpu.memref_slice %arg3[%reduce_sum3A_65, %dma_wait3A_799] : memref<1000000x32xf32, #tpu.memory_space<hbm>> -> memref<1x32xf32, #tpu.memory_space<hbm>>
      %dma_wait3A_801 = arith.constant 0 : i32
      %dma_wait3A_802 = tpu.memref_slice %arg6[%add3A_71, %dma_wait3A_801] : memref<512x32xf32, #tpu.memory_space<vmem>> -> memref<1x32xf32, #tpu.memory_space<vmem>>
      %dma_wait3A_803 = arith.constant 0 : i32
      %dma_wait3A_804 = tpu.memref_slice %arg3[%reduce_sum3A_65, %dma_wait3A_803] : memref<1000000x32xf32, #tpu.memory_space<hbm>> -> memref<1x32xf32, #tpu.memory_space<hbm>>
      tpu.wait_dma2 semaphore(%arg7 : memref<!tpu.dma_semaphore, #tpu.memory_space<semaphore_mem>>) src(%dma_wait3A_804 : memref<1x32xf32, #tpu.memory_space<hbm>>) dst(%dma_wait3A_802 : memref<1x32xf32, #tpu.memory_space<vmem>>)
      %dma_wait3A_805 = arith.constant 0 : i32
      %dma_wait3A_806 = tpu.memref_slice %arg6[%add3A_95, %dma_wait3A_805] : memref<512x32xf32, #tpu.memory_space<vmem>> -> memref<1x32xf32, #tpu.memory_space<vmem>>
      %dma_wait3A_807 = arith.constant 0 : i32
      %dma_wait3A_808 = tpu.memref_slice %arg3[%reduce_sum3A_89, %dma_wait3A_807] : memref<1000000x32xf32, #tpu.memory_space<hbm>> -> memref<1x32xf32, #tpu.memory_space<hbm>>
      %dma_wait3A_809 = arith.constant 0 : i32
      %dma_wait3A_810 = tpu.memref_slice %arg6[%add3A_95, %dma_wait3A_809] : memref<512x32xf32, #tpu.memory_space<vmem>> -> memref<1x32xf32, #tpu.memory_space<vmem>>
      %dma_wait3A_811 = arith.constant 0 : i32
      %dma_wait3A_812 = tpu.memref_slice %arg3[%reduce_sum3A_89, %dma_wait3A_811] : memref<1000000x32xf32, #tpu.memory_space<hbm>> -> memref<1x32xf32, #tpu.memory_space<hbm>>
      tpu.wait_dma2 semaphore(%arg7 : memref<!tpu.dma_semaphore, #tpu.memory_space<semaphore_mem>>) src(%dma_wait3A_812 : memref<1x32xf32, #tpu.memory_space<hbm>>) dst(%dma_wait3A_810 : memref<1x32xf32, #tpu.memory_space<vmem>>)
      %dma_wait3A_813 = arith.constant 0 : i32
      %dma_wait3A_814 = tpu.memref_slice %arg6[%add3A_119, %dma_wait3A_813] : memref<512x32xf32, #tpu.memory_space<vmem>> -> memref<1x32xf32, #tpu.memory_space<vmem>>
      %dma_wait3A_815 = arith.constant 0 : i32
      %dma_wait3A_816 = tpu.memref_slice %arg3[%reduce_sum3A_113, %dma_wait3A_815] : memref<1000000x32xf32, #tpu.memory_space<hbm>> -> memref<1x32xf32, #tpu.memory_space<hbm>>
      %dma_wait3A_817 = arith.constant 0 : i32
      %dma_wait3A_818 = tpu.memref_slice %arg6[%add3A_119, %dma_wait3A_817] : memref<512x32xf32, #tpu.memory_space<vmem>> -> memref<1x32xf32, #tpu.memory_space<vmem>>
      %dma_wait3A_819 = arith.constant 0 : i32
      %dma_wait3A_820 = tpu.memref_slice %arg3[%reduce_sum3A_113, %dma_wait3A_819] : memref<1000000x32xf32, #tpu.memory_space<hbm>> -> memref<1x32xf32, #tpu.memory_space<hbm>>
      tpu.wait_dma2 semaphore(%arg7 : memref<!tpu.dma_semaphore, #tpu.memory_space<semaphore_mem>>) src(%dma_wait3A_820 : memref<1x32xf32, #tpu.memory_space<hbm>>) dst(%dma_wait3A_818 : memref<1x32xf32, #tpu.memory_space<vmem>>)
      %dma_wait3A_821 = arith.constant 0 : i32
      %dma_wait3A_822 = tpu.memref_slice %arg6[%add3A_143, %dma_wait3A_821] : memref<512x32xf32, #tpu.memory_space<vmem>> -> memref<1x32xf32, #tpu.memory_space<vmem>>
      %dma_wait3A_823 = arith.constant 0 : i32
      %dma_wait3A_824 = tpu.memref_slice %arg3[%reduce_sum3A_137, %dma_wait3A_823] : memref<1000000x32xf32, #tpu.memory_space<hbm>> -> memref<1x32xf32, #tpu.memory_space<hbm>>
      %dma_wait3A_825 = arith.constant 0 : i32
      %dma_wait3A_826 = tpu.memref_slice %arg6[%add3A_143, %dma_wait3A_825] : memref<512x32xf32, #tpu.memory_space<vmem>> -> memref<1x32xf32, #tpu.memory_space<vmem>>
      %dma_wait3A_827 = arith.constant 0 : i32
      %dma_wait3A_828 = tpu.memref_slice %arg3[%reduce_sum3A_137, %dma_wait3A_827] : memref<1000000x32xf32, #tpu.memory_space<hbm>> -> memref<1x32xf32, #tpu.memory_space<hbm>>
      tpu.wait_dma2 semaphore(%arg7 : memref<!tpu.dma_semaphore, #tpu.memory_space<semaphore_mem>>) src(%dma_wait3A_828 : memref<1x32xf32, #tpu.memory_space<hbm>>) dst(%dma_wait3A_826 : memref<1x32xf32, #tpu.memory_space<vmem>>)
      %dma_wait3A_829 = arith.constant 0 : i32
      %dma_wait3A_830 = tpu.memref_slice %arg6[%add3A_167, %dma_wait3A_829] : memref<512x32xf32, #tpu.memory_space<vmem>> -> memref<1x32xf32, #tpu.memory_space<vmem>>
      %dma_wait3A_831 = arith.constant 0 : i32
      %dma_wait3A_832 = tpu.memref_slice %arg3[%reduce_sum3A_161, %dma_wait3A_831] : memref<1000000x32xf32, #tpu.memory_space<hbm>> -> memref<1x32xf32, #tpu.memory_space<hbm>>
      %dma_wait3A_833 = arith.constant 0 : i32
      %dma_wait3A_834 = tpu.memref_slice %arg6[%add3A_167, %dma_wait3A_833] : memref<512x32xf32, #tpu.memory_space<vmem>> -> memref<1x32xf32, #tpu.memory_space<vmem>>
      %dma_wait3A_835 = arith.constant 0 : i32
      %dma_wait3A_836 = tpu.memref_slice %arg3[%reduce_sum3A_161, %dma_wait3A_835] : memref<1000000x32xf32, #tpu.memory_space<hbm>> -> memref<1x32xf32, #tpu.memory_space<hbm>>
      tpu.wait_dma2 semaphore(%arg7 : memref<!tpu.dma_semaphore, #tpu.memory_space<semaphore_mem>>) src(%dma_wait3A_836 : memref<1x32xf32, #tpu.memory_space<hbm>>) dst(%dma_wait3A_834 : memref<1x32xf32, #tpu.memory_space<vmem>>)
      %dma_wait3A_837 = arith.constant 0 : i32
      %dma_wait3A_838 = tpu.memref_slice %arg6[%add3A_191, %dma_wait3A_837] : memref<512x32xf32, #tpu.memory_space<vmem>> -> memref<1x32xf32, #tpu.memory_space<vmem>>
      %dma_wait3A_839 = arith.constant 0 : i32
      %dma_wait3A_840 = tpu.memref_slice %arg3[%reduce_sum3A_185, %dma_wait3A_839] : memref<1000000x32xf32, #tpu.memory_space<hbm>> -> memref<1x32xf32, #tpu.memory_space<hbm>>
      %dma_wait3A_841 = arith.constant 0 : i32
      %dma_wait3A_842 = tpu.memref_slice %arg6[%add3A_191, %dma_wait3A_841] : memref<512x32xf32, #tpu.memory_space<vmem>> -> memref<1x32xf32, #tpu.memory_space<vmem>>
      %dma_wait3A_843 = arith.constant 0 : i32
      %dma_wait3A_844 = tpu.memref_slice %arg3[%reduce_sum3A_185, %dma_wait3A_843] : memref<1000000x32xf32, #tpu.memory_space<hbm>> -> memref<1x32xf32, #tpu.memory_space<hbm>>
      tpu.wait_dma2 semaphore(%arg7 : memref<!tpu.dma_semaphore, #tpu.memory_space<semaphore_mem>>) src(%dma_wait3A_844 : memref<1x32xf32, #tpu.memory_space<hbm>>) dst(%dma_wait3A_842 : memref<1x32xf32, #tpu.memory_space<vmem>>)
      %dma_wait3A_845 = arith.constant 0 : i32
      %dma_wait3A_846 = tpu.memref_slice %arg6[%add3A_215, %dma_wait3A_845] : memref<512x32xf32, #tpu.memory_space<vmem>> -> memref<1x32xf32, #tpu.memory_space<vmem>>
      %dma_wait3A_847 = arith.constant 0 : i32
      %dma_wait3A_848 = tpu.memref_slice %arg3[%reduce_sum3A_209, %dma_wait3A_847] : memref<1000000x32xf32, #tpu.memory_space<hbm>> -> memref<1x32xf32, #tpu.memory_space<hbm>>
      %dma_wait3A_849 = arith.constant 0 : i32
      %dma_wait3A_850 = tpu.memref_slice %arg6[%add3A_215, %dma_wait3A_849] : memref<512x32xf32, #tpu.memory_space<vmem>> -> memref<1x32xf32, #tpu.memory_space<vmem>>
      %dma_wait3A_851 = arith.constant 0 : i32
      %dma_wait3A_852 = tpu.memref_slice %arg3[%reduce_sum3A_209, %dma_wait3A_851] : memref<1000000x32xf32, #tpu.memory_space<hbm>> -> memref<1x32xf32, #tpu.memory_space<hbm>>
      tpu.wait_dma2 semaphore(%arg7 : memref<!tpu.dma_semaphore, #tpu.memory_space<semaphore_mem>>) src(%dma_wait3A_852 : memref<1x32xf32, #tpu.memory_space<hbm>>) dst(%dma_wait3A_850 : memref<1x32xf32, #tpu.memory_space<vmem>>)
      %dma_wait3A_853 = arith.constant 0 : i32
      %dma_wait3A_854 = tpu.memref_slice %arg6[%add3A_239, %dma_wait3A_853] : memref<512x32xf32, #tpu.memory_space<vmem>> -> memref<1x32xf32, #tpu.memory_space<vmem>>
      %dma_wait3A_855 = arith.constant 0 : i32
      %dma_wait3A_856 = tpu.memref_slice %arg3[%reduce_sum3A_233, %dma_wait3A_855] : memref<1000000x32xf32, #tpu.memory_space<hbm>> -> memref<1x32xf32, #tpu.memory_space<hbm>>
      %dma_wait3A_857 = arith.constant 0 : i32
      %dma_wait3A_858 = tpu.memref_slice %arg6[%add3A_239, %dma_wait3A_857] : memref<512x32xf32, #tpu.memory_space<vmem>> -> memref<1x32xf32, #tpu.memory_space<vmem>>
      %dma_wait3A_859 = arith.constant 0 : i32
      %dma_wait3A_860 = tpu.memref_slice %arg3[%reduce_sum3A_233, %dma_wait3A_859] : memref<1000000x32xf32, #tpu.memory_space<hbm>> -> memref<1x32xf32, #tpu.memory_space<hbm>>
      tpu.wait_dma2 semaphore(%arg7 : memref<!tpu.dma_semaphore, #tpu.memory_space<semaphore_mem>>) src(%dma_wait3A_860 : memref<1x32xf32, #tpu.memory_space<hbm>>) dst(%dma_wait3A_858 : memref<1x32xf32, #tpu.memory_space<vmem>>)
      %dma_wait3A_861 = arith.constant 0 : i32
      %dma_wait3A_862 = tpu.memref_slice %arg6[%add3A_263, %dma_wait3A_861] : memref<512x32xf32, #tpu.memory_space<vmem>> -> memref<1x32xf32, #tpu.memory_space<vmem>>
      %dma_wait3A_863 = arith.constant 0 : i32
      %dma_wait3A_864 = tpu.memref_slice %arg3[%reduce_sum3A_257, %dma_wait3A_863] : memref<1000000x32xf32, #tpu.memory_space<hbm>> -> memref<1x32xf32, #tpu.memory_space<hbm>>
      %dma_wait3A_865 = arith.constant 0 : i32
      %dma_wait3A_866 = tpu.memref_slice %arg6[%add3A_263, %dma_wait3A_865] : memref<512x32xf32, #tpu.memory_space<vmem>> -> memref<1x32xf32, #tpu.memory_space<vmem>>
      %dma_wait3A_867 = arith.constant 0 : i32
      %dma_wait3A_868 = tpu.memref_slice %arg3[%reduce_sum3A_257, %dma_wait3A_867] : memref<1000000x32xf32, #tpu.memory_space<hbm>> -> memref<1x32xf32, #tpu.memory_space<hbm>>
      tpu.wait_dma2 semaphore(%arg7 : memref<!tpu.dma_semaphore, #tpu.memory_space<semaphore_mem>>) src(%dma_wait3A_868 : memref<1x32xf32, #tpu.memory_space<hbm>>) dst(%dma_wait3A_866 : memref<1x32xf32, #tpu.memory_space<vmem>>)
      %dma_wait3A_869 = arith.constant 0 : i32
      %dma_wait3A_870 = tpu.memref_slice %arg6[%add3A_287, %dma_wait3A_869] : memref<512x32xf32, #tpu.memory_space<vmem>> -> memref<1x32xf32, #tpu.memory_space<vmem>>
      %dma_wait3A_871 = arith.constant 0 : i32
      %dma_wait3A_872 = tpu.memref_slice %arg3[%reduce_sum3A_281, %dma_wait3A_871] : memref<1000000x32xf32, #tpu.memory_space<hbm>> -> memref<1x32xf32, #tpu.memory_space<hbm>>
      %dma_wait3A_873 = arith.constant 0 : i32
      %dma_wait3A_874 = tpu.memref_slice %arg6[%add3A_287, %dma_wait3A_873] : memref<512x32xf32, #tpu.memory_space<vmem>> -> memref<1x32xf32, #tpu.memory_space<vmem>>
      %dma_wait3A_875 = arith.constant 0 : i32
      %dma_wait3A_876 = tpu.memref_slice %arg3[%reduce_sum3A_281, %dma_wait3A_875] : memref<1000000x32xf32, #tpu.memory_space<hbm>> -> memref<1x32xf32, #tpu.memory_space<hbm>>
      tpu.wait_dma2 semaphore(%arg7 : memref<!tpu.dma_semaphore, #tpu.memory_space<semaphore_mem>>) src(%dma_wait3A_876 : memref<1x32xf32, #tpu.memory_space<hbm>>) dst(%dma_wait3A_874 : memref<1x32xf32, #tpu.memory_space<vmem>>)
      %dma_wait3A_877 = arith.constant 0 : i32
      %dma_wait3A_878 = tpu.memref_slice %arg6[%add3A_311, %dma_wait3A_877] : memref<512x32xf32, #tpu.memory_space<vmem>> -> memref<1x32xf32, #tpu.memory_space<vmem>>
      %dma_wait3A_879 = arith.constant 0 : i32
      %dma_wait3A_880 = tpu.memref_slice %arg3[%reduce_sum3A_305, %dma_wait3A_879] : memref<1000000x32xf32, #tpu.memory_space<hbm>> -> memref<1x32xf32, #tpu.memory_space<hbm>>
      %dma_wait3A_881 = arith.constant 0 : i32
      %dma_wait3A_882 = tpu.memref_slice %arg6[%add3A_311, %dma_wait3A_881] : memref<512x32xf32, #tpu.memory_space<vmem>> -> memref<1x32xf32, #tpu.memory_space<vmem>>
      %dma_wait3A_883 = arith.constant 0 : i32
      %dma_wait3A_884 = tpu.memref_slice %arg3[%reduce_sum3A_305, %dma_wait3A_883] : memref<1000000x32xf32, #tpu.memory_space<hbm>> -> memref<1x32xf32, #tpu.memory_space<hbm>>
      tpu.wait_dma2 semaphore(%arg7 : memref<!tpu.dma_semaphore, #tpu.memory_space<semaphore_mem>>) src(%dma_wait3A_884 : memref<1x32xf32, #tpu.memory_space<hbm>>) dst(%dma_wait3A_882 : memref<1x32xf32, #tpu.memory_space<vmem>>)
      %dma_wait3A_885 = arith.constant 0 : i32
      %dma_wait3A_886 = tpu.memref_slice %arg6[%add3A_335, %dma_wait3A_885] : memref<512x32xf32, #tpu.memory_space<vmem>> -> memref<1x32xf32, #tpu.memory_space<vmem>>
      %dma_wait3A_887 = arith.constant 0 : i32
      %dma_wait3A_888 = tpu.memref_slice %arg3[%reduce_sum3A_329, %dma_wait3A_887] : memref<1000000x32xf32, #tpu.memory_space<hbm>> -> memref<1x32xf32, #tpu.memory_space<hbm>>
      %dma_wait3A_889 = arith.constant 0 : i32
      %dma_wait3A_890 = tpu.memref_slice %arg6[%add3A_335, %dma_wait3A_889] : memref<512x32xf32, #tpu.memory_space<vmem>> -> memref<1x32xf32, #tpu.memory_space<vmem>>
      %dma_wait3A_891 = arith.constant 0 : i32
      %dma_wait3A_892 = tpu.memref_slice %arg3[%reduce_sum3A_329, %dma_wait3A_891] : memref<1000000x32xf32, #tpu.memory_space<hbm>> -> memref<1x32xf32, #tpu.memory_space<hbm>>
      tpu.wait_dma2 semaphore(%arg7 : memref<!tpu.dma_semaphore, #tpu.memory_space<semaphore_mem>>) src(%dma_wait3A_892 : memref<1x32xf32, #tpu.memory_space<hbm>>) dst(%dma_wait3A_890 : memref<1x32xf32, #tpu.memory_space<vmem>>)
      %dma_wait3A_893 = arith.constant 0 : i32
      %dma_wait3A_894 = tpu.memref_slice %arg6[%add3A_359, %dma_wait3A_893] : memref<512x32xf32, #tpu.memory_space<vmem>> -> memref<1x32xf32, #tpu.memory_space<vmem>>
      %dma_wait3A_895 = arith.constant 0 : i32
      %dma_wait3A_896 = tpu.memref_slice %arg3[%reduce_sum3A_353, %dma_wait3A_895] : memref<1000000x32xf32, #tpu.memory_space<hbm>> -> memref<1x32xf32, #tpu.memory_space<hbm>>
      %dma_wait3A_897 = arith.constant 0 : i32
      %dma_wait3A_898 = tpu.memref_slice %arg6[%add3A_359, %dma_wait3A_897] : memref<512x32xf32, #tpu.memory_space<vmem>> -> memref<1x32xf32, #tpu.memory_space<vmem>>
      %dma_wait3A_899 = arith.constant 0 : i32
      %dma_wait3A_900 = tpu.memref_slice %arg3[%reduce_sum3A_353, %dma_wait3A_899] : memref<1000000x32xf32, #tpu.memory_space<hbm>> -> memref<1x32xf32, #tpu.memory_space<hbm>>
      tpu.wait_dma2 semaphore(%arg7 : memref<!tpu.dma_semaphore, #tpu.memory_space<semaphore_mem>>) src(%dma_wait3A_900 : memref<1x32xf32, #tpu.memory_space<hbm>>) dst(%dma_wait3A_898 : memref<1x32xf32, #tpu.memory_space<vmem>>)
      %dma_wait3A_901 = arith.constant 0 : i32
      %dma_wait3A_902 = tpu.memref_slice %arg6[%add3A_383, %dma_wait3A_901] : memref<512x32xf32, #tpu.memory_space<vmem>> -> memref<1x32xf32, #tpu.memory_space<vmem>>
      %dma_wait3A_903 = arith.constant 0 : i32
      %dma_wait3A_904 = tpu.memref_slice %arg3[%reduce_sum3A_377, %dma_wait3A_903] : memref<1000000x32xf32, #tpu.memory_space<hbm>> -> memref<1x32xf32, #tpu.memory_space<hbm>>
      %dma_wait3A_905 = arith.constant 0 : i32
      %dma_wait3A_906 = tpu.memref_slice %arg6[%add3A_383, %dma_wait3A_905] : memref<512x32xf32, #tpu.memory_space<vmem>> -> memref<1x32xf32, #tpu.memory_space<vmem>>
      %dma_wait3A_907 = arith.constant 0 : i32
      %dma_wait3A_908 = tpu.memref_slice %arg3[%reduce_sum3A_377, %dma_wait3A_907] : memref<1000000x32xf32, #tpu.memory_space<hbm>> -> memref<1x32xf32, #tpu.memory_space<hbm>>
      tpu.wait_dma2 semaphore(%arg7 : memref<!tpu.dma_semaphore, #tpu.memory_space<semaphore_mem>>) src(%dma_wait3A_908 : memref<1x32xf32, #tpu.memory_space<hbm>>) dst(%dma_wait3A_906 : memref<1x32xf32, #tpu.memory_space<vmem>>)
      %dma_wait3A_909 = arith.constant 0 : i32
      %dma_wait3A_910 = tpu.memref_slice %arg6[%add3A_413, %dma_wait3A_909] : memref<512x32xf32, #tpu.memory_space<vmem>> -> memref<1x32xf32, #tpu.memory_space<vmem>>
      %dma_wait3A_911 = arith.constant 0 : i32
      %dma_wait3A_912 = tpu.memref_slice %arg3[%reduce_sum3A_407, %dma_wait3A_911] : memref<1000000x32xf32, #tpu.memory_space<hbm>> -> memref<1x32xf32, #tpu.memory_space<hbm>>
      %dma_wait3A_913 = arith.constant 0 : i32
      %dma_wait3A_914 = tpu.memref_slice %arg6[%add3A_413, %dma_wait3A_913] : memref<512x32xf32, #tpu.memory_space<vmem>> -> memref<1x32xf32, #tpu.memory_space<vmem>>
      %dma_wait3A_915 = arith.constant 0 : i32
      %dma_wait3A_916 = tpu.memref_slice %arg3[%reduce_sum3A_407, %dma_wait3A_915] : memref<1000000x32xf32, #tpu.memory_space<hbm>> -> memref<1x32xf32, #tpu.memory_space<hbm>>
      tpu.wait_dma2 semaphore(%arg7 : memref<!tpu.dma_semaphore, #tpu.memory_space<semaphore_mem>>) src(%dma_wait3A_916 : memref<1x32xf32, #tpu.memory_space<hbm>>) dst(%dma_wait3A_914 : memref<1x32xf32, #tpu.memory_space<vmem>>)
      %dma_wait3A_917 = arith.constant 0 : i32
      %dma_wait3A_918 = tpu.memref_slice %arg6[%add3A_437, %dma_wait3A_917] : memref<512x32xf32, #tpu.memory_space<vmem>> -> memref<1x32xf32, #tpu.memory_space<vmem>>
      %dma_wait3A_919 = arith.constant 0 : i32
      %dma_wait3A_920 = tpu.memref_slice %arg3[%reduce_sum3A_431, %dma_wait3A_919] : memref<1000000x32xf32, #tpu.memory_space<hbm>> -> memref<1x32xf32, #tpu.memory_space<hbm>>
      %dma_wait3A_921 = arith.constant 0 : i32
      %dma_wait3A_922 = tpu.memref_slice %arg6[%add3A_437, %dma_wait3A_921] : memref<512x32xf32, #tpu.memory_space<vmem>> -> memref<1x32xf32, #tpu.memory_space<vmem>>
      %dma_wait3A_923 = arith.constant 0 : i32
      %dma_wait3A_924 = tpu.memref_slice %arg3[%reduce_sum3A_431, %dma_wait3A_923] : memref<1000000x32xf32, #tpu.memory_space<hbm>> -> memref<1x32xf32, #tpu.memory_space<hbm>>
      tpu.wait_dma2 semaphore(%arg7 : memref<!tpu.dma_semaphore, #tpu.memory_space<semaphore_mem>>) src(%dma_wait3A_924 : memref<1x32xf32, #tpu.memory_space<hbm>>) dst(%dma_wait3A_922 : memref<1x32xf32, #tpu.memory_space<vmem>>)
      %dma_wait3A_925 = arith.constant 0 : i32
      %dma_wait3A_926 = tpu.memref_slice %arg6[%add3A_461, %dma_wait3A_925] : memref<512x32xf32, #tpu.memory_space<vmem>> -> memref<1x32xf32, #tpu.memory_space<vmem>>
      %dma_wait3A_927 = arith.constant 0 : i32
      %dma_wait3A_928 = tpu.memref_slice %arg3[%reduce_sum3A_455, %dma_wait3A_927] : memref<1000000x32xf32, #tpu.memory_space<hbm>> -> memref<1x32xf32, #tpu.memory_space<hbm>>
      %dma_wait3A_929 = arith.constant 0 : i32
      %dma_wait3A_930 = tpu.memref_slice %arg6[%add3A_461, %dma_wait3A_929] : memref<512x32xf32, #tpu.memory_space<vmem>> -> memref<1x32xf32, #tpu.memory_space<vmem>>
      %dma_wait3A_931 = arith.constant 0 : i32
      %dma_wait3A_932 = tpu.memref_slice %arg3[%reduce_sum3A_455, %dma_wait3A_931] : memref<1000000x32xf32, #tpu.memory_space<hbm>> -> memref<1x32xf32, #tpu.memory_space<hbm>>
      tpu.wait_dma2 semaphore(%arg7 : memref<!tpu.dma_semaphore, #tpu.memory_space<semaphore_mem>>) src(%dma_wait3A_932 : memref<1x32xf32, #tpu.memory_space<hbm>>) dst(%dma_wait3A_930 : memref<1x32xf32, #tpu.memory_space<vmem>>)
      %dma_wait3A_933 = arith.constant 0 : i32
      %dma_wait3A_934 = tpu.memref_slice %arg6[%add3A_485, %dma_wait3A_933] : memref<512x32xf32, #tpu.memory_space<vmem>> -> memref<1x32xf32, #tpu.memory_space<vmem>>
      %dma_wait3A_935 = arith.constant 0 : i32
      %dma_wait3A_936 = tpu.memref_slice %arg3[%reduce_sum3A_479, %dma_wait3A_935] : memref<1000000x32xf32, #tpu.memory_space<hbm>> -> memref<1x32xf32, #tpu.memory_space<hbm>>
      %dma_wait3A_937 = arith.constant 0 : i32
      %dma_wait3A_938 = tpu.memref_slice %arg6[%add3A_485, %dma_wait3A_937] : memref<512x32xf32, #tpu.memory_space<vmem>> -> memref<1x32xf32, #tpu.memory_space<vmem>>
      %dma_wait3A_939 = arith.constant 0 : i32
      %dma_wait3A_940 = tpu.memref_slice %arg3[%reduce_sum3A_479, %dma_wait3A_939] : memref<1000000x32xf32, #tpu.memory_space<hbm>> -> memref<1x32xf32, #tpu.memory_space<hbm>>
      tpu.wait_dma2 semaphore(%arg7 : memref<!tpu.dma_semaphore, #tpu.memory_space<semaphore_mem>>) src(%dma_wait3A_940 : memref<1x32xf32, #tpu.memory_space<hbm>>) dst(%dma_wait3A_938 : memref<1x32xf32, #tpu.memory_space<vmem>>)
      %dma_wait3A_941 = arith.constant 0 : i32
      %dma_wait3A_942 = tpu.memref_slice %arg6[%add3A_509, %dma_wait3A_941] : memref<512x32xf32, #tpu.memory_space<vmem>> -> memref<1x32xf32, #tpu.memory_space<vmem>>
      %dma_wait3A_943 = arith.constant 0 : i32
      %dma_wait3A_944 = tpu.memref_slice %arg3[%reduce_sum3A_503, %dma_wait3A_943] : memref<1000000x32xf32, #tpu.memory_space<hbm>> -> memref<1x32xf32, #tpu.memory_space<hbm>>
      %dma_wait3A_945 = arith.constant 0 : i32
      %dma_wait3A_946 = tpu.memref_slice %arg6[%add3A_509, %dma_wait3A_945] : memref<512x32xf32, #tpu.memory_space<vmem>> -> memref<1x32xf32, #tpu.memory_space<vmem>>
      %dma_wait3A_947 = arith.constant 0 : i32
      %dma_wait3A_948 = tpu.memref_slice %arg3[%reduce_sum3A_503, %dma_wait3A_947] : memref<1000000x32xf32, #tpu.memory_space<hbm>> -> memref<1x32xf32, #tpu.memory_space<hbm>>
      tpu.wait_dma2 semaphore(%arg7 : memref<!tpu.dma_semaphore, #tpu.memory_space<semaphore_mem>>) src(%dma_wait3A_948 : memref<1x32xf32, #tpu.memory_space<hbm>>) dst(%dma_wait3A_946 : memref<1x32xf32, #tpu.memory_space<vmem>>)
      %dma_wait3A_949 = arith.constant 0 : i32
      %dma_wait3A_950 = tpu.memref_slice %arg6[%add3A_533, %dma_wait3A_949] : memref<512x32xf32, #tpu.memory_space<vmem>> -> memref<1x32xf32, #tpu.memory_space<vmem>>
      %dma_wait3A_951 = arith.constant 0 : i32
      %dma_wait3A_952 = tpu.memref_slice %arg3[%reduce_sum3A_527, %dma_wait3A_951] : memref<1000000x32xf32, #tpu.memory_space<hbm>> -> memref<1x32xf32, #tpu.memory_space<hbm>>
      %dma_wait3A_953 = arith.constant 0 : i32
      %dma_wait3A_954 = tpu.memref_slice %arg6[%add3A_533, %dma_wait3A_953] : memref<512x32xf32, #tpu.memory_space<vmem>> -> memref<1x32xf32, #tpu.memory_space<vmem>>
      %dma_wait3A_955 = arith.constant 0 : i32
      %dma_wait3A_956 = tpu.memref_slice %arg3[%reduce_sum3A_527, %dma_wait3A_955] : memref<1000000x32xf32, #tpu.memory_space<hbm>> -> memref<1x32xf32, #tpu.memory_space<hbm>>
      tpu.wait_dma2 semaphore(%arg7 : memref<!tpu.dma_semaphore, #tpu.memory_space<semaphore_mem>>) src(%dma_wait3A_956 : memref<1x32xf32, #tpu.memory_space<hbm>>) dst(%dma_wait3A_954 : memref<1x32xf32, #tpu.memory_space<vmem>>)
      %dma_wait3A_957 = arith.constant 0 : i32
      %dma_wait3A_958 = tpu.memref_slice %arg6[%add3A_557, %dma_wait3A_957] : memref<512x32xf32, #tpu.memory_space<vmem>> -> memref<1x32xf32, #tpu.memory_space<vmem>>
      %dma_wait3A_959 = arith.constant 0 : i32
      %dma_wait3A_960 = tpu.memref_slice %arg3[%reduce_sum3A_551, %dma_wait3A_959] : memref<1000000x32xf32, #tpu.memory_space<hbm>> -> memref<1x32xf32, #tpu.memory_space<hbm>>
      %dma_wait3A_961 = arith.constant 0 : i32
      %dma_wait3A_962 = tpu.memref_slice %arg6[%add3A_557, %dma_wait3A_961] : memref<512x32xf32, #tpu.memory_space<vmem>> -> memref<1x32xf32, #tpu.memory_space<vmem>>
      %dma_wait3A_963 = arith.constant 0 : i32
      %dma_wait3A_964 = tpu.memref_slice %arg3[%reduce_sum3A_551, %dma_wait3A_963] : memref<1000000x32xf32, #tpu.memory_space<hbm>> -> memref<1x32xf32, #tpu.memory_space<hbm>>
      tpu.wait_dma2 semaphore(%arg7 : memref<!tpu.dma_semaphore, #tpu.memory_space<semaphore_mem>>) src(%dma_wait3A_964 : memref<1x32xf32, #tpu.memory_space<hbm>>) dst(%dma_wait3A_962 : memref<1x32xf32, #tpu.memory_space<vmem>>)
      %dma_wait3A_965 = arith.constant 0 : i32
      %dma_wait3A_966 = tpu.memref_slice %arg6[%add3A_581, %dma_wait3A_965] : memref<512x32xf32, #tpu.memory_space<vmem>> -> memref<1x32xf32, #tpu.memory_space<vmem>>
      %dma_wait3A_967 = arith.constant 0 : i32
      %dma_wait3A_968 = tpu.memref_slice %arg3[%reduce_sum3A_575, %dma_wait3A_967] : memref<1000000x32xf32, #tpu.memory_space<hbm>> -> memref<1x32xf32, #tpu.memory_space<hbm>>
      %dma_wait3A_969 = arith.constant 0 : i32
      %dma_wait3A_970 = tpu.memref_slice %arg6[%add3A_581, %dma_wait3A_969] : memref<512x32xf32, #tpu.memory_space<vmem>> -> memref<1x32xf32, #tpu.memory_space<vmem>>
      %dma_wait3A_971 = arith.constant 0 : i32
      %dma_wait3A_972 = tpu.memref_slice %arg3[%reduce_sum3A_575, %dma_wait3A_971] : memref<1000000x32xf32, #tpu.memory_space<hbm>> -> memref<1x32xf32, #tpu.memory_space<hbm>>
      tpu.wait_dma2 semaphore(%arg7 : memref<!tpu.dma_semaphore, #tpu.memory_space<semaphore_mem>>) src(%dma_wait3A_972 : memref<1x32xf32, #tpu.memory_space<hbm>>) dst(%dma_wait3A_970 : memref<1x32xf32, #tpu.memory_space<vmem>>)
      %dma_wait3A_973 = arith.constant 0 : i32
      %dma_wait3A_974 = tpu.memref_slice %arg6[%add3A_605, %dma_wait3A_973] : memref<512x32xf32, #tpu.memory_space<vmem>> -> memref<1x32xf32, #tpu.memory_space<vmem>>
      %dma_wait3A_975 = arith.constant 0 : i32
      %dma_wait3A_976 = tpu.memref_slice %arg3[%reduce_sum3A_599, %dma_wait3A_975] : memref<1000000x32xf32, #tpu.memory_space<hbm>> -> memref<1x32xf32, #tpu.memory_space<hbm>>
      %dma_wait3A_977 = arith.constant 0 : i32
      %dma_wait3A_978 = tpu.memref_slice %arg6[%add3A_605, %dma_wait3A_977] : memref<512x32xf32, #tpu.memory_space<vmem>> -> memref<1x32xf32, #tpu.memory_space<vmem>>
      %dma_wait3A_979 = arith.constant 0 : i32
      %dma_wait3A_980 = tpu.memref_slice %arg3[%reduce_sum3A_599, %dma_wait3A_979] : memref<1000000x32xf32, #tpu.memory_space<hbm>> -> memref<1x32xf32, #tpu.memory_space<hbm>>
      tpu.wait_dma2 semaphore(%arg7 : memref<!tpu.dma_semaphore, #tpu.memory_space<semaphore_mem>>) src(%dma_wait3A_980 : memref<1x32xf32, #tpu.memory_space<hbm>>) dst(%dma_wait3A_978 : memref<1x32xf32, #tpu.memory_space<vmem>>)
      %dma_wait3A_981 = arith.constant 0 : i32
      %dma_wait3A_982 = tpu.memref_slice %arg6[%add3A_629, %dma_wait3A_981] : memref<512x32xf32, #tpu.memory_space<vmem>> -> memref<1x32xf32, #tpu.memory_space<vmem>>
      %dma_wait3A_983 = arith.constant 0 : i32
      %dma_wait3A_984 = tpu.memref_slice %arg3[%reduce_sum3A_623, %dma_wait3A_983] : memref<1000000x32xf32, #tpu.memory_space<hbm>> -> memref<1x32xf32, #tpu.memory_space<hbm>>
      %dma_wait3A_985 = arith.constant 0 : i32
      %dma_wait3A_986 = tpu.memref_slice %arg6[%add3A_629, %dma_wait3A_985] : memref<512x32xf32, #tpu.memory_space<vmem>> -> memref<1x32xf32, #tpu.memory_space<vmem>>
      %dma_wait3A_987 = arith.constant 0 : i32
      %dma_wait3A_988 = tpu.memref_slice %arg3[%reduce_sum3A_623, %dma_wait3A_987] : memref<1000000x32xf32, #tpu.memory_space<hbm>> -> memref<1x32xf32, #tpu.memory_space<hbm>>
      tpu.wait_dma2 semaphore(%arg7 : memref<!tpu.dma_semaphore, #tpu.memory_space<semaphore_mem>>) src(%dma_wait3A_988 : memref<1x32xf32, #tpu.memory_space<hbm>>) dst(%dma_wait3A_986 : memref<1x32xf32, #tpu.memory_space<vmem>>)
      %dma_wait3A_989 = arith.constant 0 : i32
      %dma_wait3A_990 = tpu.memref_slice %arg6[%add3A_653, %dma_wait3A_989] : memref<512x32xf32, #tpu.memory_space<vmem>> -> memref<1x32xf32, #tpu.memory_space<vmem>>
      %dma_wait3A_991 = arith.constant 0 : i32
      %dma_wait3A_992 = tpu.memref_slice %arg3[%reduce_sum3A_647, %dma_wait3A_991] : memref<1000000x32xf32, #tpu.memory_space<hbm>> -> memref<1x32xf32, #tpu.memory_space<hbm>>
      %dma_wait3A_993 = arith.constant 0 : i32
      %dma_wait3A_994 = tpu.memref_slice %arg6[%add3A_653, %dma_wait3A_993] : memref<512x32xf32, #tpu.memory_space<vmem>> -> memref<1x32xf32, #tpu.memory_space<vmem>>
      %dma_wait3A_995 = arith.constant 0 : i32
      %dma_wait3A_996 = tpu.memref_slice %arg3[%reduce_sum3A_647, %dma_wait3A_995] : memref<1000000x32xf32, #tpu.memory_space<hbm>> -> memref<1x32xf32, #tpu.memory_space<hbm>>
      tpu.wait_dma2 semaphore(%arg7 : memref<!tpu.dma_semaphore, #tpu.memory_space<semaphore_mem>>) src(%dma_wait3A_996 : memref<1x32xf32, #tpu.memory_space<hbm>>) dst(%dma_wait3A_994 : memref<1x32xf32, #tpu.memory_space<vmem>>)
      %dma_wait3A_997 = arith.constant 0 : i32
      %dma_wait3A_998 = tpu.memref_slice %arg6[%add3A_677, %dma_wait3A_997] : memref<512x32xf32, #tpu.memory_space<vmem>> -> memref<1x32xf32, #tpu.memory_space<vmem>>
      %dma_wait3A_999 = arith.constant 0 : i32
      %dma_wait3A_1000 = tpu.memref_slice %arg3[%reduce_sum3A_671, %dma_wait3A_999] : memref<1000000x32xf32, #tpu.memory_space<hbm>> -> memref<1x32xf32, #tpu.memory_space<hbm>>
      %dma_wait3A_1001 = arith.constant 0 : i32
      %dma_wait3A_1002 = tpu.memref_slice %arg6[%add3A_677, %dma_wait3A_1001] : memref<512x32xf32, #tpu.memory_space<vmem>> -> memref<1x32xf32, #tpu.memory_space<vmem>>
      %dma_wait3A_1003 = arith.constant 0 : i32
      %dma_wait3A_1004 = tpu.memref_slice %arg3[%reduce_sum3A_671, %dma_wait3A_1003] : memref<1000000x32xf32, #tpu.memory_space<hbm>> -> memref<1x32xf32, #tpu.memory_space<hbm>>
      tpu.wait_dma2 semaphore(%arg7 : memref<!tpu.dma_semaphore, #tpu.memory_space<semaphore_mem>>) src(%dma_wait3A_1004 : memref<1x32xf32, #tpu.memory_space<hbm>>) dst(%dma_wait3A_1002 : memref<1x32xf32, #tpu.memory_space<vmem>>)
      %dma_wait3A_1005 = arith.constant 0 : i32
      %dma_wait3A_1006 = tpu.memref_slice %arg6[%add3A_701, %dma_wait3A_1005] : memref<512x32xf32, #tpu.memory_space<vmem>> -> memref<1x32xf32, #tpu.memory_space<vmem>>
      %dma_wait3A_1007 = arith.constant 0 : i32
      %dma_wait3A_1008 = tpu.memref_slice %arg3[%reduce_sum3A_695, %dma_wait3A_1007] : memref<1000000x32xf32, #tpu.memory_space<hbm>> -> memref<1x32xf32, #tpu.memory_space<hbm>>
      %dma_wait3A_1009 = arith.constant 0 : i32
      %dma_wait3A_1010 = tpu.memref_slice %arg6[%add3A_701, %dma_wait3A_1009] : memref<512x32xf32, #tpu.memory_space<vmem>> -> memref<1x32xf32, #tpu.memory_space<vmem>>
      %dma_wait3A_1011 = arith.constant 0 : i32
      %dma_wait3A_1012 = tpu.memref_slice %arg3[%reduce_sum3A_695, %dma_wait3A_1011] : memref<1000000x32xf32, #tpu.memory_space<hbm>> -> memref<1x32xf32, #tpu.memory_space<hbm>>
      tpu.wait_dma2 semaphore(%arg7 : memref<!tpu.dma_semaphore, #tpu.memory_space<semaphore_mem>>) src(%dma_wait3A_1012 : memref<1x32xf32, #tpu.memory_space<hbm>>) dst(%dma_wait3A_1010 : memref<1x32xf32, #tpu.memory_space<vmem>>)
      %dma_wait3A_1013 = arith.constant 0 : i32
      %dma_wait3A_1014 = tpu.memref_slice %arg6[%add3A_725, %dma_wait3A_1013] : memref<512x32xf32, #tpu.memory_space<vmem>> -> memref<1x32xf32, #tpu.memory_space<vmem>>
      %dma_wait3A_1015 = arith.constant 0 : i32
      %dma_wait3A_1016 = tpu.memref_slice %arg3[%reduce_sum3A_719, %dma_wait3A_1015] : memref<1000000x32xf32, #tpu.memory_space<hbm>> -> memref<1x32xf32, #tpu.memory_space<hbm>>
      %dma_wait3A_1017 = arith.constant 0 : i32
      %dma_wait3A_1018 = tpu.memref_slice %arg6[%add3A_725, %dma_wait3A_1017] : memref<512x32xf32, #tpu.memory_space<vmem>> -> memref<1x32xf32, #tpu.memory_space<vmem>>
      %dma_wait3A_1019 = arith.constant 0 : i32
      %dma_wait3A_1020 = tpu.memref_slice %arg3[%reduce_sum3A_719, %dma_wait3A_1019] : memref<1000000x32xf32, #tpu.memory_space<hbm>> -> memref<1x32xf32, #tpu.memory_space<hbm>>
      tpu.wait_dma2 semaphore(%arg7 : memref<!tpu.dma_semaphore, #tpu.memory_space<semaphore_mem>>) src(%dma_wait3A_1020 : memref<1x32xf32, #tpu.memory_space<hbm>>) dst(%dma_wait3A_1018 : memref<1x32xf32, #tpu.memory_space<vmem>>)
      %dma_wait3A_1021 = arith.constant 0 : i32
      %dma_wait3A_1022 = tpu.memref_slice %arg6[%add3A_749, %dma_wait3A_1021] : memref<512x32xf32, #tpu.memory_space<vmem>> -> memref<1x32xf32, #tpu.memory_space<vmem>>
      %dma_wait3A_1023 = arith.constant 0 : i32
      %dma_wait3A_1024 = tpu.memref_slice %arg3[%reduce_sum3A_743, %dma_wait3A_1023] : memref<1000000x32xf32, #tpu.memory_space<hbm>> -> memref<1x32xf32, #tpu.memory_space<hbm>>
      %dma_wait3A_1025 = arith.constant 0 : i32
      %dma_wait3A_1026 = tpu.memref_slice %arg6[%add3A_749, %dma_wait3A_1025] : memref<512x32xf32, #tpu.memory_space<vmem>> -> memref<1x32xf32, #tpu.memory_space<vmem>>
      %dma_wait3A_1027 = arith.constant 0 : i32
      %dma_wait3A_1028 = tpu.memref_slice %arg3[%reduce_sum3A_743, %dma_wait3A_1027] : memref<1000000x32xf32, #tpu.memory_space<hbm>> -> memref<1x32xf32, #tpu.memory_space<hbm>>
      tpu.wait_dma2 semaphore(%arg7 : memref<!tpu.dma_semaphore, #tpu.memory_space<semaphore_mem>>) src(%dma_wait3A_1028 : memref<1x32xf32, #tpu.memory_space<hbm>>) dst(%dma_wait3A_1026 : memref<1x32xf32, #tpu.memory_space<vmem>>)
      %dma_wait3A_1029 = arith.constant 0 : i32
      %dma_wait3A_1030 = tpu.memref_slice %arg6[%add3A_773, %dma_wait3A_1029] : memref<512x32xf32, #tpu.memory_space<vmem>> -> memref<1x32xf32, #tpu.memory_space<vmem>>
      %dma_wait3A_1031 = arith.constant 0 : i32
      %dma_wait3A_1032 = tpu.memref_slice %arg3[%reduce_sum3A_767, %dma_wait3A_1031] : memref<1000000x32xf32, #tpu.memory_space<hbm>> -> memref<1x32xf32, #tpu.memory_space<hbm>>
      %dma_wait3A_1033 = arith.constant 0 : i32
      %dma_wait3A_1034 = tpu.memref_slice %arg6[%add3A_773, %dma_wait3A_1033] : memref<512x32xf32, #tpu.memory_space<vmem>> -> memref<1x32xf32, #tpu.memory_space<vmem>>
      %dma_wait3A_1035 = arith.constant 0 : i32
      %dma_wait3A_1036 = tpu.memref_slice %arg3[%reduce_sum3A_767, %dma_wait3A_1035] : memref<1000000x32xf32, #tpu.memory_space<hbm>> -> memref<1x32xf32, #tpu.memory_space<hbm>>
      tpu.wait_dma2 semaphore(%arg7 : memref<!tpu.dma_semaphore, #tpu.memory_space<semaphore_mem>>) src(%dma_wait3A_1036 : memref<1x32xf32, #tpu.memory_space<hbm>>) dst(%dma_wait3A_1034 : memref<1x32xf32, #tpu.memory_space<vmem>>)
    }
    %scan3A_7 = arith.constant 16 : i32
    "tpu.region"() ({
      %run_scoped3A = tpu.sem_alloc : memref<!tpu.dma_semaphore, #tpu.memory_space<semaphore_mem>>
      %dma_start3A = arith.constant 0 : i32
      %dma_start3A_8 = tpu.memref_slice %arg4[%multiple_of3A, %dma_start3A] : memref<16384x32xf32, #tpu.memory_space<hbm>> -> memref<512x32xf32, #tpu.memory_space<hbm>>
      %dma_start3A_9 = arith.constant 0 : i32
      %dma_start3A_10 = tpu.memref_slice %arg4[%multiple_of3A, %dma_start3A_9] : memref<16384x32xf32, #tpu.memory_space<hbm>> -> memref<512x32xf32, #tpu.memory_space<hbm>>
      tpu.enqueue_dma source(%arg6 : memref<512x32xf32, #tpu.memory_space<vmem>>) target(%dma_start3A_10 : memref<512x32xf32, #tpu.memory_space<hbm>>) target_semaphore(%run_scoped3A : memref<!tpu.dma_semaphore, #tpu.memory_space<semaphore_mem>>)
      %dma_wait3A = arith.constant 0 : i32
      %dma_wait3A_11 = tpu.memref_slice %arg4[%multiple_of3A, %dma_wait3A] : memref<16384x32xf32, #tpu.memory_space<hbm>> -> memref<512x32xf32, #tpu.memory_space<hbm>>
      %dma_wait3A_12 = arith.constant 0 : i32
      %dma_wait3A_13 = tpu.memref_slice %arg4[%multiple_of3A, %dma_wait3A_12] : memref<16384x32xf32, #tpu.memory_space<hbm>> -> memref<512x32xf32, #tpu.memory_space<hbm>>
      tpu.wait_dma2 semaphore(%run_scoped3A : memref<!tpu.dma_semaphore, #tpu.memory_space<semaphore_mem>>) src(%arg6 : memref<512x32xf32, #tpu.memory_space<vmem>>) dst(%dma_wait3A_13 : memref<512x32xf32, #tpu.memory_space<hbm>>)
      tpu.yield
    }) : () -> ()
    return
  }
}

module attributes {stable_mosaic.version = 14 : i64} {
  func.func @_tr_body(%arg0: i32, %arg1: memref<32x8192xf32, #tpu.memory_space<vmem>>, %arg2: memref<8192x32xf32, #tpu.memory_space<vmem>>) attributes {dimension_semantics = [#tpu.dimension_semantics<arbitrary>], iteration_bounds = array<i64: 123>, scalar_prefetch = 0 : i64, scratch_operands = 0 : i64, tpu.core_type = #tpu.core_type<tc>, window_params = [{transform_indices = @transform_0, window_bounds = array<i64: 32, 8192>}, {transform_indices = @transform_1, window_bounds = array<i64: 8192, 32>}]} {
    %get3A = arith.constant 0 : index
    %get3A_0 = arith.constant 0 : index
    %get3A_1 = vector.load %arg1[%get3A, %get3A_0] : memref<32x8192xf32, #tpu.memory_space<vmem>>, vector<32x8192xf32>
    %convert_element_type3A = arith.truncf %get3A_1 : vector<32x8192xf32> to vector<32x8192xbf16>
    %iota3A = tpu.iota {dimensions = array<i32: 0>} : vector<32x32xi32>
    %iota3A_2 = tpu.iota {dimensions = array<i32: 1>} : vector<32x32xi32>
    %add3A = arith.constant 0 : i32
    %add3A_3 = vector.broadcast %add3A : i32 to vector<32x32xi32>
    %add3A_4 = arith.addi %iota3A, %add3A_3 : vector<32x32xi32>
    %eq3A = arith.cmpi eq, %add3A_4, %iota3A_2 : vector<32x32xi32>
    %convert_element_type3A_5 = arith.extui %eq3A : vector<32x32xi1> to vector<32x32xi32>
    %convert_element_type3A_6 = arith.sitofp %convert_element_type3A_5 : vector<32x32xi32> to vector<32x32xf32>
    %convert_element_type3A_7 = arith.truncf %convert_element_type3A_6 : vector<32x32xf32> to vector<32x32xbf16>
    %dot_general3A = arith.constant dense<0.000000e+00> : vector<8192x32xf32>
    %dot_general3A_8 = tpu.matmul %convert_element_type3A, %convert_element_type3A_7, %dot_general3A {dimension_numbers = #tpu.dot_dimension_numbers<[0], [0], [1], [1], [0, 1, 1, 1], [], []>, transpose_lhs_hint = false} : vector<32x8192xbf16>, vector<32x32xbf16>, vector<8192x32xf32> -> vector<8192x32xf32>
    %swap3A = arith.constant 0 : index
    %swap3A_9 = arith.constant 0 : index
    %swap3A_10 = vector.load %arg2[%swap3A, %swap3A_9] : memref<8192x32xf32, #tpu.memory_space<vmem>>, vector<8192x32xf32>
    tpu.vector_store %arg2[%swap3A, %swap3A_9], %dot_general3A_8 {strides = array<i32>} : memref<8192x32xf32, #tpu.memory_space<vmem>>, vector<8192x32xf32>,
    return
  }
  func.func @transform_0(%arg0: i32) -> (i32, i32) {
    %c0_i32 = arith.constant 0 : i32
    %c0_i32_0 = arith.constant 0 : i32
    return %c0_i32, %arg0 : i32, i32
  }
  func.func @transform_1(%arg0: i32) -> (i32, i32) {
    %c0_i32 = arith.constant 0 : i32
    %c0_i32_0 = arith.constant 0 : i32
    return %arg0, %c0_i32 : i32, i32
  }
}

module attributes {stable_mosaic.version = 14 : i64} {
  func.func @_tc_body(%arg0: i32, %arg1: memref<512x32xf32, #tpu.memory_space<vmem>>, %arg2: memref<512x32xf32, #tpu.memory_space<vmem>>, %arg3: memref<512x1xi32, #tpu.memory_space<vmem>>, %arg4: memref<1024x32xf32, #tpu.memory_space<vmem>>, %arg5: memref<512x1024xf32, #tpu.memory_space<vmem>>, %arg6: memref<512x1xf32, #tpu.memory_space<vmem>>) attributes {dimension_semantics = [#tpu.dimension_semantics<arbitrary>], iteration_bounds = array<i64: 16>, scalar_prefetch = 0 : i64, scratch_operands = 0 : i64, tpu.core_type = #tpu.core_type<tc>, window_params = [{transform_indices = @transform_0, window_bounds = array<i64: 512, 32>}, {transform_indices = @transform_1, window_bounds = array<i64: 512, 32>}, {transform_indices = @transform_2, window_bounds = array<i64: 512, 1>}, {pipeline_mode = #tpu.pipeline_mode<synchronous>, transform_indices = @transform_3, window_bounds = array<i64: 1024, 32>}, {transform_indices = @transform_4, window_bounds = array<i64: 512, 1024>}, {transform_indices = @transform_5, window_bounds = array<i64: 512, 1>}]} {
    %get3A = arith.constant 0 : index
    %get3A_0 = arith.constant 0 : index
    %get3A_1 = vector.load %arg1[%get3A, %get3A_0] : memref<512x32xf32, #tpu.memory_space<vmem>>, vector<512x32xf32>
    %get3A_2 = arith.constant 0 : index
    %get3A_3 = arith.constant 0 : index
    %get3A_4 = vector.load %arg2[%get3A_2, %get3A_3] : memref<512x32xf32, #tpu.memory_space<vmem>>, vector<512x32xf32>
    %get3A_5 = arith.constant 0 : index
    %get3A_6 = arith.constant 0 : index
    %get3A_7 = vector.load %arg3[%get3A_5, %get3A_6] : memref<512x1xi32, #tpu.memory_space<vmem>>, vector<512x1xi32>
    %get3A_8 = arith.constant 0 : index
    %get3A_9 = arith.constant 0 : index
    %get3A_10 = vector.load %arg5[%get3A_8, %get3A_9] : memref<512x1024xf32, #tpu.memory_space<vmem>>, vector<512x1024xf32>
    %get3A_11 = arith.constant 0 : index
    %get3A_12 = arith.constant 0 : index
    %get3A_13 = vector.load %arg4[%get3A_11, %get3A_12] : memref<1024x32xf32, #tpu.memory_space<vmem>>, vector<1024x32xf32>
    %mul3A = arith.mulf %get3A_13, %get3A_13 : vector<1024x32xf32>
    %reduce_sum3A = arith.constant dense<0.000000e+00> : vector<1024xf32>
    %reduce_sum3A_14 = vector.multi_reduction <add>, %mul3A, %reduce_sum3A [1] : vector<1024x32xf32> to vector<1024xf32>
    %broadcast_in_dim3A = vector.shape_cast %reduce_sum3A_14 : vector<1024xf32> to vector<1024x1xf32>
    %max3A = arith.constant 1.000000e-30 : f32
    %max3A_15 = vector.broadcast %max3A : f32 to vector<1024x1xf32>
    %max3A_16 = arith.maximumf %broadcast_in_dim3A, %max3A_15 : vector<1024x1xf32>
    %rsqrt3A = math.rsqrt %max3A_16 : vector<1024x1xf32>
    %mul3A_17 = vector.broadcast %rsqrt3A : vector<1024x1xf32> to vector<1024x32xf32>
    %mul3A_18 = arith.mulf %get3A_13, %mul3A_17 : vector<1024x32xf32>
    %iota3A = tpu.iota {dimensions = array<i32: 1>} : vector<512x1024xi32>
    %eq3A = vector.broadcast %get3A_7 : vector<512x1xi32> to vector<512x1024xi32>
    %eq3A_19 = arith.cmpi eq, %eq3A, %iota3A : vector<512x1024xi32>
    %jit3A = arith.constant 1.000000e+00 : f32
    %jit3A_20 = arith.constant 0.000000e+00 : f32
    %broadcast_in_dim3A_21 = vector.broadcast %jit3A : f32 to vector<512x1024xf32>
    %broadcast_in_dim3A_22 = vector.broadcast %jit3A_20 : f32 to vector<512x1024xf32>
    %select_n3A = arith.select %eq3A_19, %broadcast_in_dim3A_21, %broadcast_in_dim3A_22 : vector<512x1024xi1>, vector<512x1024xf32>
    %dot_general3A = arith.constant dense<0.000000e+00> : vector<512x32xf32>
    %dot_general3A_23 = tpu.matmul %select_n3A, %mul3A_18, %dot_general3A {dimension_numbers = #tpu.dot_dimension_numbers<[1], [0], [0], [1], [0, 0, 1, 1], [], []>, transpose_lhs_hint = false} : vector<512x1024xf32>, vector<1024x32xf32>, vector<512x32xf32> -> vector<512x32xf32>
    %mul3A_24 = arith.mulf %get3A_1, %get3A_1 : vector<512x32xf32>
    %reduce_sum3A_25 = arith.constant dense<0.000000e+00> : vector<512xf32>
    %reduce_sum3A_26 = vector.multi_reduction <add>, %mul3A_24, %reduce_sum3A_25 [1] : vector<512x32xf32> to vector<512xf32>
    %broadcast_in_dim3A_27 = vector.shape_cast %reduce_sum3A_26 : vector<512xf32> to vector<512x1xf32>
    %rsqrt3A_28 = math.rsqrt %broadcast_in_dim3A_27 : vector<512x1xf32>
    %mul3A_29 = vector.broadcast %rsqrt3A_28 : vector<512x1xf32> to vector<512x32xf32>
    %mul3A_30 = arith.mulf %get3A_1, %mul3A_29 : vector<512x32xf32>
    %mul3A_31 = arith.mulf %get3A_4, %get3A_4 : vector<512x32xf32>
    %reduce_sum3A_32 = arith.constant dense<0.000000e+00> : vector<512xf32>
    %reduce_sum3A_33 = vector.multi_reduction <add>, %mul3A_31, %reduce_sum3A_32 [1] : vector<512x32xf32> to vector<512xf32>
    %broadcast_in_dim3A_34 = vector.shape_cast %reduce_sum3A_33 : vector<512xf32> to vector<512x1xf32>
    %rsqrt3A_35 = math.rsqrt %broadcast_in_dim3A_34 : vector<512x1xf32>
    %mul3A_36 = vector.broadcast %rsqrt3A_35 : vector<512x1xf32> to vector<512x32xf32>
    %mul3A_37 = arith.mulf %get3A_4, %mul3A_36 : vector<512x32xf32>
    %sub3A = arith.subf %mul3A_30, %mul3A_37 : vector<512x32xf32>
    %concatenate3A = tpu.concatenate %sub3A, %sub3A, %sub3A, %sub3A, %sub3A, %sub3A, %sub3A, %sub3A, %sub3A, %sub3A, %sub3A, %sub3A, %sub3A, %sub3A, %sub3A, %sub3A, %sub3A, %sub3A, %sub3A, %sub3A, %sub3A, %sub3A, %sub3A, %sub3A, %sub3A, %sub3A, %sub3A, %sub3A, %sub3A, %sub3A, %sub3A, %sub3A in 1 : vector<512x32xf32>, vector<512x32xf32>, vector<512x32xf32>, vector<512x32xf32>, vector<512x32xf32>, vector<512x32xf32>, vector<512x32xf32>, vector<512x32xf32>, vector<512x32xf32>, vector<512x32xf32>, vector<512x32xf32>, vector<512x32xf32>, vector<512x32xf32>, vector<512x32xf32>, vector<512x32xf32>, vector<512x32xf32>, vector<512x32xf32>, vector<512x32xf32>, vector<512x32xf32>, vector<512x32xf32>, vector<512x32xf32>, vector<512x32xf32>, vector<512x32xf32>, vector<512x32xf32>, vector<512x32xf32>, vector<512x32xf32>, vector<512x32xf32>, vector<512x32xf32>, vector<512x32xf32>, vector<512x32xf32>, vector<512x32xf32>, vector<512x32xf32> -> vector<512x1024xf32>
    %mul3A_38 = arith.mulf %get3A_10, %concatenate3A : vector<512x1024xf32>
    %iota3A_39 = tpu.iota {dimensions = array<i32: 0>} : vector<1024x32xi32>
    %iota3A_40 = tpu.iota {dimensions = array<i32: 1>} : vector<1024x32xi32>
    %jit3A_41 = arith.constant 32 : i32
    %div3A = vector.broadcast %jit3A_41 : i32 to vector<1024x32xi32>
    %div3A_42 = arith.divsi %iota3A_39, %div3A : vector<1024x32xi32>
    %sign3A = arith.constant 0 : i32
    %sign3A_43 = vector.broadcast %sign3A : i32 to vector<1024x32xi32>
    %sign3A_44 = arith.cmpi sgt, %iota3A_39, %sign3A_43 : vector<1024x32xi32>
    %sign3A_45 = arith.extui %sign3A_44 : vector<1024x32xi1> to vector<1024x32xi32>
    %sign3A_46 = arith.constant 0 : i32
    %sign3A_47 = vector.broadcast %sign3A_46 : i32 to vector<1024x32xi32>
    %sign3A_48 = arith.cmpi slt, %iota3A_39, %sign3A_47 : vector<1024x32xi32>
    %sign3A_49 = arith.extui %sign3A_48 : vector<1024x32xi1> to vector<1024x32xi32>
    %sign3A_50 = arith.subi %sign3A_45, %sign3A_49 : vector<1024x32xi32>
    %sign3A_51 = arith.constant 0 : i32
    %sign3A_52 = arith.cmpi sgt, %jit3A_41, %sign3A_51 : i32
    %sign3A_53 = arith.extui %sign3A_52 : i1 to i32
    %sign3A_54 = arith.constant 0 : i32
    %sign3A_55 = arith.cmpi slt, %jit3A_41, %sign3A_54 : i32
    %sign3A_56 = arith.extui %sign3A_55 : i1 to i32
    %sign3A_57 = arith.subi %sign3A_53, %sign3A_56 : i32
    %ne3A = vector.broadcast %sign3A_57 : i32 to vector<1024x32xi32>
    %ne3A_58 = arith.cmpi ne, %sign3A_50, %ne3A : vector<1024x32xi32>
    %rem3A = vector.broadcast %jit3A_41 : i32 to vector<1024x32xi32>
    %rem3A_59 = arith.remsi %iota3A_39, %rem3A : vector<1024x32xi32>
    %ne3A_60 = arith.constant 0 : i32
    %ne3A_61 = vector.broadcast %ne3A_60 : i32 to vector<1024x32xi32>
    %ne3A_62 = arith.cmpi ne, %rem3A_59, %ne3A_61 : vector<1024x32xi32>
    %and3A = arith.andi %ne3A_58, %ne3A_62 : vector<1024x32xi1>
    %sub3A_63 = arith.constant 1 : i32
    %sub3A_64 = vector.broadcast %sub3A_63 : i32 to vector<1024x32xi32>
    %sub3A_65 = arith.subi %div3A_42, %sub3A_64 : vector<1024x32xi32>
    %select_n3A_66 = arith.select %and3A, %sub3A_65, %div3A_42 : vector<1024x32xi1>, vector<1024x32xi32>
    %eq3A_67 = arith.cmpi eq, %select_n3A_66, %iota3A_40 : vector<1024x32xi32>
    %jit3A_68 = arith.constant 1.000000e+00 : f32
    %jit3A_69 = arith.constant 0.000000e+00 : f32
    %broadcast_in_dim3A_70 = vector.broadcast %jit3A_68 : f32 to vector<1024x32xf32>
    %broadcast_in_dim3A_71 = vector.broadcast %jit3A_69 : f32 to vector<1024x32xf32>
    %select_n3A_72 = arith.select %eq3A_67, %broadcast_in_dim3A_70, %broadcast_in_dim3A_71 : vector<1024x32xi1>, vector<1024x32xf32>
    %dot_general3A_73 = arith.constant dense<0.000000e+00> : vector<512x32xf32>
    %dot_general3A_74 = tpu.matmul %mul3A_38, %select_n3A_72, %dot_general3A_73 {dimension_numbers = #tpu.dot_dimension_numbers<[1], [0], [0], [1], [0, 0, 1, 1], [], []>, transpose_lhs_hint = false} : vector<512x1024xf32>, vector<1024x32xf32>, vector<512x32xf32> -> vector<512x32xf32>
    %mul3A_75 = arith.mulf %get3A_10, %get3A_10 : vector<512x1024xf32>
    %reduce_sum3A_76 = arith.constant dense<0.000000e+00> : vector<512xf32>
    %reduce_sum3A_77 = vector.multi_reduction <add>, %mul3A_75, %reduce_sum3A_76 [1] : vector<512x1024xf32> to vector<512xf32>
    %broadcast_in_dim3A_78 = vector.shape_cast %reduce_sum3A_77 : vector<512xf32> to vector<512x1xf32>
    %rsqrt3A_79 = math.rsqrt %broadcast_in_dim3A_78 : vector<512x1xf32>
    %mul3A_80 = vector.broadcast %rsqrt3A_79 : vector<512x1xf32> to vector<512x32xf32>
    %mul3A_81 = arith.mulf %dot_general3A_74, %mul3A_80 : vector<512x32xf32>
    %add3A = arith.addf %mul3A_81, %dot_general3A_23 : vector<512x32xf32>
    %mul3A_82 = arith.mulf %add3A, %add3A : vector<512x32xf32>
    %reduce_sum3A_83 = arith.constant dense<0.000000e+00> : vector<512xf32>
    %reduce_sum3A_84 = vector.multi_reduction <add>, %mul3A_82, %reduce_sum3A_83 [1] : vector<512x32xf32> to vector<512xf32>
    %broadcast_in_dim3A_85 = vector.shape_cast %reduce_sum3A_84 : vector<512xf32> to vector<512x1xf32>
    %sqrt3A = math.sqrt %broadcast_in_dim3A_85 : vector<512x1xf32>
    %swap3A = arith.constant 0 : index
    %swap3A_86 = arith.constant 0 : index
    %swap3A_87 = vector.load %arg6[%swap3A, %swap3A_86] : memref<512x1xf32, #tpu.memory_space<vmem>>, vector<512x1xf32>
    tpu.vector_store %arg6[%swap3A, %swap3A_86], %sqrt3A {strides = array<i32>} : memref<512x1xf32, #tpu.memory_space<vmem>>, vector<512x1xf32>,
    return
  }
  func.func @transform_0(%arg0: i32) -> (i32, i32) {
    %c0_i32 = arith.constant 0 : i32
    %c0_i32_0 = arith.constant 0 : i32
    return %arg0, %c0_i32 : i32, i32
  }
  func.func @transform_1(%arg0: i32) -> (i32, i32) {
    %add3A = arith.constant 16 : i32
    %add3A_0 = arith.addi %arg0, %add3A : i32
    %c0_i32 = arith.constant 0 : i32
    %c0_i32_1 = arith.constant 0 : i32
    return %add3A_0, %c0_i32 : i32, i32
  }
  func.func @transform_2(%arg0: i32) -> (i32, i32) {
    %c0_i32 = arith.constant 0 : i32
    %c0_i32_0 = arith.constant 0 : i32
    return %arg0, %c0_i32 : i32, i32
  }
  func.func @transform_3(%arg0: i32) -> (i32, i32) {
    %c0_i32 = arith.constant 0 : i32
    %c0_i32_0 = arith.constant 0 : i32
    %c0_i32_1 = arith.constant 0 : i32
    return %c0_i32, %c0_i32_0 : i32, i32
  }
  func.func @transform_4(%arg0: i32) -> (i32, i32) {
    %c0_i32 = arith.constant 0 : i32
    %c0_i32_0 = arith.constant 0 : i32
    return %arg0, %c0_i32 : i32, i32
  }
  func.func @transform_5(%arg0: i32) -> (i32, i32) {
    %c0_i32 = arith.constant 0 : i32
    %c0_i32_0 = arith.constant 0 : i32
    return %arg0, %c0_i32 : i32, i32
  }
}

</mosaic_0001>

<sc_bundles>
// kernel: kernel.6.cloned.1.call-start
scs
__scs_entry_jumppad:
0x0: {  	(pc) =	sbr.rel $0x88, $3  }
0x1: {  	(tag) =	ssettag $0x0;
	lr =	simm.s32 $0x1  }
0x2: {  	[smem:$0x3F98] =	sst lr;
	_ =	strace $0xD0000000  }
0x3: {  	_ = 	snop  }
0x4: {  	_ = 	snop  }
0x5: {  	_ = 	snop  }
0x6: {  	_ = 	snop  }
0x7: {  	_ = 	snop  }
__scs_overlays_trampoline_lowered:
0x8: {  	[smem:$0x3FA7] =	sst s0  }
0x9: {  	[smem:$0x3FA8] =	sst s1  }
0xa: {  	[smem:$0x3FA9] =	sst s2  }
0xb: {  	[smem:$0x3FAA] =	sst s3  }
0xc: {  	[smem:$0x3FAB] =	sst s4  }
0xd: {  	[smem:$0x3FAC] =	sst s5  }
0xe: {  	[smem:$0x3FAD] =	sst s6  }
0xf: {  	[smem:$0x3FAE] =	sst s7  }
0x10: {  	[smem:$0x3FAF] =	sst s8  }
0x11: {  	[smem:$0x3FB0] =	sst s9;
	s0 =	simm.s32 @!p0 $0x0  }
0x12: {  	s1 =	sld [smem:$0x3F96];
	s0 =	simm.s32 @p0 $0x1  }
0x13: {  	[smem:$0x3FB1] =	sst s0;
	s0 =	simm.s32 @!p1 $0x0  }
0x14: {  	s2 =	sld [smem:$0x3F95];
	s0 =	simm.s32 @p1 $0x1  }
0x15: {  	[smem:$0x3FB2] =	sst s0;
	s0 =	simm.s32 @!p2 $0x0  }
0x16: {  	s3 =	sld [smem:$0x3FDB];
	s0 =	simm.s32 @p2 $0x1  }
0x17: {  	s4 =	simm.s32 $0x1BF5;
	[smem:$0x3FB4] =	sst s0  }
0x18: {  	s0 =	sld [smem:$0x3F97];
	_ =	swait.ge [sflag:s4], $0x0  }
0x19: {  	s7 =	sld [smem:$0x3F98]  }
0x1a: {  	s8 =	sadd.s32 $0xFFFFE003, lr  }
0x1b: {  	s9 =	sadd.s32 $0xFFFFFEF7, lr;
	s5 =	simm.s32 $0xFFFFFFFF;
	p2 =	slt.u32 s8, $0xFFFFF086  }
0x1c: {  	p1 =	slt.u32 s9, $0xF7A;
	s5 =	simm.s32 @!p2 $0x0  }
0x1d: {  	s5 =	simm.s32 @p1 $0x1;
	p0 =	seq.s32 s7, s2  }
0x1e: {  	s7 =	smul.u32 @!p0 $0xF7A, s2;
	p2 =	seq.s32 @!p0 s5, $0x0  }
0x1f: {  	s9 =	smul.u32 $0xF7A, s1;
	s8 =	simm.s32 @!p0 $0x1BF5;
	p2 =	por !p2, p0  }
0x20: {  	[sflag:s8] =	ssyncset.s32 @!p0 $0xFFFFF086;
	s6 =	sadd.s32 @!p0 s3, s7;
	s7 =	simm.s32 @!p0 $0x108  }
0x21: {  	s3 =	sadd.s32 s3, s9;
	s6 =	sadd.s32 @!p0 $0x88, s6;
	s7 =	simm.s32 @p2 $0x1082  }
0x22: {  	[simem:s7], [sflag:s8] =	dma.local @!p0 [hbm:s6], $0xF7A  }
0x23: {  	s9 =	sor.u32 $0xD0000000, s2;
	s6 =	simm.s32 $0x108;
	_ =	swait.ge @!p0 [sflag:s8], $0x0  }
0x24: {  	s3 =	sadd.s32 $0x88, s3;
	s6 =	simm.s32 @!p1 $0x1082;
	[sflag:s4] =	ssyncset.s32 $0xFFFFF086  }
0x25: {  	[simem:s6], [sflag:s4] =	dma.local [hbm:s3], $0xF7A  }
0x26: {  	[smem:$0x3F98] =	sst s1;
	(tag) =	ssettag s2;
	_ =	strace s9  }
0x27: {  	s1 =	sld [smem:$0x3FA8]  }
0x28: {  	s2 =	sld [smem:$0x3FA9]  }
0x29: {  	s4 =	sld [smem:$0x3FAB]  }
0x2a: {  	p0 =	seq.s32 s5, $0x0;
	s5 =	sld [smem:$0x3FAC]  }
0x2b: {  	s6 =	sld [smem:$0x3FAD]  }
0x2c: {  	s7 =	sld [smem:$0x3FAE]  }
0x2d: {  	s3 =	simm.s32 $0x108;
	s8 =	sld [smem:$0x3FAF]  }
0x2e: {  	s3 =	simm.s32 @!p0 $0x1082;
	s9 =	sld [smem:$0x3FB0]  }
0x2f: {  	lr =	sadd.s32 s0, s3;
	s0 =	sld [smem:$0x3FA7]  }
0x30: {  	s3 =	sld [smem:$0x3FAA]  }
0x31: {  	[smem:$0x3FB3] =	sst s10  }
0x32: {  	s10 =	sld [smem:$0x3FB1];
	_ =	sdelay $0x3  }
0x33: {  	p0 =	seq.s32 s10, $0x1;
	s10 =	sld [smem:$0x3FB3];
	_ =	sdelay $0x3  }
0x34: {  	[smem:$0x3FB3] =	sst s10  }
0x35: {  	s10 =	sld [smem:$0x3FB2];
	_ =	sdelay $0x3  }
0x36: {  	p1 =	seq.s32 s10, $0x1;
	s10 =	sld [smem:$0x3FB3];
	_ =	sdelay $0x3  }
0x37: {  	[smem:$0x3FB3] =	sst s10  }
0x38: {  	s10 =	sld [smem:$0x3FB4]  }
0x39: {  	_ = 	snop;
	(pc) =	sbr.ind lr, $3  }
0x3a: {  	_ = 	snop  }
0x3b: {  	_ = 	snop  }
0x3c: {  	p2 =	seq.s32 s10, $0x1;
	s10 =	sld [smem:$0x3FB3]  }
0x3d: {  	_ =	shalt  }
0x3e: {  	_ =	shalt  }
0x3f: {  	_ =	shalt  }
0x40: {  	_ =	shalt  }
0x41: {  	_ =	shalt  }
0x42: {  	_ =	shalt  }
0x43: {  	_ =	shalt  }
0x44: {  	_ =	shalt  }
0x45: {  	_ =	shalt  }
0x46: {  	_ =	shalt  }
0x47: {  	_ =	shalt  }
0x48: {  	_ =	shalt  }
0x49: {  	_ =	shalt  }
0x4a: {  	_ =	shalt  }
0x4b: {  	_ =	shalt  }
0x4c: {  	_ =	shalt  }
0x4d: {  	_ =	shalt  }
0x4e: {  	_ =	shalt  }
0x4f: {  	_ =	shalt  }
0x50: {  	_ =	shalt  }
0x51: {  	_ =	shalt  }
0x52: {  	_ =	shalt  }
0x53: {  	_ =	shalt  }
0x54: {  	_ =	shalt  }
0x55: {  	_ =	shalt  }
0x56: {  	_ =	shalt  }
0x57: {  	_ =	shalt  }
0x58: {  	_ =	shalt  }
0x59: {  	_ =	shalt  }
0x5a: {  	_ =	shalt  }
0x5b: {  	_ =	shalt  }
0x5c: {  	_ =	shalt  }
0x5d: {  	_ =	shalt  }
0x5e: {  	_ =	shalt  }
0x5f: {  	_ =	shalt  }
0x60: {  	_ =	shalt  }
0x61: {  	_ =	shalt  }
0x62: {  	_ =	shalt  }
0x63: {  	_ =	shalt  }
0x64: {  	_ =	shalt  }
0x65: {  	_ =	shalt  }
0x66: {  	_ =	shalt  }
0x67: {  	_ =	shalt  }
0x68: {  	_ =	shalt  }
0x69: {  	_ =	shalt  }
0x6a: {  	_ =	shalt  }
0x6b: {  	_ =	shalt  }
0x6c: {  	_ =	shalt  }
0x6d: {  	_ =	shalt  }
0x6e: {  	_ =	shalt  }
0x6f: {  	_ =	shalt  }
0x70: {  	_ =	shalt  }
0x71: {  	_ =	shalt  }
0x72: {  	_ =	shalt  }
0x73: {  	_ =	shalt  }
0x74: {  	_ =	shalt  }
0x75: {  	_ =	shalt  }
0x76: {  	_ =	shalt  }
0x77: {  	_ =	shalt  }
0x78: {  	_ =	shalt  }
0x79: {  	_ =	shalt  }
0x7a: {  	_ =	shalt  }
0x7b: {  	_ =	shalt  }
0x7c: {  	_ =	shalt  }
0x7d: {  	_ =	shalt  }
0x7e: {  	_ =	shalt  }
0x7f: {  	_ =	shalt  }
0x80: {  	_ =	shalt  }
0x81: {  	_ =	shalt  }
0x82: {  	_ =	shalt  }
0x83: {  	_ =	shalt  }
0x84: {  	_ =	shalt  }
0x85: {  	_ =	shalt  }
0x86: {  	_ =	shalt  }
0x87: {  	_ =	shalt  }
.Lfunc_end0:
.L_simem_size_0:
called_computation_lowered:
.L_overlay_start_0:
0x88: {  	s2 =	sld [smem:$0x3FD9]  }
0x89: {  	s3 =	sld [smem:$0x3FFE];
	_ =	sdelay $0x1  }
0x8a: {  	s1 =	srdreg.scid  }
0x8b: {  	s0 =	sand.u32 $0x1, s1  }
0x8c: {  	s17 =	sshll.u32 s0, $0xA;
	s2 =	sadd.s32 s3, s2  }
0x8d: {  	s2 =	sadd.s32 s2, s17  }
0x8e: {  	[smem:$0x3FBF] =	sst s2  }
0x8f: {  	_ = 	snop  }
0x90: {  	s18 =	sld [smem:$0x3FC1];
	(tm) =	ssettm $0x1  }
0x91: {  	s19 =	sld [smem:$0x3FFB];
	_ =	sdelay $0x3  }
0x92: {  	_ =	strace s19  }
0x93: {  	s2 =	sld [smem:$0x3FFC];
	_ =	sdelay $0x3  }
0x94: {  	_ =	strace s2  }
0x95: {  	s2 =	sld [smem:$0x3FFD];
	_ =	sdelay $0x3  }
0x96: {  	_ =	strace s2  }
0x97: {  	_ =	strace $0x8FFFFFFF  }
0x98: {  	s20 =	sld [smem:$0x3FDB];
	_ =	sdelay $0x1  }
0x99: {  	s4 =	simm.s32 $_scs_section_size  }
0x9a: {  	s5 =	simm.s32 $_size__tile_overlayer_lowered;
	s6 =	simm.s32 $_tile_overlayer_lowered  }
0x9b: {  	s7 =	simm.s32 $0x1BFF;
	s21 =	sshll.u32 s6, $0x1;
	s4 =	sadd.s32 s4, s20  }
0x9c: {  	s22 =	simm.s32 $0x0;
	s5 =	sshll.u32 s5, $0x1;
	s6 =	sadd.s32 s21, s4  }
0x9d: {  	[timem:s22], [sflag:s7] =	dma.local [hbm:s6], s5  }
0x9e: {  	_ =	swait.ge [sflag:s7], s5  }
0x9f: {  	s5 =	ssub.s32 $0x0, s5;
	[sflag:s7] =	ssyncset.done $0x0  }
0xa0: {  	[sflag:s7] =	ssyncadd.s32 s5;
	_ =	sdelay $0x1  }
0xa1: {  	s23 =	simm.s32 $0x1B8B  }
0xa2: {  	_ =	swait.ge [sflag:s23], $0x1  }
0xa3: {  	[sflag:s23] =	ssyncset.done $0x0  }
0xa4: {  	[sflag:s23] =	ssyncadd.s32 $0xFFFFFFFF  }
0xa5: {  	s5 =	sld [smem:$0x0]  }
0xa6: {  	s6 =	sand.u32 $0xFFFFFFFE, s1  }
0xa7: {  	p0 =	sne.s32 s1, s6  }
0xa8: {  	s6 =	sshll.u32 @p0 s6, $0xE  }
0xa9: {  	s6 =	sadd.s32 @p0 $0x11B8D, s6;
	s7 =	sshll.u32 @p0 s5, $0x11  }
0xaa: {  	s6 =	sor.u32 @p0 s7, s6  }
0xab: {  	[sflag:s6] =	ssyncadd.remote.s32 @p0 $0x1;
	_ =	sdelay $0x1  }
0xac: {  	s6 =	simm.s32 @p0 $0x1B8D  }
0xad: {  	_ =	swait.eq @p0 [sflag:s6], $0x1  }
0xae: {  	[sflag:s6] =	ssyncadd.s32 @p0 $0xFFFFFFFF  }
0xaf: {  	s7 =	sshll.u32 @!p0 s1, $0xE  }
0xb0: {  	s7 =	sor.u32 @!p0 $0x4000, s7;
	s6 =	simm.s32 @!p0 $0x1B8D  }
0xb1: {  	s5 =	sshll.u32 @!p0 s5, $0x11;
	s7 =	sadd.s32 @!p0 $0x11B8D, s7;
	_ =	swait.eq @!p0 [sflag:s6], $0x1  }
0xb2: {  	s5 =	sor.u32 @!p0 s5, s7;
	[sflag:s6] =	ssyncadd.s32 @!p0 $0xFFFFFFFF  }
0xb3: {  	s25 =	simm.s32 $0x1B8E;
	s24 =	sld [smem:$0x3FFE];
	[sflag:s5] =	ssyncadd.remote.s32 @!p0 $0x1  }
0xb4: {  	s26 =	simm.s32 $execute0_lowered;
	[smem:$0x3FD2] =	sst s25  }
0xb5: {  	s6 =	sshll.u32 s26, $0x1;
	_ =	strace $0x80000049;
	[dreg:$0x1] =	wrdreg $0xFFFFFFFF  }
0xb6: {  	s28 =	simm.s32 $_size_execute0_lowered;
	s4 =	sadd.s32 s4, s6;
	[dreg:$0x0] =	wrdreg $0x0  }
0xb7: {  	s6 =	sshll.u32 s28, $0x1;
	[dreg:$0x2] =	wrdreg s4  }
0xb8: {  	[dreg:$0x3] =	wrdreg s6  }
0xb9: {  	[dreg:$0x4] =	wrdreg $0xC0  }
0xba: {  	_ =	task [dreg:s22], $0x5FFFF  }
0xbb: {  	[dreg:$0x1] =	wrdreg $0xFFFFFFFF  }
0xbc: {  	[dreg:$0x0] =	wrdreg $0x60  }
0xbd: {  	[dreg:$0x2] =	wrdreg s24  }
0xbe: {  	[dreg:$0x3] =	wrdreg s18  }
0xbf: {  	[dreg:$0x4] =	wrdreg $0x9  }
0xc0: {  	_ =	task.clear_ibuf [dreg:s22], $0x5FFFF;
	_ =	strace $0x90000049  }
0xc1: {  	s29 =	simm.s32 $0x9;
	_ =	strace $0x8000004B  }
0xc2: {  	_ =	swait.ge [sflag:s29], $0x1  }
0xc3: {  	[sflag:s29] =	ssyncadd.s32 $0xFFFFFFFF  }
0xc4: {  	_ =	strace $0x9000004B  }
0xc5: {  	_ =	sfence  }
0xc6: {  	s30 =	sld [smem:$0x0];
	_ =	sdelay $0x2  }
0xc7: {  	s31 =	sshll.u32 s1, $0xD;
	s1 =	sshrl.u32 s1, $0x2  }
0xc8: {  	s4 =	sand.u32 $0x4000, s31;
	s1 =	sadd.s32 s1, s30  }
0xc9: {  	s0 =	sor.u32 s4, s0;
	s1 =	sshll.u32 s1, $0x11  }
0xca: {  	s0 =	sor.u32 s1, s0  }
0xcb: {  	s0 =	sadd.s32 $0x8F2B, s0  }
0xcc: {  	[sflag:s0] =	ssyncadd.remote.s32 $0x1  }
0xcd: {  	_ =	sfence.sel $0xFFFF  }
0xce: {  	[dreg:$0x0] =	wrdreg $0xFFFFFFFF;
	(pc) =	sbr.abs _section_cstart, $3  }
0xcf: {  	[dreg:$0x1] =	wrdreg $0xFFFFFFFF  }
0xd0: {  	_ =	task.clear_ibuf [dreg:s22], $0x2FFFF;
	_ =	strace $0x9FFFFFFF  }
0xd1: {  	(tm) =	ssettm $0x7FFFFFFF  }
tec
execute0_lowered:
.L_overlay_start_1:
0x0: {  	(tag) =	ssettag $0x1  }
0x1: {  	s1 =	srdreg.scid;
	s4 =	rddreg [dreg:$0x0]  }
0x2: {  	s0 =	stileid.u32;
	s2 =	rddreg [dreg:$0x1];
	s1 =	sand.u32 $0x1, s1  }
0x3: {  	s11 =	simm.s32 $0x5;
	s3 =	sshll.u32 s0, $0x9;
	s5 =	sshll.u32 s1, $0x8  }
0x4: {  	s12 =	simm.s32 $0x100;
	s28 =	simm.s32 $0x7900;
	s5 =	sor.u32 s5, s3  }
0x5: {  	s29 =	simm.s32 $0x1;
	s30 =	simm.s32 $0x3;
	s6 =	sshrl.u32 s5, $0x3  }
0x6: {  	s3 =	simm.s32 $0x0;
	s5 =	sshll.u32 s5, $0x7;
	s6 =	sadd.s32 s6, s4  }
0x7: {  	[smem:$0x7FF] =	sst s3;
	s9 =	sadd.s32 s5, s4;
	s13 =	sadd.s32 $0xF83E00, s6  }
0x8: {  	_ =	strace $0x8000004A;
	s14 =	sadd.s32 $0xF84200, s9;
	[dreg:$0x3] =	wrdreg s13  }
0x9: {  	s31 =	simm.s32 $0x2;
	s15 =	sadd.s32 $0xF84A00, s9;
	[dreg:$0x4] =	wrdreg s14  }
0xa: {  	s1 =	ssub.s32 $0x2, s1;
	s16 =	sadd.s32 $0xF85200, s9;
	[dreg:$0x5] =	wrdreg s15  }
0xb: {  	s23 =	sshrl.u32 s1, $0x1;
	s17 =	sadd.s32 $0xF85A00, s9;
	[dreg:$0x6] =	wrdreg s16  }
0xc: {  	s1 =	ssub.s32 s1, s23;
	s18 =	sadd.s32 $0xF86200, s9;
	[dreg:$0x7] =	wrdreg s17  }
0xd: {  	s23 =	simm.s32 $0x5900;
	s19 =	sadd.s32 $0xF86A00, s9;
	[dreg:$0x8] =	wrdreg s18  }
0xe: {  	s4 =	sadd.s32 $0x100, s2;
	s20 =	sadd.s32 $0xF87200, s9;
	[dreg:$0x9] =	wrdreg s19  }
0xf: {  	s5 =	sadd.s32 $0x200, s2;
	s21 =	sadd.s32 $0xF87A00, s9;
	[dreg:$0xa] =	wrdreg s20  }
0x10: {  	s10 =	smax.u32 s1, $0x1;
	s22 =	sadd.s32 $0xF88200, s9;
	[dreg:$0xb] =	wrdreg s21  }
0x11: {  	s1 =	simm.s32 $0x4;
	s24 =	sadd.s32 $0xF88A00, s9;
	[dreg:$0xc] =	wrdreg s22  }
0x12: {  	s25 =	sadd.s32 $0xF89200, s9;
	s26 =	sadd.s32 $0xF89A00, s9;
	[dreg:$0xd] =	wrdreg s24  }
0x13: {  	s7 =	sadd.s32 $0xF8A200, s9;
	s6 =	sadd.s32 $0x300, s2;
	[dreg:$0xe] =	wrdreg s25  }
0x14: {  	s8 =	sadd.s32 $0xF8B200, s9;
	[dreg:$0x10] =	wrdreg s7;
	s7 =	sadd.s32 $0xF8AA00, s9  }
0x15: {  	[dreg:$0xf] =	wrdreg s26;
	s9 =	sadd.s32 $0xF8BA00, s9;
	s13 =	simm.s32 $0x900  }
0x16: {  	s14 =	simm.s32 $0x1100;
	s15 =	simm.s32 $0x1900;
	s16 =	simm.s32 $0x2100  }
0x17: {  	v2 =	vlaneseq.u32;
	s17 =	simm.s32 $0x2900;
	s18 =	simm.s32 $0x3100;
	s19 =	simm.s32 $0x3900  }
0x18: {  	vm0 =	vmmov $0xffff;
	v1 =	vshrl.u32 v2, $0x3;
	s20 =	simm.s32 $0x4100;
	s21 =	simm.s32 $0x4900;
	s22 =	simm.s32 $0x5100  }
0x19: {  	v0 =	vand.u32 $0x7, v2;
	v2 =	vor.u32 $0x8, v2;
	v1 =	vmul.u32 $0x8, v1;
	s24 =	simm.s32 $0x6100;
	s25 =	simm.s32 $0x6900;
	s26 =	simm.s32 $0x7100  }
.LBB2_1:
0x1a: {  	s0 =	rddreg [dreg:$0x3]  }
0x1b: {  	[tilespmem:s3], [sflag:$0x5] =	stream.linear.gather [hbm4b:s0+s3], $0x100, $0x38;
	[tilespmem:$0x8100] =	vst v63  }
0x1c: {  	_ =	swait.ge [sflag:s11], $0x100  }
0x1d: {  	[sflag:s11] =	ssyncset.done $0x0  }
0x1e: {  	[sflag:s11] =	ssyncadd.s32 $0xFFFFFF00  }
0x1f: {  	v3 =	vld [tilespmem:$0x0];
	_ =	sdelay $0x4  }
0x20: {  	v4 =	vshll.u32 v3, $0x3  }
0x21: {  	v3 =	vand.u32 $0x7, v3;
	v4 =	vand.u32 $0xFFFFFFC0, v4  }
0x22: {  	v3 =	vor.u32 v3, v4  }
0x23: {  	v4 =	vperm.xlane v3, v0;
	_ =	sdelay $0x1  }
0x24: {  	v4 =	vadd.s32 v1, v4;
	_ =	sdelay $0x4  }
0x25: {  	[tilespmem:s12], [sflag:$0x1] =	stream.indirect_vreg.gather [hbm4b:s2+s3], $0x80, v4, vm0, $0xb8;
	[tilespmem:$0x8100] =	vst v63  }
0x26: {  	v3 =	vperm.xlane v3, v2  }
0x27: {  	[tilespmem:s13], [sflag:$0x1] =	stream.indirect_vreg.gather [hbm4b:s4+s3], $0x80, v4, vm0, $0xb8;
	[tilespmem:$0x8100] =	vst v63  }
0x28: {  	v3 =	vadd.s32 v1, v3  }
0x29: {  	[tilespmem:s14], [sflag:$0x1] =	stream.indirect_vreg.gather [hbm4b:s5+s3], $0x80, v4, vm0, $0xb8;
	[tilespmem:$0x8100] =	vst v63  }
0x2a: {  	_ = 	snop  }
0x2b: {  	[tilespmem:s15], [sflag:$0x1] =	stream.indirect_vreg.gather [hbm4b:s6+s3], $0x80, v4, vm0, $0xb8;
	[tilespmem:$0x8100] =	vst v63  }
0x2c: {  	_ = 	snop  }
0x2d: {  	[tilespmem:s16], [sflag:$0x1] =	stream.indirect_vreg.gather [hbm4b:s2+s3], $0x80, v3, vm0, $0xb8;
	[tilespmem:$0x8100] =	vst v63  }
0x2e: {  	_ = 	snop  }
0x2f: {  	[tilespmem:s17], [sflag:$0x1] =	stream.indirect_vreg.gather [hbm4b:s4+s3], $0x80, v3, vm0, $0xb8;
	[tilespmem:$0x8100] =	vst v63  }
0x30: {  	_ = 	snop  }
0x31: {  	[tilespmem:s18], [sflag:$0x1] =	stream.indirect_vreg.gather [hbm4b:s5+s3], $0x80, v3, vm0, $0xb8;
	[tilespmem:$0x8100] =	vst v63  }
0x32: {  	_ = 	snop  }
0x33: {  	[tilespmem:s19], [sflag:$0x1] =	stream.indirect_vreg.gather [hbm4b:s6+s3], $0x80, v3, vm0, $0xb8;
	[tilespmem:$0x8100] =	vst v63  }
0x34: {  	v3 =	vld [tilespmem:$0x10];
	_ =	sdelay $0x4  }
0x35: {  	v49 =	vshll.u32 v3, $0x3  }
0x36: {  	v3 =	vand.u32 $0x7, v3;
	v4 =	vand.u32 $0xFFFFFFC0, v49  }
0x37: {  	v3 =	vor.u32 v3, v4  }
0x38: {  	v4 =	vperm.xlane v3, v0;
	_ =	sdelay $0x1  }
0x39: {  	v4 =	vadd.s32 v1, v4;
	_ =	sdelay $0x4  }
0x3a: {  	[tilespmem:s20], [sflag:$0x2] =	stream.indirect_vreg.gather [hbm4b:s2+s3], $0x80, v4, vm0, $0xb8;
	[tilespmem:$0x8100] =	vst v63  }
0x3b: {  	v3 =	vperm.xlane v3, v2  }
0x3c: {  	[tilespmem:s21], [sflag:$0x2] =	stream.indirect_vreg.gather [hbm4b:s4+s3], $0x80, v4, vm0, $0xb8;
	[tilespmem:$0x8100] =	vst v63  }
0x3d: {  	v3 =	vadd.s32 v1, v3  }
0x3e: {  	[tilespmem:s22], [sflag:$0x2] =	stream.indirect_vreg.gather [hbm4b:s5+s3], $0x80, v4, vm0, $0xb8;
	[tilespmem:$0x8100] =	vst v63  }
0x3f: {  	_ = 	snop  }
0x40: {  	[tilespmem:s23], [sflag:$0x2] =	stream.indirect_vreg.gather [hbm4b:s6+s3], $0x80, v4, vm0, $0xb8;
	[tilespmem:$0x8100] =	vst v63  }
0x41: {  	_ = 	snop  }
0x42: {  	[tilespmem:s24], [sflag:$0x2] =	stream.indirect_vreg.gather [hbm4b:s2+s3], $0x80, v3, vm0, $0xb8;
	[tilespmem:$0x8100] =	vst v63  }
0x43: {  	_ = 	snop  }
0x44: {  	[tilespmem:s25], [sflag:$0x2] =	stream.indirect_vreg.gather [hbm4b:s4+s3], $0x80, v3, vm0, $0xb8;
	[tilespmem:$0x8100] =	vst v63  }
0x45: {  	_ = 	snop  }
0x46: {  	[tilespmem:s26], [sflag:$0x2] =	stream.indirect_vreg.gather [hbm4b:s5+s3], $0x80, v3, vm0, $0xb8;
	[tilespmem:$0x8100] =	vst v63  }
0x47: {  	_ = 	snop  }
0x48: {  	[tilespmem:s28], [sflag:$0x2] =	stream.indirect_vreg.gather [hbm4b:s6+s3], $0x80, v3, vm0, $0xb8;
	[tilespmem:$0x8100] =	vst v63  }
0x49: {  	_ =	swait.ge [sflag:s29], $0x4000  }
0x4a: {  	[sflag:s29] =	ssyncset.done $0x0  }
0x4b: {  	s0 =	rddreg [dreg:$0x4];
	[sflag:s29] =	ssyncadd.s32 $0xFFFFC000  }
0x4c: {  	[hbm4b:s0+s3] =	stream.linear.scatter [tilespmem:s12], [sflag:$0x3], $0x4000, $0x38;
	[tilespmem:$0x8100] =	vst v63  }
0x4d: {  	_ =	swait.ge [sflag:s30], $0x4000  }
0x4e: {  	[sflag:s30] =	ssyncset.done $0x0  }
0x4f: {  	[sflag:s30] =	ssyncadd.s32 $0xFFFFC000  }
0x50: {  	v3 =	vld [tilespmem:$0x20];
	_ =	sdelay $0x4  }
0x51: {  	v50 =	vshll.u32 v3, $0x3  }
0x52: {  	v3 =	vand.u32 $0x7, v3;
	v4 =	vand.u32 $0xFFFFFFC0, v50  }
0x53: {  	v3 =	vor.u32 v3, v4  }
0x54: {  	v4 =	vperm.xlane v3, v0;
	_ =	sdelay $0x1  }
0x55: {  	v4 =	vadd.s32 v1, v4;
	_ =	sdelay $0x4  }
0x56: {  	[tilespmem:s12], [sflag:$0x1] =	stream.indirect_vreg.gather [hbm4b:s2+s3], $0x80, v4, vm0, $0xb8;
	[tilespmem:$0x8100] =	vst v63  }
0x57: {  	v3 =	vperm.xlane v3, v2  }
0x58: {  	[tilespmem:s13], [sflag:$0x1] =	stream.indirect_vreg.gather [hbm4b:s4+s3], $0x80, v4, vm0, $0xb8;
	[tilespmem:$0x8100] =	vst v63  }
0x59: {  	v3 =	vadd.s32 v1, v3  }
0x5a: {  	[tilespmem:s14], [sflag:$0x1] =	stream.indirect_vreg.gather [hbm4b:s5+s3], $0x80, v4, vm0, $0xb8;
	[tilespmem:$0x8100] =	vst v63  }
0x5b: {  	_ = 	snop  }
0x5c: {  	[tilespmem:s15], [sflag:$0x1] =	stream.indirect_vreg.gather [hbm4b:s6+s3], $0x80, v4, vm0, $0xb8;
	[tilespmem:$0x8100] =	vst v63  }
0x5d: {  	_ = 	snop  }
0x5e: {  	[tilespmem:s16], [sflag:$0x1] =	stream.indirect_vreg.gather [hbm4b:s2+s3], $0x80, v3, vm0, $0xb8;
	[tilespmem:$0x8100] =	vst v63  }
0x5f: {  	_ = 	snop  }
0x60: {  	[tilespmem:s17], [sflag:$0x1] =	stream.indirect_vreg.gather [hbm4b:s4+s3], $0x80, v3, vm0, $0xb8;
	[tilespmem:$0x8100] =	vst v63  }
0x61: {  	_ = 	snop  }
0x62: {  	[tilespmem:s18], [sflag:$0x1] =	stream.indirect_vreg.gather [hbm4b:s5+s3], $0x80, v3, vm0, $0xb8;
	[tilespmem:$0x8100] =	vst v63  }
0x63: {  	_ = 	snop  }
0x64: {  	[tilespmem:s19], [sflag:$0x1] =	stream.indirect_vreg.gather [hbm4b:s6+s3], $0x80, v3, vm0, $0xb8;
	[tilespmem:$0x8100] =	vst v63  }
0x65: {  	_ =	swait.ge [sflag:s31], $0x4000  }
0x66: {  	[sflag:s31] =	ssyncset.done $0x0  }
0x67: {  	s0 =	rddreg [dreg:$0x5];
	[sflag:s31] =	ssyncadd.s32 $0xFFFFC000  }
0x68: {  	[hbm4b:s0+s3] =	stream.linear.scatter [tilespmem:s20], [sflag:$0x4], $0x4000, $0x38;
	[tilespmem:$0x8100] =	vst v63  }
0x69: {  	_ =	swait.ge [sflag:s1], $0x4000  }
0x6a: {  	[sflag:s1] =	ssyncset.done $0x0  }
0x6b: {  	[sflag:s1] =	ssyncadd.s32 $0xFFFFC000  }
0x6c: {  	v3 =	vld [tilespmem:$0x30];
	_ =	sdelay $0x4  }
0x6d: {  	v51 =	vshll.u32 v3, $0x3  }
0x6e: {  	v3 =	vand.u32 $0x7, v3;
	v4 =	vand.u32 $0xFFFFFFC0, v51  }
0x6f: {  	v3 =	vor.u32 v3, v4  }
0x70: {  	v4 =	vperm.xlane v3, v0;
	_ =	sdelay $0x1  }
0x71: {  	v4 =	vadd.s32 v1, v4;
	_ =	sdelay $0x4  }
0x72: {  	[tilespmem:s20], [sflag:$0x2] =	stream.indirect_vreg.gather [hbm4b:s2+s3], $0x80, v4, vm0, $0xb8;
	[tilespmem:$0x8100] =	vst v63  }
0x73: {  	v3 =	vperm.xlane v3, v2  }
0x74: {  	[tilespmem:s21], [sflag:$0x2] =	stream.indirect_vreg.gather [hbm4b:s4+s3], $0x80, v4, vm0, $0xb8;
	[tilespmem:$0x8100] =	vst v63  }
0x75: {  	v3 =	vadd.s32 v1, v3  }
0x76: {  	[tilespmem:s22], [sflag:$0x2] =	stream.indirect_vreg.gather [hbm4b:s5+s3], $0x80, v4, vm0, $0xb8;
	[tilespmem:$0x8100] =	vst v63  }
0x77: {  	_ = 	snop  }
0x78: {  	[tilespmem:s23], [sflag:$0x2] =	stream.indirect_vreg.gather [hbm4b:s6+s3], $0x80, v4, vm0, $0xb8;
	[tilespmem:$0x8100] =	vst v63  }
0x79: {  	_ = 	snop  }
0x7a: {  	[tilespmem:s24], [sflag:$0x2] =	stream.indirect_vreg.gather [hbm4b:s2+s3], $0x80, v3, vm0, $0xb8;
	[tilespmem:$0x8100] =	vst v63  }
0x7b: {  	_ = 	snop  }
0x7c: {  	[tilespmem:s25], [sflag:$0x2] =	stream.indirect_vreg.gather [hbm4b:s4+s3], $0x80, v3, vm0, $0xb8;
	[tilespmem:$0x8100] =	vst v63  }
0x7d: {  	_ = 	snop  }
0x7e: {  	[tilespmem:s26], [sflag:$0x2] =	stream.indirect_vreg.gather [hbm4b:s5+s3], $0x80, v3, vm0, $0xb8;
	[tilespmem:$0x8100] =	vst v63  }
0x7f: {  	_ = 	snop  }
0x80: {  	[tilespmem:s28], [sflag:$0x2] =	stream.indirect_vreg.gather [hbm4b:s6+s3], $0x80, v3, vm0, $0xb8;
	[tilespmem:$0x8100] =	vst v63  }
0x81: {  	_ =	swait.ge [sflag:s29], $0x4000  }
0x82: {  	[sflag:s29] =	ssyncset.done $0x0  }
0x83: {  	s0 =	rddreg [dreg:$0x6];
	[sflag:s29] =	ssyncadd.s32 $0xFFFFC000  }
0x84: {  	[hbm4b:s0+s3] =	stream.linear.scatter [tilespmem:s12], [sflag:$0x3], $0x4000, $0x38;
	[tilespmem:$0x8100] =	vst v63  }
0x85: {  	_ =	swait.ge [sflag:s30], $0x4000  }
0x86: {  	[sflag:s30] =	ssyncset.done $0x0  }
0x87: {  	[sflag:s30] =	ssyncadd.s32 $0xFFFFC000  }
0x88: {  	v3 =	vld [tilespmem:$0x40];
	_ =	sdelay $0x4  }
0x89: {  	v52 =	vshll.u32 v3, $0x3  }
0x8a: {  	v3 =	vand.u32 $0x7, v3;
	v4 =	vand.u32 $0xFFFFFFC0, v52  }
0x8b: {  	v3 =	vor.u32 v3, v4  }
0x8c: {  	v4 =	vperm.xlane v3, v0;
	_ =	sdelay $0x1  }
0x8d: {  	v4 =	vadd.s32 v1, v4;
	_ =	sdelay $0x4  }
0x8e: {  	[tilespmem:s12], [sflag:$0x1] =	stream.indirect_vreg.gather [hbm4b:s2+s3], $0x80, v4, vm0, $0xb8;
	[tilespmem:$0x8100] =	vst v63  }
0x8f: {  	v3 =	vperm.xlane v3, v2  }
0x90: {  	[tilespmem:s13], [sflag:$0x1] =	stream.indirect_vreg.gather [hbm4b:s4+s3], $0x80, v4, vm0, $0xb8;
	[tilespmem:$0x8100] =	vst v63  }
0x91: {  	v3 =	vadd.s32 v1, v3  }
0x92: {  	[tilespmem:s14], [sflag:$0x1] =	stream.indirect_vreg.gather [hbm4b:s5+s3], $0x80, v4, vm0, $0xb8;
	[tilespmem:$0x8100] =	vst v63  }
0x93: {  	_ = 	snop  }
0x94: {  	[tilespmem:s15], [sflag:$0x1] =	stream.indirect_vreg.gather [hbm4b:s6+s3], $0x80, v4, vm0, $0xb8;
	[tilespmem:$0x8100] =	vst v63  }
0x95: {  	_ = 	snop  }
0x96: {  	[tilespmem:s16], [sflag:$0x1] =	stream.indirect_vreg.gather [hbm4b:s2+s3], $0x80, v3, vm0, $0xb8;
	[tilespmem:$0x8100] =	vst v63  }
0x97: {  	_ = 	snop  }
0x98: {  	[tilespmem:s17], [sflag:$0x1] =	stream.indirect_vreg.gather [hbm4b:s4+s3], $0x80, v3, vm0, $0xb8;
	[tilespmem:$0x8100] =	vst v63  }
0x99: {  	_ = 	snop  }
0x9a: {  	[tilespmem:s18], [sflag:$0x1] =	stream.indirect_vreg.gather [hbm4b:s5+s3], $0x80, v3, vm0, $0xb8;
	[tilespmem:$0x8100] =	vst v63  }
0x9b: {  	_ = 	snop  }
0x9c: {  	[tilespmem:s19], [sflag:$0x1] =	stream.indirect_vreg.gather [hbm4b:s6+s3], $0x80, v3, vm0, $0xb8;
	[tilespmem:$0x8100] =	vst v63  }
0x9d: {  	_ =	swait.ge [sflag:s31], $0x4000  }
0x9e: {  	[sflag:s31] =	ssyncset.done $0x0  }
0x9f: {  	s0 =	rddreg [dreg:$0x7];
	[sflag:s31] =	ssyncadd.s32 $0xFFFFC000  }
0xa0: {  	[hbm4b:s0+s3] =	stream.linear.scatter [tilespmem:s20], [sflag:$0x4], $0x4000, $0x38;
	[tilespmem:$0x8100] =	vst v63  }
0xa1: {  	_ =	swait.ge [sflag:s1], $0x4000  }
0xa2: {  	[sflag:s1] =	ssyncset.done $0x0  }
0xa3: {  	[sflag:s1] =	ssyncadd.s32 $0xFFFFC000  }
0xa4: {  	v3 =	vld [tilespmem:$0x50];
	_ =	sdelay $0x4  }
0xa5: {  	v53 =	vshll.u32 v3, $0x3  }
0xa6: {  	v3 =	vand.u32 $0x7, v3;
	v4 =	vand.u32 $0xFFFFFFC0, v53  }
0xa7: {  	v3 =	vor.u32 v3, v4  }
0xa8: {  	v4 =	vperm.xlane v3, v0;
	_ =	sdelay $0x1  }
0xa9: {  	v4 =	vadd.s32 v1, v4;
	_ =	sdelay $0x4  }
0xaa: {  	[tilespmem:s20], [sflag:$0x2] =	stream.indirect_vreg.gather [hbm4b:s2+s3], $0x80, v4, vm0, $0xb8;
	[tilespmem:$0x8100] =	vst v63  }
0xab: {  	v3 =	vperm.xlane v3, v2  }
0xac: {  	[tilespmem:s21], [sflag:$0x2] =	stream.indirect_vreg.gather [hbm4b:s4+s3], $0x80, v4, vm0, $0xb8;
	[tilespmem:$0x8100] =	vst v63  }
0xad: {  	v3 =	vadd.s32 v1, v3  }
0xae: {  	[tilespmem:s22], [sflag:$0x2] =	stream.indirect_vreg.gather [hbm4b:s5+s3], $0x80, v4, vm0, $0xb8;
	[tilespmem:$0x8100] =	vst v63  }
0xaf: {  	_ = 	snop  }
0xb0: {  	[tilespmem:s23], [sflag:$0x2] =	stream.indirect_vreg.gather [hbm4b:s6+s3], $0x80, v4, vm0, $0xb8;
	[tilespmem:$0x8100] =	vst v63  }
0xb1: {  	_ = 	snop  }
0xb2: {  	[tilespmem:s24], [sflag:$0x2] =	stream.indirect_vreg.gather [hbm4b:s2+s3], $0x80, v3, vm0, $0xb8;
	[tilespmem:$0x8100] =	vst v63  }
0xb3: {  	_ = 	snop  }
0xb4: {  	[tilespmem:s25], [sflag:$0x2] =	stream.indirect_vreg.gather [hbm4b:s4+s3], $0x80, v3, vm0, $0xb8;
	[tilespmem:$0x8100] =	vst v63  }
0xb5: {  	_ = 	snop  }
0xb6: {  	[tilespmem:s26], [sflag:$0x2] =	stream.indirect_vreg.gather [hbm4b:s5+s3], $0x80, v3, vm0, $0xb8;
	[tilespmem:$0x8100] =	vst v63  }
0xb7: {  	_ = 	snop  }
0xb8: {  	[tilespmem:s28], [sflag:$0x2] =	stream.indirect_vreg.gather [hbm4b:s6+s3], $0x80, v3, vm0, $0xb8;
	[tilespmem:$0x8100] =	vst v63  }
0xb9: {  	_ =	swait.ge [sflag:s29], $0x4000  }
0xba: {  	[sflag:s29] =	ssyncset.done $0x0  }
0xbb: {  	s0 =	rddreg [dreg:$0x8];
	[sflag:s29] =	ssyncadd.s32 $0xFFFFC000  }
0xbc: {  	[hbm4b:s0+s3] =	stream.linear.scatter [tilespmem:s12], [sflag:$0x3], $0x4000, $0x38;
	[tilespmem:$0x8100] =	vst v63  }
0xbd: {  	_ =	swait.ge [sflag:s30], $0x4000  }
0xbe: {  	[sflag:s30] =	ssyncset.done $0x0  }
0xbf: {  	[sflag:s30] =	ssyncadd.s32 $0xFFFFC000  }
0xc0: {  	v3 =	vld [tilespmem:$0x60];
	_ =	sdelay $0x4  }
0xc1: {  	v54 =	vshll.u32 v3, $0x3  }
0xc2: {  	v3 =	vand.u32 $0x7, v3;
	v4 =	vand.u32 $0xFFFFFFC0, v54  }
0xc3: {  	v3 =	vor.u32 v3, v4  }
0xc4: {  	v4 =	vperm.xlane v3, v0;
	_ =	sdelay $0x1  }
0xc5: {  	v4 =	vadd.s32 v1, v4;
	_ =	sdelay $0x4  }
0xc6: {  	[tilespmem:s12], [sflag:$0x1] =	stream.indirect_vreg.gather [hbm4b:s2+s3], $0x80, v4, vm0, $0xb8;
	[tilespmem:$0x8100] =	vst v63  }
0xc7: {  	v3 =	vperm.xlane v3, v2  }
0xc8: {  	[tilespmem:s13], [sflag:$0x1] =	stream.indirect_vreg.gather [hbm4b:s4+s3], $0x80, v4, vm0, $0xb8;
	[tilespmem:$0x8100] =	vst v63  }
0xc9: {  	v3 =	vadd.s32 v1, v3  }
0xca: {  	[tilespmem:s14], [sflag:$0x1] =	stream.indirect_vreg.gather [hbm4b:s5+s3], $0x80, v4, vm0, $0xb8;
	[tilespmem:$0x8100] =	vst v63  }
0xcb: {  	_ = 	snop  }
0xcc: {  	[tilespmem:s15], [sflag:$0x1] =	stream.indirect_vreg.gather [hbm4b:s6+s3], $0x80, v4, vm0, $0xb8;
	[tilespmem:$0x8100] =	vst v63  }
0xcd: {  	_ = 	snop  }
0xce: {  	[tilespmem:s16], [sflag:$0x1] =	stream.indirect_vreg.gather [hbm4b:s2+s3], $0x80, v3, vm0, $0xb8;
	[tilespmem:$0x8100] =	vst v63  }
0xcf: {  	_ = 	snop  }
0xd0: {  	[tilespmem:s17], [sflag:$0x1] =	stream.indirect_vreg.gather [hbm4b:s4+s3], $0x80, v3, vm0, $0xb8;
	[tilespmem:$0x8100] =	vst v63  }
0xd1: {  	_ = 	snop  }
0xd2: {  	[tilespmem:s18], [sflag:$0x1] =	stream.indirect_vreg.gather [hbm4b:s5+s3], $0x80, v3, vm0, $0xb8;
	[tilespmem:$0x8100] =	vst v63  }
0xd3: {  	_ = 	snop  }
0xd4: {  	[tilespmem:s19], [sflag:$0x1] =	stream.indirect_vreg.gather [hbm4b:s6+s3], $0x80, v3, vm0, $0xb8;
	[tilespmem:$0x8100] =	vst v63  }
0xd5: {  	_ =	swait.ge [sflag:s31], $0x4000  }
0xd6: {  	[sflag:s31] =	ssyncset.done $0x0  }
0xd7: {  	s0 =	rddreg [dreg:$0x9];
	[sflag:s31] =	ssyncadd.s32 $0xFFFFC000  }
0xd8: {  	[hbm4b:s0+s3] =	stream.linear.scatter [tilespmem:s20], [sflag:$0x4], $0x4000, $0x38;
	[tilespmem:$0x8100] =	vst v63  }
0xd9: {  	_ =	swait.ge [sflag:s1], $0x4000  }
0xda: {  	[sflag:s1] =	ssyncset.done $0x0  }
0xdb: {  	[sflag:s1] =	ssyncadd.s32 $0xFFFFC000  }
0xdc: {  	v3 =	vld [tilespmem:$0x70];
	_ =	sdelay $0x4  }
0xdd: {  	v55 =	vshll.u32 v3, $0x3  }
0xde: {  	v3 =	vand.u32 $0x7, v3;
	v4 =	vand.u32 $0xFFFFFFC0, v55  }
0xdf: {  	v3 =	vor.u32 v3, v4  }
0xe0: {  	v4 =	vperm.xlane v3, v0;
	_ =	sdelay $0x1  }
0xe1: {  	v4 =	vadd.s32 v1, v4;
	_ =	sdelay $0x4  }
0xe2: {  	[tilespmem:s20], [sflag:$0x2] =	stream.indirect_vreg.gather [hbm4b:s2+s3], $0x80, v4, vm0, $0xb8;
	[tilespmem:$0x8100] =	vst v63  }
0xe3: {  	v3 =	vperm.xlane v3, v2  }
0xe4: {  	[tilespmem:s21], [sflag:$0x2] =	stream.indirect_vreg.gather [hbm4b:s4+s3], $0x80, v4, vm0, $0xb8;
	[tilespmem:$0x8100] =	vst v63  }
0xe5: {  	v3 =	vadd.s32 v1, v3  }
0xe6: {  	[tilespmem:s22], [sflag:$0x2] =	stream.indirect_vreg.gather [hbm4b:s5+s3], $0x80, v4, vm0, $0xb8;
	[tilespmem:$0x8100] =	vst v63  }
0xe7: {  	_ = 	snop  }
0xe8: {  	[tilespmem:s23], [sflag:$0x2] =	stream.indirect_vreg.gather [hbm4b:s6+s3], $0x80, v4, vm0, $0xb8;
	[tilespmem:$0x8100] =	vst v63  }
0xe9: {  	_ = 	snop  }
0xea: {  	[tilespmem:s24], [sflag:$0x2] =	stream.indirect_vreg.gather [hbm4b:s2+s3], $0x80, v3, vm0, $0xb8;
	[tilespmem:$0x8100] =	vst v63  }
0xeb: {  	_ = 	snop  }
0xec: {  	[tilespmem:s25], [sflag:$0x2] =	stream.indirect_vreg.gather [hbm4b:s4+s3], $0x80, v3, vm0, $0xb8;
	[tilespmem:$0x8100] =	vst v63  }
0xed: {  	_ = 	snop  }
0xee: {  	[tilespmem:s26], [sflag:$0x2] =	stream.indirect_vreg.gather [hbm4b:s5+s3], $0x80, v3, vm0, $0xb8;
	[tilespmem:$0x8100] =	vst v63  }
0xef: {  	_ = 	snop  }
0xf0: {  	[tilespmem:s28], [sflag:$0x2] =	stream.indirect_vreg.gather [hbm4b:s6+s3], $0x80, v3, vm0, $0xb8;
	[tilespmem:$0x8100] =	vst v63  }
0xf1: {  	_ =	swait.ge [sflag:s29], $0x4000  }
0xf2: {  	[sflag:s29] =	ssyncset.done $0x0  }
0xf3: {  	s0 =	rddreg [dreg:$0xa];
	[sflag:s29] =	ssyncadd.s32 $0xFFFFC000  }
0xf4: {  	[hbm4b:s0+s3] =	stream.linear.scatter [tilespmem:s12], [sflag:$0x3], $0x4000, $0x38;
	[tilespmem:$0x8100] =	vst v63  }
0xf5: {  	_ =	swait.ge [sflag:s30], $0x4000  }
0xf6: {  	[sflag:s30] =	ssyncset.done $0x0  }
0xf7: {  	[sflag:s30] =	ssyncadd.s32 $0xFFFFC000  }
0xf8: {  	v3 =	vld [tilespmem:$0x80];
	_ =	sdelay $0x4  }
0xf9: {  	v56 =	vshll.u32 v3, $0x3  }
0xfa: {  	v3 =	vand.u32 $0x7, v3;
	v4 =	vand.u32 $0xFFFFFFC0, v56  }
0xfb: {  	v3 =	vor.u32 v3, v4  }
0xfc: {  	v4 =	vperm.xlane v3, v0;
	_ =	sdelay $0x1  }
0xfd: {  	v4 =	vadd.s32 v1, v4;
	_ =	sdelay $0x4  }
0xfe: {  	[tilespmem:s12], [sflag:$0x1] =	stream.indirect_vreg.gather [hbm4b:s2+s3], $0x80, v4, vm0, $0xb8;
	[tilespmem:$0x8100] =	vst v63  }
0xff: {  	v3 =	vperm.xlane v3, v2  }
0x100: {  	[tilespmem:s13], [sflag:$0x1] =	stream.indirect_vreg.gather [hbm4b:s4+s3], $0x80, v4, vm0, $0xb8;
	[tilespmem:$0x8100] =	vst v63  }
0x101: {  	v3 =	vadd.s32 v1, v3  }
0x102: {  	[tilespmem:s14], [sflag:$0x1] =	stream.indirect_vreg.gather [hbm4b:s5+s3], $0x80, v4, vm0, $0xb8;
	[tilespmem:$0x8100] =	vst v63  }
0x103: {  	_ = 	snop  }
0x104: {  	[tilespmem:s15], [sflag:$0x1] =	stream.indirect_vreg.gather [hbm4b:s6+s3], $0x80, v4, vm0, $0xb8;
	[tilespmem:$0x8100] =	vst v63  }
0x105: {  	_ = 	snop  }
0x106: {  	[tilespmem:s16], [sflag:$0x1] =	stream.indirect_vreg.gather [hbm4b:s2+s3], $0x80, v3, vm0, $0xb8;
	[tilespmem:$0x8100] =	vst v63  }
0x107: {  	_ = 	snop  }
0x108: {  	[tilespmem:s17], [sflag:$0x1] =	stream.indirect_vreg.gather [hbm4b:s4+s3], $0x80, v3, vm0, $0xb8;
	[tilespmem:$0x8100] =	vst v63  }
0x109: {  	_ = 	snop  }
0x10a: {  	[tilespmem:s18], [sflag:$0x1] =	stream.indirect_vreg.gather [hbm4b:s5+s3], $0x80, v3, vm0, $0xb8;
	[tilespmem:$0x8100] =	vst v63  }
0x10b: {  	_ = 	snop  }
0x10c: {  	[tilespmem:s19], [sflag:$0x1] =	stream.indirect_vreg.gather [hbm4b:s6+s3], $0x80, v3, vm0, $0xb8;
	[tilespmem:$0x8100] =	vst v63  }
0x10d: {  	_ =	swait.ge [sflag:s31], $0x4000  }
0x10e: {  	[sflag:s31] =	ssyncset.done $0x0  }
0x10f: {  	s0 =	rddreg [dreg:$0xb];
	[sflag:s31] =	ssyncadd.s32 $0xFFFFC000  }
0x110: {  	[hbm4b:s0+s3] =	stream.linear.scatter [tilespmem:s20], [sflag:$0x4], $0x4000, $0x38;
	[tilespmem:$0x8100] =	vst v63  }
0x111: {  	_ =	swait.ge [sflag:s1], $0x4000  }
0x112: {  	[sflag:s1] =	ssyncset.done $0x0  }
0x113: {  	[sflag:s1] =	ssyncadd.s32 $0xFFFFC000  }
0x114: {  	v3 =	vld [tilespmem:$0x90];
	_ =	sdelay $0x4  }
0x115: {  	v57 =	vshll.u32 v3, $0x3  }
0x116: {  	v3 =	vand.u32 $0x7, v3;
	v4 =	vand.u32 $0xFFFFFFC0, v57  }
0x117: {  	v3 =	vor.u32 v3, v4  }
0x118: {  	v4 =	vperm.xlane v3, v0;
	_ =	sdelay $0x1  }
0x119: {  	v4 =	vadd.s32 v1, v4;
	_ =	sdelay $0x4  }
0x11a: {  	[tilespmem:s20], [sflag:$0x2] =	stream.indirect_vreg.gather [hbm4b:s2+s3], $0x80, v4, vm0, $0xb8;
	[tilespmem:$0x8100] =	vst v63  }
0x11b: {  	v3 =	vperm.xlane v3, v2  }
0x11c: {  	[tilespmem:s21], [sflag:$0x2] =	stream.indirect_vreg.gather [hbm4b:s4+s3], $0x80, v4, vm0, $0xb8;
	[tilespmem:$0x8100] =	vst v63  }
0x11d: {  	v3 =	vadd.s32 v1, v3  }
0x11e: {  	[tilespmem:s22], [sflag:$0x2] =	stream.indirect_vreg.gather [hbm4b:s5+s3], $0x80, v4, vm0, $0xb8;
	[tilespmem:$0x8100] =	vst v63  }
0x11f: {  	_ = 	snop  }
0x120: {  	[tilespmem:s23], [sflag:$0x2] =	stream.indirect_vreg.gather [hbm4b:s6+s3], $0x80, v4, vm0, $0xb8;
	[tilespmem:$0x8100] =	vst v63  }
0x121: {  	_ = 	snop  }
0x122: {  	[tilespmem:s24], [sflag:$0x2] =	stream.indirect_vreg.gather [hbm4b:s2+s3], $0x80, v3, vm0, $0xb8;
	[tilespmem:$0x8100] =	vst v63  }
0x123: {  	_ = 	snop  }
0x124: {  	[tilespmem:s25], [sflag:$0x2] =	stream.indirect_vreg.gather [hbm4b:s4+s3], $0x80, v3, vm0, $0xb8;
	[tilespmem:$0x8100] =	vst v63  }
0x125: {  	_ = 	snop  }
0x126: {  	[tilespmem:s26], [sflag:$0x2] =	stream.indirect_vreg.gather [hbm4b:s5+s3], $0x80, v3, vm0, $0xb8;
	[tilespmem:$0x8100] =	vst v63  }
0x127: {  	_ = 	snop  }
0x128: {  	[tilespmem:s28], [sflag:$0x2] =	stream.indirect_vreg.gather [hbm4b:s6+s3], $0x80, v3, vm0, $0xb8;
	[tilespmem:$0x8100] =	vst v63  }
0x129: {  	_ =	swait.ge [sflag:s29], $0x4000  }
0x12a: {  	[sflag:s29] =	ssyncset.done $0x0  }
0x12b: {  	s0 =	rddreg [dreg:$0xc];
	[sflag:s29] =	ssyncadd.s32 $0xFFFFC000  }
0x12c: {  	[hbm4b:s0+s3] =	stream.linear.scatter [tilespmem:s12], [sflag:$0x3], $0x4000, $0x38;
	[tilespmem:$0x8100] =	vst v63  }
0x12d: {  	_ =	swait.ge [sflag:s30], $0x4000  }
0x12e: {  	[sflag:s30] =	ssyncset.done $0x0  }
0x12f: {  	[sflag:s30] =	ssyncadd.s32 $0xFFFFC000  }
0x130: {  	v3 =	vld [tilespmem:$0xA0];
	_ =	sdelay $0x4  }
0x131: {  	v58 =	vshll.u32 v3, $0x3  }
0x132: {  	v3 =	vand.u32 $0x7, v3;
	v4 =	vand.u32 $0xFFFFFFC0, v58  }
0x133: {  	v3 =	vor.u32 v3, v4  }
0x134: {  	v4 =	vperm.xlane v3, v0;
	_ =	sdelay $0x1  }
0x135: {  	v4 =	vadd.s32 v1, v4;
	_ =	sdelay $0x4  }
0x136: {  	[tilespmem:s12], [sflag:$0x1] =	stream.indirect_vreg.gather [hbm4b:s2+s3], $0x80, v4, vm0, $0xb8;
	[tilespmem:$0x8100] =	vst v63  }
0x137: {  	v3 =	vperm.xlane v3, v2  }
0x138: {  	[tilespmem:s13], [sflag:$0x1] =	stream.indirect_vreg.gather [hbm4b:s4+s3], $0x80, v4, vm0, $0xb8;
	[tilespmem:$0x8100] =	vst v63  }
0x139: {  	v3 =	vadd.s32 v1, v3  }
0x13a: {  	[tilespmem:s14], [sflag:$0x1] =	stream.indirect_vreg.gather [hbm4b:s5+s3], $0x80, v4, vm0, $0xb8;
	[tilespmem:$0x8100] =	vst v63  }
0x13b: {  	_ = 	snop  }
0x13c: {  	[tilespmem:s15], [sflag:$0x1] =	stream.indirect_vreg.gather [hbm4b:s6+s3], $0x80, v4, vm0, $0xb8;
	[tilespmem:$0x8100] =	vst v63  }
0x13d: {  	_ = 	snop  }
0x13e: {  	[tilespmem:s16], [sflag:$0x1] =	stream.indirect_vreg.gather [hbm4b:s2+s3], $0x80, v3, vm0, $0xb8;
	[tilespmem:$0x8100] =	vst v63  }
0x13f: {  	_ = 	snop  }
0x140: {  	[tilespmem:s17], [sflag:$0x1] =	stream.indirect_vreg.gather [hbm4b:s4+s3], $0x80, v3, vm0, $0xb8;
	[tilespmem:$0x8100] =	vst v63  }
0x141: {  	_ = 	snop  }
0x142: {  	[tilespmem:s18], [sflag:$0x1] =	stream.indirect_vreg.gather [hbm4b:s5+s3], $0x80, v3, vm0, $0xb8;
	[tilespmem:$0x8100] =	vst v63  }
0x143: {  	_ = 	snop  }
0x144: {  	[tilespmem:s19], [sflag:$0x1] =	stream.indirect_vreg.gather [hbm4b:s6+s3], $0x80, v3, vm0, $0xb8;
	[tilespmem:$0x8100] =	vst v63  }
0x145: {  	_ =	swait.ge [sflag:s31], $0x4000  }
0x146: {  	[sflag:s31] =	ssyncset.done $0x0  }
0x147: {  	s0 =	rddreg [dreg:$0xd];
	[sflag:s31] =	ssyncadd.s32 $0xFFFFC000  }
0x148: {  	[hbm4b:s0+s3] =	stream.linear.scatter [tilespmem:s20], [sflag:$0x4], $0x4000, $0x38;
	[tilespmem:$0x8100] =	vst v63  }
0x149: {  	_ =	swait.ge [sflag:s1], $0x4000  }
0x14a: {  	[sflag:s1] =	ssyncset.done $0x0  }
0x14b: {  	[sflag:s1] =	ssyncadd.s32 $0xFFFFC000  }
0x14c: {  	v3 =	vld [tilespmem:$0xB0];
	_ =	sdelay $0x4  }
0x14d: {  	v59 =	vshll.u32 v3, $0x3  }
0x14e: {  	v3 =	vand.u32 $0x7, v3;
	v4 =	vand.u32 $0xFFFFFFC0, v59  }
0x14f: {  	v3 =	vor.u32 v3, v4  }
0x150: {  	v4 =	vperm.xlane v3, v0;
	_ =	sdelay $0x1  }
0x151: {  	v4 =	vadd.s32 v1, v4;
	_ =	sdelay $0x4  }
0x152: {  	[tilespmem:s20], [sflag:$0x2] =	stream.indirect_vreg.gather [hbm4b:s2+s3], $0x80, v4, vm0, $0xb8;
	[tilespmem:$0x8100] =	vst v63  }
0x153: {  	v3 =	vperm.xlane v3, v2  }
0x154: {  	[tilespmem:s21], [sflag:$0x2] =	stream.indirect_vreg.gather [hbm4b:s4+s3], $0x80, v4, vm0, $0xb8;
	[tilespmem:$0x8100] =	vst v63  }
0x155: {  	v3 =	vadd.s32 v1, v3  }
0x156: {  	[tilespmem:s22], [sflag:$0x2] =	stream.indirect_vreg.gather [hbm4b:s5+s3], $0x80, v4, vm0, $0xb8;
	[tilespmem:$0x8100] =	vst v63  }
0x157: {  	_ = 	snop  }
0x158: {  	[tilespmem:s23], [sflag:$0x2] =	stream.indirect_vreg.gather [hbm4b:s6+s3], $0x80, v4, vm0, $0xb8;
	[tilespmem:$0x8100] =	vst v63  }
0x159: {  	_ = 	snop  }
0x15a: {  	[tilespmem:s24], [sflag:$0x2] =	stream.indirect_vreg.gather [hbm4b:s2+s3], $0x80, v3, vm0, $0xb8;
	[tilespmem:$0x8100] =	vst v63  }
0x15b: {  	_ = 	snop  }
0x15c: {  	[tilespmem:s25], [sflag:$0x2] =	stream.indirect_vreg.gather [hbm4b:s4+s3], $0x80, v3, vm0, $0xb8;
	[tilespmem:$0x8100] =	vst v63  }
0x15d: {  	_ = 	snop  }
0x15e: {  	[tilespmem:s26], [sflag:$0x2] =	stream.indirect_vreg.gather [hbm4b:s5+s3], $0x80, v3, vm0, $0xb8;
	[tilespmem:$0x8100] =	vst v63  }
0x15f: {  	_ = 	snop  }
0x160: {  	[tilespmem:s28], [sflag:$0x2] =	stream.indirect_vreg.gather [hbm4b:s6+s3], $0x80, v3, vm0, $0xb8;
	[tilespmem:$0x8100] =	vst v63  }
0x161: {  	_ =	swait.ge [sflag:s29], $0x4000  }
0x162: {  	[sflag:s29] =	ssyncset.done $0x0  }
0x163: {  	s0 =	rddreg [dreg:$0xe];
	[sflag:s29] =	ssyncadd.s32 $0xFFFFC000  }
0x164: {  	[hbm4b:s0+s3] =	stream.linear.scatter [tilespmem:s12], [sflag:$0x3], $0x4000, $0x38;
	[tilespmem:$0x8100] =	vst v63  }
0x165: {  	_ =	swait.ge [sflag:s30], $0x4000  }
0x166: {  	[sflag:s30] =	ssyncset.done $0x0  }
0x167: {  	[sflag:s30] =	ssyncadd.s32 $0xFFFFC000  }
0x168: {  	v3 =	vld [tilespmem:$0xC0];
	_ =	sdelay $0x4  }
0x169: {  	v60 =	vshll.u32 v3, $0x3  }
0x16a: {  	v3 =	vand.u32 $0x7, v3;
	v4 =	vand.u32 $0xFFFFFFC0, v60  }
0x16b: {  	v3 =	vor.u32 v3, v4  }
0x16c: {  	v4 =	vperm.xlane v3, v0;
	_ =	sdelay $0x1  }
0x16d: {  	v4 =	vadd.s32 v1, v4;
	_ =	sdelay $0x4  }
0x16e: {  	[tilespmem:s12], [sflag:$0x1] =	stream.indirect_vreg.gather [hbm4b:s2+s3], $0x80, v4, vm0, $0xb8;
	[tilespmem:$0x8100] =	vst v63  }
0x16f: {  	v3 =	vperm.xlane v3, v2  }
0x170: {  	[tilespmem:s13], [sflag:$0x1] =	stream.indirect_vreg.gather [hbm4b:s4+s3], $0x80, v4, vm0, $0xb8;
	[tilespmem:$0x8100] =	vst v63  }
0x171: {  	v3 =	vadd.s32 v1, v3  }
0x172: {  	[tilespmem:s14], [sflag:$0x1] =	stream.indirect_vreg.gather [hbm4b:s5+s3], $0x80, v4, vm0, $0xb8;
	[tilespmem:$0x8100] =	vst v63  }
0x173: {  	_ = 	snop  }
0x174: {  	[tilespmem:s15], [sflag:$0x1] =	stream.indirect_vreg.gather [hbm4b:s6+s3], $0x80, v4, vm0, $0xb8;
	[tilespmem:$0x8100] =	vst v63  }
0x175: {  	_ = 	snop  }
0x176: {  	[tilespmem:s16], [sflag:$0x1] =	stream.indirect_vreg.gather [hbm4b:s2+s3], $0x80, v3, vm0, $0xb8;
	[tilespmem:$0x8100] =	vst v63  }
0x177: {  	_ = 	snop  }
0x178: {  	[tilespmem:s17], [sflag:$0x1] =	stream.indirect_vreg.gather [hbm4b:s4+s3], $0x80, v3, vm0, $0xb8;
	[tilespmem:$0x8100] =	vst v63  }
0x179: {  	_ = 	snop  }
0x17a: {  	[tilespmem:s18], [sflag:$0x1] =	stream.indirect_vreg.gather [hbm4b:s5+s3], $0x80, v3, vm0, $0xb8;
	[tilespmem:$0x8100] =	vst v63  }
0x17b: {  	_ = 	snop  }
0x17c: {  	[tilespmem:s19], [sflag:$0x1] =	stream.indirect_vreg.gather [hbm4b:s6+s3], $0x80, v3, vm0, $0xb8;
	[tilespmem:$0x8100] =	vst v63  }
0x17d: {  	_ =	swait.ge [sflag:s31], $0x4000  }
0x17e: {  	[sflag:s31] =	ssyncset.done $0x0  }
0x17f: {  	s0 =	rddreg [dreg:$0xf];
	[sflag:s31] =	ssyncadd.s32 $0xFFFFC000  }
0x180: {  	[hbm4b:s0+s3] =	stream.linear.scatter [tilespmem:s20], [sflag:$0x4], $0x4000, $0x38;
	[tilespmem:$0x8100] =	vst v63  }
0x181: {  	_ =	swait.ge [sflag:s1], $0x4000  }
0x182: {  	[sflag:s1] =	ssyncset.done $0x0  }
0x183: {  	[sflag:s1] =	ssyncadd.s32 $0xFFFFC000  }
0x184: {  	v3 =	vld [tilespmem:$0xD0];
	_ =	sdelay $0x4  }
0x185: {  	v61 =	vshll.u32 v3, $0x3  }
0x186: {  	v3 =	vand.u32 $0x7, v3;
	v4 =	vand.u32 $0xFFFFFFC0, v61  }
0x187: {  	v3 =	vor.u32 v3, v4  }
0x188: {  	v4 =	vperm.xlane v3, v0;
	_ =	sdelay $0x1  }
0x189: {  	v4 =	vadd.s32 v1, v4;
	_ =	sdelay $0x4  }
0x18a: {  	[tilespmem:s20], [sflag:$0x2] =	stream.indirect_vreg.gather [hbm4b:s2+s3], $0x80, v4, vm0, $0xb8;
	[tilespmem:$0x8100] =	vst v63  }
0x18b: {  	v3 =	vperm.xlane v3, v2  }
0x18c: {  	[tilespmem:s21], [sflag:$0x2] =	stream.indirect_vreg.gather [hbm4b:s4+s3], $0x80, v4, vm0, $0xb8;
	[tilespmem:$0x8100] =	vst v63  }
0x18d: {  	v3 =	vadd.s32 v1, v3  }
0x18e: {  	[tilespmem:s22], [sflag:$0x2] =	stream.indirect_vreg.gather [hbm4b:s5+s3], $0x80, v4, vm0, $0xb8;
	[tilespmem:$0x8100] =	vst v63  }
0x18f: {  	_ = 	snop  }
0x190: {  	[tilespmem:s23], [sflag:$0x2] =	stream.indirect_vreg.gather [hbm4b:s6+s3], $0x80, v4, vm0, $0xb8;
	[tilespmem:$0x8100] =	vst v63  }
0x191: {  	_ = 	snop  }
0x192: {  	[tilespmem:s24], [sflag:$0x2] =	stream.indirect_vreg.gather [hbm4b:s2+s3], $0x80, v3, vm0, $0xb8;
	[tilespmem:$0x8100] =	vst v63  }
0x193: {  	_ = 	snop  }
0x194: {  	[tilespmem:s25], [sflag:$0x2] =	stream.indirect_vreg.gather [hbm4b:s4+s3], $0x80, v3, vm0, $0xb8;
	[tilespmem:$0x8100] =	vst v63  }
0x195: {  	_ = 	snop  }
0x196: {  	[tilespmem:s26], [sflag:$0x2] =	stream.indirect_vreg.gather [hbm4b:s5+s3], $0x80, v3, vm0, $0xb8;
	[tilespmem:$0x8100] =	vst v63  }
0x197: {  	_ = 	snop  }
0x198: {  	[tilespmem:s28], [sflag:$0x2] =	stream.indirect_vreg.gather [hbm4b:s6+s3], $0x80, v3, vm0, $0xb8;
	[tilespmem:$0x8100] =	vst v63  }
0x199: {  	_ =	swait.ge [sflag:s29], $0x4000  }
0x19a: {  	[sflag:s29] =	ssyncset.done $0x0  }
0x19b: {  	s0 =	rddreg [dreg:$0x10];
	[sflag:s29] =	ssyncadd.s32 $0xFFFFC000  }
0x19c: {  	[hbm4b:s0+s3] =	stream.linear.scatter [tilespmem:s12], [sflag:$0x3], $0x4000, $0x38;
	[tilespmem:$0x8100] =	vst v63  }
0x19d: {  	_ =	swait.ge [sflag:s30], $0x4000  }
0x19e: {  	[sflag:s30] =	ssyncset.done $0x0  }
0x19f: {  	[sflag:s30] =	ssyncadd.s32 $0xFFFFC000  }
0x1a0: {  	v3 =	vld [tilespmem:$0xE0];
	_ =	sdelay $0x4  }
0x1a1: {  	v62 =	vshll.u32 v3, $0x3  }
0x1a2: {  	v3 =	vand.u32 $0x7, v3;
	v4 =	vand.u32 $0xFFFFFFC0, v62  }
0x1a3: {  	v3 =	vor.u32 v3, v4  }
0x1a4: {  	v4 =	vperm.xlane v3, v0;
	_ =	sdelay $0x1  }
0x1a5: {  	v4 =	vadd.s32 v1, v4;
	_ =	sdelay $0x4  }
0x1a6: {  	[tilespmem:s12], [sflag:$0x1] =	stream.indirect_vreg.gather [hbm4b:s2+s3], $0x80, v4, vm0, $0xb8;
	[tilespmem:$0x8100] =	vst v63  }
0x1a7: {  	v3 =	vperm.xlane v3, v2  }
0x1a8: {  	[tilespmem:s13], [sflag:$0x1] =	stream.indirect_vreg.gather [hbm4b:s4+s3], $0x80, v4, vm0, $0xb8;
	[tilespmem:$0x8100] =	vst v63  }
0x1a9: {  	v3 =	vadd.s32 v1, v3  }
0x1aa: {  	[tilespmem:s14], [sflag:$0x1] =	stream.indirect_vreg.gather [hbm4b:s5+s3], $0x80, v4, vm0, $0xb8;
	[tilespmem:$0x8100] =	vst v63  }
0x1ab: {  	_ = 	snop  }
0x1ac: {  	[tilespmem:s15], [sflag:$0x1] =	stream.indirect_vreg.gather [hbm4b:s6+s3], $0x80, v4, vm0, $0xb8;
	[tilespmem:$0x8100] =	vst v63  }
0x1ad: {  	_ = 	snop  }
0x1ae: {  	[tilespmem:s16], [sflag:$0x1] =	stream.indirect_vreg.gather [hbm4b:s2+s3], $0x80, v3, vm0, $0xb8;
	[tilespmem:$0x8100] =	vst v63  }
0x1af: {  	_ = 	snop  }
0x1b0: {  	[tilespmem:s17], [sflag:$0x1] =	stream.indirect_vreg.gather [hbm4b:s4+s3], $0x80, v3, vm0, $0xb8;
	[tilespmem:$0x8100] =	vst v63  }
0x1b1: {  	_ = 	snop  }
0x1b2: {  	[tilespmem:s18], [sflag:$0x1] =	stream.indirect_vreg.gather [hbm4b:s5+s3], $0x80, v3, vm0, $0xb8;
	[tilespmem:$0x8100] =	vst v63  }
0x1b3: {  	_ = 	snop  }
0x1b4: {  	[tilespmem:s19], [sflag:$0x1] =	stream.indirect_vreg.gather [hbm4b:s6+s3], $0x80, v3, vm0, $0xb8;
	[tilespmem:$0x8100] =	vst v63  }
0x1b5: {  	_ =	swait.ge [sflag:s31], $0x4000  }
0x1b6: {  	[sflag:s31] =	ssyncset.done $0x0  }
0x1b7: {  	[sflag:s31] =	ssyncadd.s32 $0xFFFFC000  }
0x1b8: {  	[hbm4b:s7+s3] =	stream.linear.scatter [tilespmem:s20], [sflag:$0x4], $0x4000, $0x38;
	[tilespmem:$0x8100] =	vst v63  }
0x1b9: {  	_ =	swait.ge [sflag:s1], $0x4000  }
0x1ba: {  	[sflag:s1] =	ssyncset.done $0x0  }
0x1bb: {  	[sflag:s1] =	ssyncadd.s32 $0xFFFFC000  }
0x1bc: {  	v3 =	vld [tilespmem:$0xF0];
	_ =	sdelay $0x4  }
0x1bd: {  	v63 =	vshll.u32 v3, $0x3  }
0x1be: {  	v3 =	vand.u32 $0x7, v3;
	v4 =	vand.u32 $0xFFFFFFC0, v63  }
0x1bf: {  	v3 =	vor.u32 v3, v4  }
0x1c0: {  	v4 =	vperm.xlane v3, v0;
	_ =	sdelay $0x1  }
0x1c1: {  	v4 =	vadd.s32 v1, v4;
	_ =	sdelay $0x4  }
0x1c2: {  	[tilespmem:s20], [sflag:$0x2] =	stream.indirect_vreg.gather [hbm4b:s2+s3], $0x80, v4, vm0, $0xb8;
	[tilespmem:$0x8100] =	vst v63  }
0x1c3: {  	v3 =	vperm.xlane v3, v2  }
0x1c4: {  	[tilespmem:s21], [sflag:$0x2] =	stream.indirect_vreg.gather [hbm4b:s4+s3], $0x80, v4, vm0, $0xb8;
	[tilespmem:$0x8100] =	vst v63  }
0x1c5: {  	v3 =	vadd.s32 v1, v3  }
0x1c6: {  	[tilespmem:s22], [sflag:$0x2] =	stream.indirect_vreg.gather [hbm4b:s5+s3], $0x80, v4, vm0, $0xb8;
	[tilespmem:$0x8100] =	vst v63  }
0x1c7: {  	_ = 	snop  }
0x1c8: {  	[tilespmem:s23], [sflag:$0x2] =	stream.indirect_vreg.gather [hbm4b:s6+s3], $0x80, v4, vm0, $0xb8;
	[tilespmem:$0x8100] =	vst v63  }
0x1c9: {  	_ = 	snop  }
0x1ca: {  	[tilespmem:s24], [sflag:$0x2] =	stream.indirect_vreg.gather [hbm4b:s2+s3], $0x80, v3, vm0, $0xb8;
	[tilespmem:$0x8100] =	vst v63  }
0x1cb: {  	_ = 	snop  }
0x1cc: {  	[tilespmem:s25], [sflag:$0x2] =	stream.indirect_vreg.gather [hbm4b:s4+s3], $0x80, v3, vm0, $0xb8;
	[tilespmem:$0x8100] =	vst v63  }
0x1cd: {  	_ = 	snop  }
0x1ce: {  	[tilespmem:s26], [sflag:$0x2] =	stream.indirect_vreg.gather [hbm4b:s5+s3], $0x80, v3, vm0, $0xb8;
	[tilespmem:$0x8100] =	vst v63  }
0x1cf: {  	_ = 	snop  }
0x1d0: {  	[tilespmem:s28], [sflag:$0x2] =	stream.indirect_vreg.gather [hbm4b:s6+s3], $0x80, v3, vm0, $0xb8;
	[tilespmem:$0x8100] =	vst v63  }
0x1d1: {  	_ =	swait.ge [sflag:s29], $0x4000  }
0x1d2: {  	[sflag:s29] =	ssyncset.done $0x0  }
0x1d3: {  	[sflag:s29] =	ssyncadd.s32 $0xFFFFC000  }
0x1d4: {  	[hbm4b:s8+s3] =	stream.linear.scatter [tilespmem:s12], [sflag:$0x3], $0x4000, $0x38;
	[tilespmem:$0x8100] =	vst v63  }
0x1d5: {  	_ =	swait.ge [sflag:s31], $0x4000  }
0x1d6: {  	[sflag:s31] =	ssyncset.done $0x0  }
0x1d7: {  	[sflag:s31] =	ssyncadd.s32 $0xFFFFC000  }
0x1d8: {  	[hbm4b:s9+s3] =	stream.linear.scatter [tilespmem:s20], [sflag:$0x4], $0x4000, $0x38;
	[tilespmem:$0x8100] =	vst v63  }
0x1d9: {  	p0 =	sne.s32 s10, $0x1;
	_ =	swait.ge [sflag:s30], $0x4000  }
.Ltmp0:
0x1da: {  	[sflag:s30] =	ssyncset.done $0x0;
	(pc) =	sbr.rel @p0 .LBB2_1-.Ltmp0, $4  }
0x1db: {  	[sflag:s30] =	ssyncadd.s32 $0xFFFFC000  }
0x1dc: {  	_ =	swait.ge [sflag:s1], $0x4000  }
0x1dd: {  	[sflag:s1] =	ssyncset.done $0x0  }
0x1de: {  	s10 =	sadd.s32 $0xFFFFFFFF, s10;
	[sflag:s1] =	ssyncadd.s32 $0xFFFFC000  }
0x1df: {  	_ =	sfence.sel $0x180000  }
0x1e0: {  	[bflag:$0x0] =	sbarrier.arrive $0xFFFF  }
0x1e1: {  	_ =	strace $0x9000004A  }
0x1e2: {  	s0 =	stileid.u32;
	[bflag:$0x2] =	sbarrier.arrive $0xFFFF  }
0x1e3: {  	p0 =	sne.s32 s0, $0x0;
	s0 =	rddreg [dreg:$0x2]  }
0x1e4: {  	s0 =	sadd.s32 @!p0 $0x100000, s0  }
0x1e5: {  	[sflag:s0] =	ssyncadd.tile.s32 @!p0 $0x1;
	_ =	shalt  }
.Lfunc_end2:
_tile_overlayer_lowered:
.L_overlay_start_2:
0x1e6: {  	(tag) =	ssettag $0x2  }
0x1e7: {  	s0 =	rddreg [dreg:$0x0];
	s2 =	stileid.u32  }
0x1e8: {  	s1 =	rddreg [dreg:$0x1];
	p0 =	sne.s32 s2, $0x0  }
0x1e9: {  	s3 =	rddreg [dreg:$0x2];
	[bflag:$0x3] =	sbarrier.arrive $0xFFFF;
	s2 =	simm.s32 @!p0 $0x1C05  }
0x1ea: {  	[timem:s3], [sflag:s2] =	dma.local @!p0 [hbm:s0], s1  }
0x1eb: {  	s0 =	simm.s32 @!p0 $0x5  }
0x1ec: {  	_ =	swait.ge @!p0 [sflag:s0], s1  }
0x1ed: {  	s1 =	ssub.s32 @!p0 $0x0, s1;
	[sflag:s0] =	ssyncset.done @!p0 $0x0  }
0x1ee: {  	[sflag:s0] =	ssyncadd.s32 @!p0 s1  }
0x1ef: {  	[bflag:$0x3] =	sbarrier.arrive $0xFFFF  }
0x1f0: {  	_ =	shalt  }

// kernel: kernel.9.cloned.1.call-start
scs
__scs_entry_jumppad:
0x0: {  	(pc) =	sbr.rel $0x88, $3  }
0x1: {  	(tag) =	ssettag $0x0;
	lr =	simm.s32 $0x1  }
0x2: {  	[smem:$0x3F98] =	sst lr;
	_ =	strace $0xD0000000  }
0x3: {  	_ = 	snop  }
0x4: {  	_ = 	snop  }
0x5: {  	_ = 	snop  }
0x6: {  	_ = 	snop  }
0x7: {  	_ = 	snop  }
__scs_overlays_trampoline_lowered:
0x8: {  	[smem:$0x3FA7] =	sst s0  }
0x9: {  	[smem:$0x3FA8] =	sst s1  }
0xa: {  	[smem:$0x3FA9] =	sst s2  }
0xb: {  	[smem:$0x3FAA] =	sst s3  }
0xc: {  	[smem:$0x3FAB] =	sst s4  }
0xd: {  	[smem:$0x3FAC] =	sst s5  }
0xe: {  	[smem:$0x3FAD] =	sst s6  }
0xf: {  	[smem:$0x3FAE] =	sst s7  }
0x10: {  	[smem:$0x3FAF] =	sst s8  }
0x11: {  	[smem:$0x3FB0] =	sst s9;
	s0 =	simm.s32 @!p0 $0x0  }
0x12: {  	s1 =	sld [smem:$0x3F96];
	s0 =	simm.s32 @p0 $0x1  }
0x13: {  	[smem:$0x3FB1] =	sst s0;
	s0 =	simm.s32 @!p1 $0x0  }
0x14: {  	s2 =	sld [smem:$0x3F95];
	s0 =	simm.s32 @p1 $0x1  }
0x15: {  	[smem:$0x3FB2] =	sst s0;
	s0 =	simm.s32 @!p2 $0x0  }
0x16: {  	s3 =	sld [smem:$0x3FDB];
	s0 =	simm.s32 @p2 $0x1  }
0x17: {  	s4 =	simm.s32 $0x1BF5;
	[smem:$0x3FB4] =	sst s0  }
0x18: {  	s0 =	sld [smem:$0x3F97];
	_ =	swait.ge [sflag:s4], $0x0  }
0x19: {  	s7 =	sld [smem:$0x3F98]  }
0x1a: {  	s8 =	sadd.s32 $0xFFFFE003, lr  }
0x1b: {  	s9 =	sadd.s32 $0xFFFFFEF7, lr;
	s5 =	simm.s32 $0xFFFFFFFF;
	p2 =	slt.u32 s8, $0xFFFFF086  }
0x1c: {  	p1 =	slt.u32 s9, $0xF7A;
	s5 =	simm.s32 @!p2 $0x0  }
0x1d: {  	s5 =	simm.s32 @p1 $0x1;
	p0 =	seq.s32 s7, s2  }
0x1e: {  	s7 =	smul.u32 @!p0 $0xF7A, s2;
	p2 =	seq.s32 @!p0 s5, $0x0  }
0x1f: {  	s9 =	smul.u32 $0xF7A, s1;
	s8 =	simm.s32 @!p0 $0x1BF5;
	p2 =	por !p2, p0  }
0x20: {  	[sflag:s8] =	ssyncset.s32 @!p0 $0xFFFFF086;
	s6 =	sadd.s32 @!p0 s3, s7;
	s7 =	simm.s32 @!p0 $0x108  }
0x21: {  	s3 =	sadd.s32 s3, s9;
	s6 =	sadd.s32 @!p0 $0x88, s6;
	s7 =	simm.s32 @p2 $0x1082  }
0x22: {  	[simem:s7], [sflag:s8] =	dma.local @!p0 [hbm:s6], $0xF7A  }
0x23: {  	s9 =	sor.u32 $0xD0000000, s2;
	s6 =	simm.s32 $0x108;
	_ =	swait.ge @!p0 [sflag:s8], $0x0  }
0x24: {  	s3 =	sadd.s32 $0x88, s3;
	s6 =	simm.s32 @!p1 $0x1082;
	[sflag:s4] =	ssyncset.s32 $0xFFFFF086  }
0x25: {  	[simem:s6], [sflag:s4] =	dma.local [hbm:s3], $0xF7A  }
0x26: {  	[smem:$0x3F98] =	sst s1;
	(tag) =	ssettag s2;
	_ =	strace s9  }
0x27: {  	s1 =	sld [smem:$0x3FA8]  }
0x28: {  	s2 =	sld [smem:$0x3FA9]  }
0x29: {  	s4 =	sld [smem:$0x3FAB]  }
0x2a: {  	p0 =	seq.s32 s5, $0x0;
	s5 =	sld [smem:$0x3FAC]  }
0x2b: {  	s6 =	sld [smem:$0x3FAD]  }
0x2c: {  	s7 =	sld [smem:$0x3FAE]  }
0x2d: {  	s3 =	simm.s32 $0x108;
	s8 =	sld [smem:$0x3FAF]  }
0x2e: {  	s3 =	simm.s32 @!p0 $0x1082;
	s9 =	sld [smem:$0x3FB0]  }
0x2f: {  	lr =	sadd.s32 s0, s3;
	s0 =	sld [smem:$0x3FA7]  }
0x30: {  	s3 =	sld [smem:$0x3FAA]  }
0x31: {  	[smem:$0x3FB3] =	sst s10  }
0x32: {  	s10 =	sld [smem:$0x3FB1];
	_ =	sdelay $0x3  }
0x33: {  	p0 =	seq.s32 s10, $0x1;
	s10 =	sld [smem:$0x3FB3];
	_ =	sdelay $0x3  }
0x34: {  	[smem:$0x3FB3] =	sst s10  }
0x35: {  	s10 =	sld [smem:$0x3FB2];
	_ =	sdelay $0x3  }
0x36: {  	p1 =	seq.s32 s10, $0x1;
	s10 =	sld [smem:$0x3FB3];
	_ =	sdelay $0x3  }
0x37: {  	[smem:$0x3FB3] =	sst s10  }
0x38: {  	s10 =	sld [smem:$0x3FB4]  }
0x39: {  	_ = 	snop;
	(pc) =	sbr.ind lr, $3  }
0x3a: {  	_ = 	snop  }
0x3b: {  	_ = 	snop  }
0x3c: {  	p2 =	seq.s32 s10, $0x1;
	s10 =	sld [smem:$0x3FB3]  }
0x3d: {  	_ =	shalt  }
0x3e: {  	_ =	shalt  }
0x3f: {  	_ =	shalt  }
0x40: {  	_ =	shalt  }
0x41: {  	_ =	shalt  }
0x42: {  	_ =	shalt  }
0x43: {  	_ =	shalt  }
0x44: {  	_ =	shalt  }
0x45: {  	_ =	shalt  }
0x46: {  	_ =	shalt  }
0x47: {  	_ =	shalt  }
0x48: {  	_ =	shalt  }
0x49: {  	_ =	shalt  }
0x4a: {  	_ =	shalt  }
0x4b: {  	_ =	shalt  }
0x4c: {  	_ =	shalt  }
0x4d: {  	_ =	shalt  }
0x4e: {  	_ =	shalt  }
0x4f: {  	_ =	shalt  }
0x50: {  	_ =	shalt  }
0x51: {  	_ =	shalt  }
0x52: {  	_ =	shalt  }
0x53: {  	_ =	shalt  }
0x54: {  	_ =	shalt  }
0x55: {  	_ =	shalt  }
0x56: {  	_ =	shalt  }
0x57: {  	_ =	shalt  }
0x58: {  	_ =	shalt  }
0x59: {  	_ =	shalt  }
0x5a: {  	_ =	shalt  }
0x5b: {  	_ =	shalt  }
0x5c: {  	_ =	shalt  }
0x5d: {  	_ =	shalt  }
0x5e: {  	_ =	shalt  }
0x5f: {  	_ =	shalt  }
0x60: {  	_ =	shalt  }
0x61: {  	_ =	shalt  }
0x62: {  	_ =	shalt  }
0x63: {  	_ =	shalt  }
0x64: {  	_ =	shalt  }
0x65: {  	_ =	shalt  }
0x66: {  	_ =	shalt  }
0x67: {  	_ =	shalt  }
0x68: {  	_ =	shalt  }
0x69: {  	_ =	shalt  }
0x6a: {  	_ =	shalt  }
0x6b: {  	_ =	shalt  }
0x6c: {  	_ =	shalt  }
0x6d: {  	_ =	shalt  }
0x6e: {  	_ =	shalt  }
0x6f: {  	_ =	shalt  }
0x70: {  	_ =	shalt  }
0x71: {  	_ =	shalt  }
0x72: {  	_ =	shalt  }
0x73: {  	_ =	shalt  }
0x74: {  	_ =	shalt  }
0x75: {  	_ =	shalt  }
0x76: {  	_ =	shalt  }
0x77: {  	_ =	shalt  }
0x78: {  	_ =	shalt  }
0x79: {  	_ =	shalt  }
0x7a: {  	_ =	shalt  }
0x7b: {  	_ =	shalt  }
0x7c: {  	_ =	shalt  }
0x7d: {  	_ =	shalt  }
0x7e: {  	_ =	shalt  }
0x7f: {  	_ =	shalt  }
0x80: {  	_ =	shalt  }
0x81: {  	_ =	shalt  }
0x82: {  	_ =	shalt  }
0x83: {  	_ =	shalt  }
0x84: {  	_ =	shalt  }
0x85: {  	_ =	shalt  }
0x86: {  	_ =	shalt  }
0x87: {  	_ =	shalt  }
.Lfunc_end0:
.L_simem_size_0:
called_computation.1_lowered:
.L_overlay_start_0:
0x88: {  	s2 =	sld [smem:$0x3FD9]  }
0x89: {  	s3 =	sld [smem:$0x3FFE];
	_ =	sdelay $0x1  }
0x8a: {  	s1 =	srdreg.scid  }
0x8b: {  	s0 =	sand.u32 $0x1, s1  }
0x8c: {  	s16 =	sshll.u32 s0, $0xA;
	s2 =	sadd.s32 s3, s2  }
0x8d: {  	s2 =	sadd.s32 s2, s16  }
0x8e: {  	[smem:$0x3FBF] =	sst s2  }
0x8f: {  	_ = 	snop  }
0x90: {  	(tm) =	ssettm $0x1  }
0x91: {  	s17 =	sld [smem:$0x3FFB];
	_ =	sdelay $0x3  }
0x92: {  	_ =	strace s17  }
0x93: {  	s2 =	sld [smem:$0x3FFC];
	_ =	sdelay $0x3  }
0x94: {  	_ =	strace s2  }
0x95: {  	s2 =	sld [smem:$0x3FFD];
	_ =	sdelay $0x3  }
0x96: {  	_ =	strace s2  }
0x97: {  	_ =	strace $0x8FFFFFFF  }
0x98: {  	s18 =	sld [smem:$0x3FDB];
	_ =	sdelay $0x1  }
0x99: {  	s19 =	simm.s32 $_scs_section_size  }
0x9a: {  	s4 =	simm.s32 $_size__tile_overlayer_lowered;
	s5 =	simm.s32 $_tile_overlayer_lowered  }
0x9b: {  	s22 =	simm.s32 $0x1BFF;
	s21 =	sshll.u32 s5, $0x1;
	s2 =	sadd.s32 s19, s18  }
0x9c: {  	s6 =	simm.s32 $0x0;
	s20 =	sshll.u32 s4, $0x1;
	s4 =	sadd.s32 s21, s2  }
0x9d: {  	[timem:s6], [sflag:s22] =	dma.local [hbm:s4], s20  }
0x9e: {  	_ =	swait.ge [sflag:s22], s20  }
0x9f: {  	s3 =	ssub.s32 $0x0, s20;
	[sflag:s22] =	ssyncset.done $0x0  }
0xa0: {  	[sflag:s22] =	ssyncadd.s32 s3;
	_ =	sdelay $0x1  }
0xa1: {  	s23 =	simm.s32 $0x1B8B  }
0xa2: {  	_ =	swait.ge [sflag:s23], $0x1  }
0xa3: {  	[sflag:s23] =	ssyncset.done $0x0  }
0xa4: {  	s25 =	simm.s32 $0x1B8E;
	s24 =	sld [smem:$0x3FFE];
	[sflag:s23] =	ssyncadd.s32 $0xFFFFFFFF  }
0xa5: {  	s26 =	simm.s32 $execute0_lowered;
	[smem:$0x3FD2] =	sst s25  }
0xa6: {  	s4 =	sshll.u32 s26, $0x1;
	_ =	strace $0x80000046;
	[dreg:$0x1] =	wrdreg $0xFFFFFFFF  }
0xa7: {  	s28 =	simm.s32 $_size_execute0_lowered;
	s2 =	sadd.s32 s2, s4;
	[dreg:$0x0] =	wrdreg $0x0  }
0xa8: {  	s4 =	sshll.u32 s28, $0x1;
	[dreg:$0x2] =	wrdreg s2  }
0xa9: {  	[dreg:$0x3] =	wrdreg s4  }
0xaa: {  	[dreg:$0x4] =	wrdreg $0xC0  }
0xab: {  	_ =	task [dreg:s6], $0x5FFFF  }
0xac: {  	[dreg:$0x1] =	wrdreg $0xFFFFFFFF  }
0xad: {  	[dreg:$0x0] =	wrdreg $0x60  }
0xae: {  	[dreg:$0x2] =	wrdreg s24  }
0xaf: {  	[dreg:$0x3] =	wrdreg $0xA  }
0xb0: {  	_ =	task.clear_ibuf [dreg:s6], $0x4FFFF;
	_ =	strace $0x90000046  }
0xb1: {  	s29 =	simm.s32 $0xA;
	_ =	strace $0x80000048  }
0xb2: {  	_ =	swait.ge [sflag:s29], $0x1  }
0xb3: {  	[sflag:s29] =	ssyncadd.s32 $0xFFFFFFFF  }
0xb4: {  	_ =	strace $0x90000048  }
0xb5: {  	_ =	sfence  }
0xb6: {  	s30 =	sld [smem:$0x0];
	_ =	sdelay $0x2  }
0xb7: {  	s31 =	sshll.u32 s1, $0xD;
	s1 =	sshrl.u32 s1, $0x2  }
0xb8: {  	s3 =	sand.u32 $0x4000, s31;
	s1 =	sadd.s32 s1, s30  }
0xb9: {  	s0 =	sor.u32 s3, s0;
	s1 =	sshll.u32 s1, $0x11  }
0xba: {  	s0 =	sor.u32 s1, s0  }
0xbb: {  	s0 =	sadd.s32 $0x8F2B, s0  }
0xbc: {  	[sflag:s0] =	ssyncadd.remote.s32 $0x1  }
0xbd: {  	_ =	sfence.sel $0xFFFF  }
0xbe: {  	[dreg:$0x0] =	wrdreg $0xFFFFFFFF;
	(pc) =	sbr.abs _section_cstart, $3  }
0xbf: {  	[dreg:$0x1] =	wrdreg $0xFFFFFFFF  }
0xc0: {  	_ =	task.clear_ibuf [dreg:s6], $0x2FFFF;
	_ =	strace $0x9FFFFFFF  }
0xc1: {  	(tm) =	ssettm $0x7FFFFFFF  }
tec
execute0_lowered:
.L_overlay_start_1:
0x0: {  	(tag) =	ssettag $0x1  }
0x1: {  	s1 =	srdreg.scid;
	s0 =	stileid.u32  }
0x2: {  	s4 =	rddreg [dreg:$0x0];
	s2 =	simm.s32 $0x0;
	s9 =	simm.s32 $0x200  }
0x3: {  	s10 =	simm.s32 $0x0;
	s3 =	sand.u32 $0x1, s1;
	s1 =	rddreg [dreg:$0x1]  }
0x4: {  	vm0 =	vmmov $0x1;
	s5 =	sshll.u32 s0, $0xA;
	[smem:$0x7FF] =	sst s2;
	s6 =	sshll.u32 s3, $0x9  }
0x5: {  	vm1 =	vcmask $0x308;
	vm2 =	vcmask $0x70C;
	vm3 =	vcmask $0xB10;
	_ =	strace $0x80000047;
	s7 =	ssub.s32 $0x2, s3;
	s5 =	sor.u32 s6, s5  }
0x6: {  	vm4 =	vcmask $0xF14;
	vm5 =	vcmask $0x1318;
	vm6 =	vcmask $0x171C;
	s3 =	sadd.s32 $0x1200, s4;
	s8 =	sshrl.u32 s7, $0x1;
	s6 =	sshrl.u32 s5, $0x3  }
0x7: {  	vm7 =	vcmask $0x1B20;
	vm8 =	vcmask $0x1F24;
	vm9 =	vcmask $0x2328;
	s5 =	sshll.u32 s5, $0x4;
	s7 =	ssub.s32 s7, s8;
	s6 =	sadd.s32 s6, s4  }
0x8: {  	vm10 =	vcmask $0x272C;
	vm11 =	vcmask $0x2B30;
	vm12 =	vcmask $0x2F34;
	s8 =	simm.s32 $0x1;
	s5 =	sadd.s32 s5, s4;
	s4 =	sadd.s32 $0xF43600, s6  }
0x9: {  	vm13 =	vcmask $0x3338;
	vm14 =	vcmask $0x373C;
	vm15 =	vmmov $0x7fff;
	s5 =	sadd.s32 $0xF43E00, s5;
	s6 =	smax.u32 s7, $0x1;
	s7 =	simm.s32 $0x2  }
.LBB2_1:
0xa: {  	[tilespmem:s2], [sflag:$0x2] =	stream.linear.gather [hbm4b:s4+s2], $0x200, $0x38;
	[tilespmem:$0x10200] =	vst v63  }
0xb: {  	_ =	swait.ge [sflag:s7], $0x200  }
0xc: {  	[sflag:s7] =	ssyncset.done $0x0  }
0xd: {  	s11 =	simm.s32 $0x10;
	s12 =	simm.s32 $0x0;
	[sflag:s7] =	ssyncadd.s32 $0xFFFFFE00  }
.LBB2_2:
0xe: {  	v0 =	vld [tilespmem:s11+$0xFFFFFFF0];
	_ =	sdelay $0x4  }
0xf: {  	v1 =	vnsel vm0, $0x0, v0  }
0x10: {  	(xrf0) =	vadd.scan.msk.s32 $0xffff, v1;
	_ =	sdelay $0x3  }
0x11: {  	v62 =	vsel vm1, $0x0, v0  }
0x12: {  	(xrf0) =	vadd.scan.msk.s32 $0xffff, v62  }
0x13: {  	v63, _, _ =	vpop (xrf0)  }
0x14: {  	(v2sf) =	vpush v63, $0xF  }
0x15: {  	v4 =	vsel vm2, $0x0, v0  }
0x16: {  	(xrf0) =	vadd.scan.msk.s32 $0xffff, v4;
	_ =	sdelay $0x1  }
0x17: {  	v5, _, _ =	vpop (xrf0)  }
0x18: {  	(v2sf) =	vpush v5, $0xF;
	_ =	sdelay $0x1  }
0x19: {  	v6 =	vsel vm3, $0x0, v0  }
0x1a: {  	(xrf0) =	vadd.scan.msk.s32 $0xffff, v6;
	v7, _, _ =	vpop (xrf0)  }
0x1b: {  	(v2sf) =	vpush v7, $0xF;
	_ =	sdelay $0x2  }
0x1c: {  	v8 =	vsel vm4, $0x0, v0  }
0x1d: {  	(xrf0) =	vadd.scan.msk.s32 $0xffff, v8  }
0x1e: {  	v9, _, _ =	vpop (xrf0)  }
0x1f: {  	s13 =	spop (v2sf);
	(v2sf) =	vpush v9, $0xF  }
0x20: {  	v10 =	vsel vm5, $0x0, v0  }
0x21: {  	(xrf0) =	vadd.scan.msk.s32 $0xffff, v10;
	_ =	sdelay $0x1  }
0x22: {  	v11, _, _ =	vpop (xrf0)  }
0x23: {  	s17 =	spop (v2sf);
	(v2sf) =	vpush v11, $0xF;
	_ =	sdelay $0x1  }
0x24: {  	v12 =	vsel vm6, $0x0, v0  }
0x25: {  	(xrf0) =	vadd.scan.msk.s32 $0xffff, v12;
	v13, _, _ =	vpop (xrf0)  }
0x26: {  	s19 =	spop (v2sf);
	(v2sf) =	vpush v13, $0xF;
	_ =	sdelay $0x1  }
0x27: {  	s14 =	sshll.u32 s13, $0x4  }
0x28: {  	v14 =	vsel vm7, $0x0, v0;
	s13 =	sshra.s32 s12, $0x2;
	s14 =	sand.u32 $0x1FFFFFF0, s14  }
0x29: {  	(xrf0) =	vadd.scan.msk.s32 $0xffff, v14;
	s15 =	sadd.s32 $0x200, s13;
	s14 =	sadd.s32 s3, s14  }
0x2a: {  	v15, _, _ =	vpop (xrf0);
	[tilespmem:s15], [sflag:$0x1] =	stream.linear.gather [hbm4b:s14+s2], $0x80, $0x38;
	[tilespmem:$0x10200] =	vst v63  }
0x2b: {  	s21 =	spop (v2sf);
	(v2sf) =	vpush v15, $0xF  }
0x2c: {  	v16 =	vsel vm8, $0x0, v0;
	s14 =	sshll.u32 s17, $0x4  }
0x2d: {  	(xrf0) =	vadd.scan.msk.s32 $0xffff, v16;
	s14 =	sand.u32 $0x1FFFFFF0, s14  }
0x2e: {  	s18 =	sadd.s32 $0x280, s13;
	s14 =	sadd.s32 s3, s14  }
0x2f: {  	v17, _, _ =	vpop (xrf0);
	[tilespmem:s18], [sflag:$0x1] =	stream.linear.gather [hbm4b:s14+s2], $0x80, $0x38;
	[tilespmem:$0x10200] =	vst v63  }
0x30: {  	s14 =	sshll.u32 s19, $0x4;
	s23 =	spop (v2sf);
	(v2sf) =	vpush v17, $0xF  }
0x31: {  	v18 =	vsel vm9, $0x0, v0;
	s14 =	sand.u32 $0x1FFFFFF0, s14  }
0x32: {  	s20 =	sadd.s32 $0x300, s13;
	(xrf0) =	vadd.scan.msk.s32 $0xffff, v18;
	s14 =	sadd.s32 s3, s14  }
0x33: {  	v19, _, _ =	vpop (xrf0);
	[tilespmem:s20], [sflag:$0x1] =	stream.linear.gather [hbm4b:s14+s2], $0x80, $0x38;
	[tilespmem:$0x10200] =	vst v63  }
0x34: {  	s25 =	spop (v2sf);
	(v2sf) =	vpush v19, $0xF  }
0x35: {  	s14 =	sshll.u32 s21, $0x4  }
0x36: {  	v20 =	vsel vm10, $0x0, v0;
	s14 =	sand.u32 $0x1FFFFFF0, s14  }
0x37: {  	s22 =	sadd.s32 $0x380, s13;
	(xrf0) =	vadd.scan.msk.s32 $0xffff, v20;
	s14 =	sadd.s32 s3, s14  }
0x38: {  	[tilespmem:s22], [sflag:$0x1] =	stream.linear.gather [hbm4b:s14+s2], $0x80, $0x38;
	[tilespmem:$0x10200] =	vst v63  }
0x39: {  	v21, _, _ =	vpop (xrf0);
	s14 =	sshll.u32 s23, $0x4  }
0x3a: {  	v22 =	vsel vm11, $0x0, v0;
	s14 =	sand.u32 $0x1FFFFFF0, s14;
	s28 =	spop (v2sf);
	(v2sf) =	vpush v21, $0xF  }
0x3b: {  	s24 =	sadd.s32 $0x400, s13;
	(xrf0) =	vadd.scan.msk.s32 $0xffff, v22;
	s14 =	sadd.s32 s3, s14  }
0x3c: {  	[tilespmem:s24], [sflag:$0x1] =	stream.linear.gather [hbm4b:s14+s2], $0x80, $0x38;
	[tilespmem:$0x10200] =	vst v63  }
0x3d: {  	s14 =	sshll.u32 s25, $0x4  }
0x3e: {  	v23, _, _ =	vpop (xrf0);
	s14 =	sand.u32 $0x1FFFFFF0, s14  }
0x3f: {  	s26 =	sadd.s32 $0x480, s13;
	s14 =	sadd.s32 s3, s14;
	s30 =	spop (v2sf);
	(v2sf) =	vpush v23, $0xF  }
0x40: {  	[tilespmem:s26], [sflag:$0x1] =	stream.linear.gather [hbm4b:s14+s2], $0x80, $0x38;
	[tilespmem:$0x10200] =	vst v63  }
0x41: {  	v24 =	vsel vm12, $0x0, v0;
	s14 =	sshll.u32 s28, $0x4  }
0x42: {  	(xrf0) =	vadd.scan.msk.s32 $0xffff, v24;
	v25, _, _ =	vpop (xrf0);
	s14 =	sand.u32 $0x1FFFFFF0, s14  }
0x43: {  	s29 =	sadd.s32 $0x500, s13;
	s14 =	sadd.s32 s3, s14;
	s15 =	spop (v2sf);
	(v2sf) =	vpush v25, $0xF  }
0x44: {  	[tilespmem:s29], [sflag:$0x1] =	stream.linear.gather [hbm4b:s14+s2], $0x80, $0x38;
	[tilespmem:$0x10200] =	vst v63  }
0x45: {  	s14 =	sshll.u32 s30, $0x4  }
0x46: {  	v26 =	vsel vm13, $0x0, v0;
	s14 =	sand.u32 $0x1FFFFFF0, s14  }
0x47: {  	s31 =	sadd.s32 $0x580, s13;
	(xrf0) =	vadd.scan.msk.s32 $0xffff, v26;
	s14 =	sadd.s32 s3, s14  }
0x48: {  	v27, _, _ =	vpop (xrf0);
	[tilespmem:s31], [sflag:$0x1] =	stream.linear.gather [hbm4b:s14+s2], $0x80, $0x38;
	[tilespmem:$0x10200] =	vst v63  }
0x49: {  	s17 =	spop (v2sf);
	(v2sf) =	vpush v27, $0xF  }
0x4a: {  	v28 =	vsel vm14, $0x0, v0;
	s14 =	sshll.u32 s15, $0x4  }
0x4b: {  	(xrf0) =	vadd.scan.msk.s32 $0xffff, v28;
	s14 =	sand.u32 $0x1FFFFFF0, s14  }
0x4c: {  	s16 =	sadd.s32 $0x600, s13;
	s14 =	sadd.s32 s3, s14  }
0x4d: {  	v29, _, _ =	vpop (xrf0);
	[tilespmem:s16], [sflag:$0x1] =	stream.linear.gather [hbm4b:s14+s2], $0x80, $0x38;
	[tilespmem:$0x10200] =	vst v63  }
0x4e: {  	s14 =	sshll.u32 s17, $0x4;
	s19 =	spop (v2sf);
	(v2sf) =	vpush v29, $0xF  }
0x4f: {  	v0 =	vsel vm15, $0x0, v0;
	s14 =	sand.u32 $0x1FFFFFF0, s14  }
0x50: {  	s18 =	sadd.s32 $0x680, s13;
	(xrf0) =	vadd.scan.msk.s32 $0xffff, v0;
	s14 =	sadd.s32 s3, s14  }
0x51: {  	v30, _, _ =	vpop (xrf0);
	[tilespmem:s18], [sflag:$0x1] =	stream.linear.gather [hbm4b:s14+s2], $0x80, $0x38;
	[tilespmem:$0x10200] =	vst v63  }
0x52: {  	s21 =	spop (v2sf);
	(v2sf) =	vpush v30, $0xF  }
0x53: {  	s14 =	sshll.u32 s19, $0x4  }
0x54: {  	s14 =	sand.u32 $0x1FFFFFF0, s14  }
0x55: {  	s20 =	sadd.s32 $0x700, s13;
	s14 =	sadd.s32 s3, s14  }
0x56: {  	[tilespmem:s20], [sflag:$0x1] =	stream.linear.gather [hbm4b:s14+s2], $0x80, $0x38;
	[tilespmem:$0x10200] =	vst v63  }
0x57: {  	v31, _, _ =	vpop (xrf0);
	s14 =	sshll.u32 s21, $0x4  }
0x58: {  	s14 =	sand.u32 $0x1FFFFFF0, s14;
	s23 =	spop (v2sf);
	(v2sf) =	vpush v31, $0xF  }
0x59: {  	s22 =	sadd.s32 $0x780, s13;
	s14 =	sadd.s32 s3, s14  }
0x5a: {  	[tilespmem:s22], [sflag:$0x1] =	stream.linear.gather [hbm4b:s14+s2], $0x80, $0x38;
	[tilespmem:$0x10200] =	vst v63  }
0x5b: {  	s14 =	sshll.u32 s23, $0x4  }
0x5c: {  	s14 =	sand.u32 $0x1FFFFFF0, s14  }
0x5d: {  	s24 =	sadd.s32 $0x800, s13;
	s25 =	spop (v2sf);
	s14 =	sadd.s32 s3, s14  }
0x5e: {  	[tilespmem:s24], [sflag:$0x1] =	stream.linear.gather [hbm4b:s14+s2], $0x80, $0x38;
	[tilespmem:$0x10200] =	vst v63  }
0x5f: {  	s14 =	sshll.u32 s25, $0x4  }
0x60: {  	s14 =	sand.u32 $0x1FFFFFF0, s14  }
0x61: {  	s26 =	sadd.s32 $0x880, s13;
	s14 =	sadd.s32 s3, s14;
	s28 =	spop (v2sf)  }
0x62: {  	[tilespmem:s26], [sflag:$0x1] =	stream.linear.gather [hbm4b:s14+s2], $0x80, $0x38;
	[tilespmem:$0x10200] =	vst v63  }
0x63: {  	s14 =	sshll.u32 s28, $0x4  }
0x64: {  	s14 =	sand.u32 $0x1FFFFFF0, s14  }
0x65: {  	s29 =	sadd.s32 $0x900, s13;
	s14 =	sadd.s32 s3, s14  }
0x66: {  	[tilespmem:s29], [sflag:$0x1] =	stream.linear.gather [hbm4b:s14+s2], $0x80, $0x38;
	[tilespmem:$0x10200] =	vst v63  }
0x67: {  	s30 =	spop (v2sf)  }
0x68: {  	s14 =	sshll.u32 s30, $0x4  }
0x69: {  	s14 =	sand.u32 $0x1FFFFFF0, s14  }
0x6a: {  	s31 =	sadd.s32 $0x980, s13;
	s14 =	sadd.s32 s3, s14  }
0x6b: {  	[tilespmem:s31], [sflag:$0x1] =	stream.linear.gather [hbm4b:s14+s2], $0x80, $0x38;
	[tilespmem:$0x10200] =	vst v63  }
0x6c: {  	v32 =	vld [tilespmem:s11+$0x0];
	_ =	sdelay $0x4  }
0x6d: {  	v33 =	vnsel vm0, $0x0, v32  }
0x6e: {  	(xrf0) =	vadd.scan.msk.s32 $0xffff, v33;
	_ =	sdelay $0x3  }
0x6f: {  	v34 =	vsel vm1, $0x0, v32  }
0x70: {  	(xrf0) =	vadd.scan.msk.s32 $0xffff, v34  }
0x71: {  	v35, _, _ =	vpop (xrf0)  }
0x72: {  	(v2sf) =	vpush v35, $0xF  }
0x73: {  	v36 =	vsel vm2, $0x0, v32  }
0x74: {  	(xrf0) =	vadd.scan.msk.s32 $0xffff, v36;
	_ =	sdelay $0x1  }
0x75: {  	v37, _, _ =	vpop (xrf0)  }
0x76: {  	(v2sf) =	vpush v37, $0xF;
	_ =	sdelay $0x1  }
0x77: {  	v38 =	vsel vm3, $0x0, v32  }
0x78: {  	(xrf0) =	vadd.scan.msk.s32 $0xffff, v38;
	v39, _, _ =	vpop (xrf0)  }
0x79: {  	(v2sf) =	vpush v39, $0xF;
	_ =	sdelay $0x2  }
0x7a: {  	v40 =	vsel vm4, $0x0, v32  }
0x7b: {  	(xrf0) =	vadd.scan.msk.s32 $0xffff, v40  }
0x7c: {  	v41, _, _ =	vpop (xrf0)  }
0x7d: {  	s15 =	spop (v2sf);
	(v2sf) =	vpush v41, $0xF  }
0x7e: {  	v42 =	vsel vm5, $0x0, v32  }
0x7f: {  	(xrf0) =	vadd.scan.msk.s32 $0xffff, v42;
	_ =	sdelay $0x1  }
0x80: {  	v43, _, _ =	vpop (xrf0)  }
0x81: {  	s17 =	spop (v2sf);
	(v2sf) =	vpush v43, $0xF;
	_ =	sdelay $0x1  }
0x82: {  	v44 =	vsel vm6, $0x0, v32  }
0x83: {  	(xrf0) =	vadd.scan.msk.s32 $0xffff, v44;
	v45, _, _ =	vpop (xrf0)  }
0x84: {  	s19 =	spop (v2sf);
	(v2sf) =	vpush v45, $0xF;
	_ =	sdelay $0x1  }
0x85: {  	s14 =	sshll.u32 s15, $0x4  }
0x86: {  	v46 =	vsel vm7, $0x0, v32;
	s14 =	sand.u32 $0x1FFFFFF0, s14  }
0x87: {  	s16 =	sadd.s32 $0xA00, s13;
	(xrf0) =	vadd.scan.msk.s32 $0xffff, v46;
	s14 =	sadd.s32 s3, s14  }
0x88: {  	v47, _, _ =	vpop (xrf0);
	[tilespmem:s16], [sflag:$0x1] =	stream.linear.gather [hbm4b:s14+s2], $0x80, $0x38;
	[tilespmem:$0x10200] =	vst v63  }
0x89: {  	s21 =	spop (v2sf);
	(v2sf) =	vpush v47, $0xF  }
0x8a: {  	v48 =	vsel vm8, $0x0, v32;
	s14 =	sshll.u32 s17, $0x4  }
0x8b: {  	(xrf0) =	vadd.scan.msk.s32 $0xffff, v48;
	s14 =	sand.u32 $0x1FFFFFF0, s14  }
0x8c: {  	s18 =	sadd.s32 $0xA80, s13;
	s14 =	sadd.s32 s3, s14  }
0x8d: {  	v49, _, _ =	vpop (xrf0);
	[tilespmem:s18], [sflag:$0x1] =	stream.linear.gather [hbm4b:s14+s2], $0x80, $0x38;
	[tilespmem:$0x10200] =	vst v63  }
0x8e: {  	s14 =	sshll.u32 s19, $0x4;
	s23 =	spop (v2sf);
	(v2sf) =	vpush v49, $0xF  }
0x8f: {  	v50 =	vsel vm9, $0x0, v32;
	s14 =	sand.u32 $0x1FFFFFF0, s14  }
0x90: {  	s20 =	sadd.s32 $0xB00, s13;
	(xrf0) =	vadd.scan.msk.s32 $0xffff, v50;
	s14 =	sadd.s32 s3, s14  }
0x91: {  	v51, _, _ =	vpop (xrf0);
	[tilespmem:s20], [sflag:$0x1] =	stream.linear.gather [hbm4b:s14+s2], $0x80, $0x38;
	[tilespmem:$0x10200] =	vst v63  }
0x92: {  	s25 =	spop (v2sf);
	(v2sf) =	vpush v51, $0xF  }
0x93: {  	s14 =	sshll.u32 s21, $0x4  }
0x94: {  	v52 =	vsel vm10, $0x0, v32;
	s14 =	sand.u32 $0x1FFFFFF0, s14  }
0x95: {  	s22 =	sadd.s32 $0xB80, s13;
	(xrf0) =	vadd.scan.msk.s32 $0xffff, v52;
	s14 =	sadd.s32 s3, s14  }
0x96: {  	[tilespmem:s22], [sflag:$0x1] =	stream.linear.gather [hbm4b:s14+s2], $0x80, $0x38;
	[tilespmem:$0x10200] =	vst v63  }
0x97: {  	v53, _, _ =	vpop (xrf0);
	s14 =	sshll.u32 s23, $0x4  }
0x98: {  	v54 =	vsel vm11, $0x0, v32;
	s14 =	sand.u32 $0x1FFFFFF0, s14;
	s28 =	spop (v2sf);
	(v2sf) =	vpush v53, $0xF  }
0x99: {  	s24 =	sadd.s32 $0xC00, s13;
	(xrf0) =	vadd.scan.msk.s32 $0xffff, v54;
	s14 =	sadd.s32 s3, s14  }
0x9a: {  	[tilespmem:s24], [sflag:$0x1] =	stream.linear.gather [hbm4b:s14+s2], $0x80, $0x38;
	[tilespmem:$0x10200] =	vst v63  }
0x9b: {  	s14 =	sshll.u32 s25, $0x4  }
0x9c: {  	v55, _, _ =	vpop (xrf0);
	s14 =	sand.u32 $0x1FFFFFF0, s14  }
0x9d: {  	s26 =	sadd.s32 $0xC80, s13;
	s14 =	sadd.s32 s3, s14;
	s30 =	spop (v2sf);
	(v2sf) =	vpush v55, $0xF  }
0x9e: {  	[tilespmem:s26], [sflag:$0x1] =	stream.linear.gather [hbm4b:s14+s2], $0x80, $0x38;
	[tilespmem:$0x10200] =	vst v63  }
0x9f: {  	v56 =	vsel vm12, $0x0, v32;
	s14 =	sshll.u32 s28, $0x4  }
0xa0: {  	(xrf0) =	vadd.scan.msk.s32 $0xffff, v56;
	v57, _, _ =	vpop (xrf0);
	s14 =	sand.u32 $0x1FFFFFF0, s14  }
0xa1: {  	s29 =	sadd.s32 $0xD00, s13;
	s14 =	sadd.s32 s3, s14;
	s16 =	spop (v2sf);
	(v2sf) =	vpush v57, $0xF  }
0xa2: {  	[tilespmem:s29], [sflag:$0x1] =	stream.linear.gather [hbm4b:s14+s2], $0x80, $0x38;
	[tilespmem:$0x10200] =	vst v63  }
0xa3: {  	s14 =	sshll.u32 s30, $0x4  }
0xa4: {  	v58 =	vsel vm13, $0x0, v32;
	s14 =	sand.u32 $0x1FFFFFF0, s14  }
0xa5: {  	s31 =	sadd.s32 $0xD80, s13;
	(xrf0) =	vadd.scan.msk.s32 $0xffff, v58;
	s14 =	sadd.s32 s3, s14  }
0xa6: {  	v59, _, _ =	vpop (xrf0);
	[tilespmem:s31], [sflag:$0x1] =	stream.linear.gather [hbm4b:s14+s2], $0x80, $0x38;
	[tilespmem:$0x10200] =	vst v63  }
0xa7: {  	s18 =	spop (v2sf);
	(v2sf) =	vpush v59, $0xF  }
0xa8: {  	v60 =	vsel vm14, $0x0, v32;
	s14 =	sshll.u32 s16, $0x4  }
0xa9: {  	(xrf0) =	vadd.scan.msk.s32 $0xffff, v60;
	s14 =	sand.u32 $0x1FFFFFF0, s14  }
0xaa: {  	s17 =	sadd.s32 $0xE00, s13;
	s14 =	sadd.s32 s3, s14  }
0xab: {  	v61, _, _ =	vpop (xrf0);
	[tilespmem:s17], [sflag:$0x1] =	stream.linear.gather [hbm4b:s14+s2], $0x80, $0x38;
	[tilespmem:$0x10200] =	vst v63  }
0xac: {  	s14 =	sshll.u32 s18, $0x4;
	s20 =	spop (v2sf);
	(v2sf) =	vpush v61, $0xF  }
0xad: {  	v0 =	vsel vm15, $0x0, v32;
	s14 =	sand.u32 $0x1FFFFFF0, s14  }
0xae: {  	s19 =	sadd.s32 $0xE80, s13;
	(xrf0) =	vadd.scan.msk.s32 $0xffff, v0;
	s14 =	sadd.s32 s3, s14  }
0xaf: {  	v62, _, _ =	vpop (xrf0);
	[tilespmem:s19], [sflag:$0x1] =	stream.linear.gather [hbm4b:s14+s2], $0x80, $0x38;
	[tilespmem:$0x10200] =	vst v63  }
0xb0: {  	s22 =	spop (v2sf);
	(v2sf) =	vpush v62, $0xF  }
0xb1: {  	s14 =	sshll.u32 s20, $0x4  }
0xb2: {  	s14 =	sand.u32 $0x1FFFFFF0, s14  }
0xb3: {  	s21 =	sadd.s32 $0xF00, s13;
	s14 =	sadd.s32 s3, s14  }
0xb4: {  	[tilespmem:s21], [sflag:$0x1] =	stream.linear.gather [hbm4b:s14+s2], $0x80, $0x38;
	[tilespmem:$0x10200] =	vst v63  }
0xb5: {  	v63, _, _ =	vpop (xrf0);
	s14 =	sshll.u32 s22, $0x4  }
0xb6: {  	s14 =	sand.u32 $0x1FFFFFF0, s14;
	s24 =	spop (v2sf);
	(v2sf) =	vpush v63, $0xF  }
0xb7: {  	s23 =	sadd.s32 $0xF80, s13;
	s14 =	sadd.s32 s3, s14  }
0xb8: {  	[tilespmem:s23], [sflag:$0x1] =	stream.linear.gather [hbm4b:s14+s2], $0x80, $0x38;
	[tilespmem:$0x10200] =	vst v63  }
0xb9: {  	s14 =	sshll.u32 s24, $0x4  }
0xba: {  	s14 =	sand.u32 $0x1FFFFFF0, s14  }
0xbb: {  	s25 =	sadd.s32 $0x1000, s13;
	s26 =	spop (v2sf);
	s14 =	sadd.s32 s3, s14  }
0xbc: {  	[tilespmem:s25], [sflag:$0x1] =	stream.linear.gather [hbm4b:s14+s2], $0x80, $0x38;
	[tilespmem:$0x10200] =	vst v63  }
0xbd: {  	s14 =	sshll.u32 s26, $0x4  }
0xbe: {  	s14 =	sand.u32 $0x1FFFFFF0, s14  }
0xbf: {  	s28 =	sadd.s32 $0x1080, s13;
	s14 =	sadd.s32 s3, s14;
	s29 =	spop (v2sf)  }
0xc0: {  	[tilespmem:s28], [sflag:$0x1] =	stream.linear.gather [hbm4b:s14+s2], $0x80, $0x38;
	[tilespmem:$0x10200] =	vst v63  }
0xc1: {  	s14 =	sshll.u32 s29, $0x4  }
0xc2: {  	s14 =	sand.u32 $0x1FFFFFF0, s14  }
0xc3: {  	s30 =	sadd.s32 $0x1100, s13;
	s14 =	sadd.s32 s3, s14  }
0xc4: {  	[tilespmem:s30], [sflag:$0x1] =	stream.linear.gather [hbm4b:s14+s2], $0x80, $0x38;
	[tilespmem:$0x10200] =	vst v63  }
0xc5: {  	s31 =	spop (v2sf)  }
0xc6: {  	s14 =	sshll.u32 s31, $0x4  }
0xc7: {  	s14 =	sand.u32 $0x1FFFFFF0, s14  }
0xc8: {  	s13 =	sadd.s32 $0x1180, s13;
	s14 =	sadd.s32 s3, s14  }
0xc9: {  	[tilespmem:s13], [sflag:$0x1] =	stream.linear.gather [hbm4b:s14+s2], $0x80, $0x38;
	[tilespmem:$0x10200] =	vst v63  }
0xca: {  	_ =	swait.ge [sflag:s8], $0x80  }
0xcb: {  	[sflag:s8] =	ssyncset.done $0x0  }
0xcc: {  	[sflag:s8] =	ssyncadd.s32 $0xFFFFFF80  }
0xcd: {  	_ =	swait.ge [sflag:s8], $0x80  }
0xce: {  	[sflag:s8] =	ssyncset.done $0x0  }
0xcf: {  	[sflag:s8] =	ssyncadd.s32 $0xFFFFFF80  }
0xd0: {  	_ =	swait.ge [sflag:s8], $0x80  }
0xd1: {  	[sflag:s8] =	ssyncset.done $0x0  }
0xd2: {  	[sflag:s8] =	ssyncadd.s32 $0xFFFFFF80  }
0xd3: {  	_ =	swait.ge [sflag:s8], $0x80  }
0xd4: {  	[sflag:s8] =	ssyncset.done $0x0  }
0xd5: {  	[sflag:s8] =	ssyncadd.s32 $0xFFFFFF80  }
0xd6: {  	_ =	swait.ge [sflag:s8], $0x80  }
0xd7: {  	[sflag:s8] =	ssyncset.done $0x0  }
0xd8: {  	[sflag:s8] =	ssyncadd.s32 $0xFFFFFF80  }
0xd9: {  	_ =	swait.ge [sflag:s8], $0x80  }
0xda: {  	[sflag:s8] =	ssyncset.done $0x0  }
0xdb: {  	[sflag:s8] =	ssyncadd.s32 $0xFFFFFF80  }
0xdc: {  	_ =	swait.ge [sflag:s8], $0x80  }
0xdd: {  	[sflag:s8] =	ssyncset.done $0x0  }
0xde: {  	[sflag:s8] =	ssyncadd.s32 $0xFFFFFF80  }
0xdf: {  	_ =	swait.ge [sflag:s8], $0x80  }
0xe0: {  	[sflag:s8] =	ssyncset.done $0x0  }
0xe1: {  	[sflag:s8] =	ssyncadd.s32 $0xFFFFFF80  }
0xe2: {  	_ =	swait.ge [sflag:s8], $0x80  }
0xe3: {  	[sflag:s8] =	ssyncset.done $0x0  }
0xe4: {  	[sflag:s8] =	ssyncadd.s32 $0xFFFFFF80  }
0xe5: {  	_ =	swait.ge [sflag:s8], $0x80  }
0xe6: {  	[sflag:s8] =	ssyncset.done $0x0  }
0xe7: {  	[sflag:s8] =	ssyncadd.s32 $0xFFFFFF80  }
0xe8: {  	_ =	swait.ge [sflag:s8], $0x80  }
0xe9: {  	[sflag:s8] =	ssyncset.done $0x0  }
0xea: {  	[sflag:s8] =	ssyncadd.s32 $0xFFFFFF80  }
0xeb: {  	_ =	swait.ge [sflag:s8], $0x80  }
0xec: {  	[sflag:s8] =	ssyncset.done $0x0  }
0xed: {  	[sflag:s8] =	ssyncadd.s32 $0xFFFFFF80  }
0xee: {  	_ =	swait.ge [sflag:s8], $0x80  }
0xef: {  	[sflag:s8] =	ssyncset.done $0x0  }
0xf0: {  	[sflag:s8] =	ssyncadd.s32 $0xFFFFFF80  }
0xf1: {  	_ =	swait.ge [sflag:s8], $0x80  }
0xf2: {  	[sflag:s8] =	ssyncset.done $0x0  }
0xf3: {  	[sflag:s8] =	ssyncadd.s32 $0xFFFFFF80  }
0xf4: {  	_ =	swait.ge [sflag:s8], $0x80  }
0xf5: {  	[sflag:s8] =	ssyncset.done $0x0  }
0xf6: {  	[sflag:s8] =	ssyncadd.s32 $0xFFFFFF80  }
0xf7: {  	_ =	swait.ge [sflag:s8], $0x80  }
0xf8: {  	[sflag:s8] =	ssyncset.done $0x0  }
0xf9: {  	[sflag:s8] =	ssyncadd.s32 $0xFFFFFF80  }
0xfa: {  	_ =	swait.ge [sflag:s8], $0x80  }
0xfb: {  	[sflag:s8] =	ssyncset.done $0x0  }
0xfc: {  	[sflag:s8] =	ssyncadd.s32 $0xFFFFFF80  }
0xfd: {  	_ =	swait.ge [sflag:s8], $0x80  }
0xfe: {  	[sflag:s8] =	ssyncset.done $0x0  }
0xff: {  	[sflag:s8] =	ssyncadd.s32 $0xFFFFFF80  }
0x100: {  	_ =	swait.ge [sflag:s8], $0x80  }
0x101: {  	[sflag:s8] =	ssyncset.done $0x0  }
0x102: {  	[sflag:s8] =	ssyncadd.s32 $0xFFFFFF80  }
0x103: {  	_ =	swait.ge [sflag:s8], $0x80  }
0x104: {  	[sflag:s8] =	ssyncset.done $0x0  }
0x105: {  	[sflag:s8] =	ssyncadd.s32 $0xFFFFFF80  }
0x106: {  	_ =	swait.ge [sflag:s8], $0x80  }
0x107: {  	[sflag:s8] =	ssyncset.done $0x0  }
0x108: {  	[sflag:s8] =	ssyncadd.s32 $0xFFFFFF80  }
0x109: {  	_ =	swait.ge [sflag:s8], $0x80  }
0x10a: {  	[sflag:s8] =	ssyncset.done $0x0  }
0x10b: {  	[sflag:s8] =	ssyncadd.s32 $0xFFFFFF80  }
0x10c: {  	_ =	swait.ge [sflag:s8], $0x80  }
0x10d: {  	[sflag:s8] =	ssyncset.done $0x0  }
0x10e: {  	[sflag:s8] =	ssyncadd.s32 $0xFFFFFF80  }
0x10f: {  	_ =	swait.ge [sflag:s8], $0x80  }
0x110: {  	[sflag:s8] =	ssyncset.done $0x0  }
0x111: {  	[sflag:s8] =	ssyncadd.s32 $0xFFFFFF80  }
0x112: {  	_ =	swait.ge [sflag:s8], $0x80  }
0x113: {  	[sflag:s8] =	ssyncset.done $0x0  }
0x114: {  	[sflag:s8] =	ssyncadd.s32 $0xFFFFFF80  }
0x115: {  	_ =	swait.ge [sflag:s8], $0x80  }
0x116: {  	[sflag:s8] =	ssyncset.done $0x0  }
0x117: {  	[sflag:s8] =	ssyncadd.s32 $0xFFFFFF80  }
0x118: {  	_ =	swait.ge [sflag:s8], $0x80  }
0x119: {  	[sflag:s8] =	ssyncset.done $0x0  }
0x11a: {  	[sflag:s8] =	ssyncadd.s32 $0xFFFFFF80  }
0x11b: {  	_ =	swait.ge [sflag:s8], $0x80  }
0x11c: {  	[sflag:s8] =	ssyncset.done $0x0  }
0x11d: {  	[sflag:s8] =	ssyncadd.s32 $0xFFFFFF80  }
0x11e: {  	_ =	swait.ge [sflag:s8], $0x80  }
0x11f: {  	[sflag:s8] =	ssyncset.done $0x0  }
0x120: {  	[sflag:s8] =	ssyncadd.s32 $0xFFFFFF80  }
0x121: {  	_ =	swait.ge [sflag:s8], $0x80  }
0x122: {  	[sflag:s8] =	ssyncset.done $0x0  }
0x123: {  	[sflag:s8] =	ssyncadd.s32 $0xFFFFFF80  }
0x124: {  	p0 =	sne.s32 s12, $0x3C000;
	_ =	swait.ge [sflag:s8], $0x80  }
.Ltmp0:
0x125: {  	[sflag:s8] =	ssyncset.done $0x0;
	(pc) =	sbr.rel @p0 .LBB2_2-.Ltmp0, $4  }
0x126: {  	[sflag:s8] =	ssyncadd.s32 $0xFFFFFF80  }
0x127: {  	_ =	swait.ge [sflag:s8], $0x80  }
0x128: {  	[sflag:s8] =	ssyncset.done $0x0  }
0x129: {  	s12 =	sadd.s32 $0x4000, s12;
	s11 =	sadd.s32 $0x20, s11;
	[sflag:s8] =	ssyncadd.s32 $0xFFFFFF80  }
0x12a: {  	s10 =	sadd.s32 $0x1, s10  }
0x12b: {  	p0 =	sne.s32 s10, s6  }
.Ltmp1:
0x12c: {  	_ = 	snop;
	(pc) =	sbr.rel @p0 .LBB2_1-.Ltmp1, $4  }
0x12d: {  	[hbm4b:s5+s2] =	stream.linear.scatter [tilespmem:s9], [sflag:$0x2], $0x10000, $0x38;
	[tilespmem:$0x10200] =	vst v63  }
0x12e: {  	_ =	swait.ge [sflag:s7], $0x10000  }
0x12f: {  	[sflag:s7] =	ssyncset.done $0x0  }
0x130: {  	[sflag:s7] =	ssyncadd.s32 $0xFFFF0000  }
0x131: {  	_ =	sfence.sel $0x180000  }
0x132: {  	[bflag:$0x0] =	sbarrier.arrive $0xFFFF  }
0x133: {  	p0 =	sne.s32 s0, $0x0;
	_ =	strace $0x90000047  }
0x134: {  	s0 =	sadd.s32 @!p0 $0x100000, s1;
	[bflag:$0x2] =	sbarrier.arrive $0xFFFF  }
0x135: {  	[sflag:s0] =	ssyncadd.tile.s32 @!p0 $0x1;
	_ =	shalt  }
.Lfunc_end2:
_tile_overlayer_lowered:
.L_overlay_start_2:
0x136: {  	(tag) =	ssettag $0x2  }
0x137: {  	s0 =	rddreg [dreg:$0x0];
	s2 =	stileid.u32  }
0x138: {  	s1 =	rddreg [dreg:$0x1];
	p0 =	sne.s32 s2, $0x0  }
0x139: {  	s3 =	rddreg [dreg:$0x2];
	[bflag:$0x3] =	sbarrier.arrive $0xFFFF;
	s2 =	simm.s32 @!p0 $0x1C02  }
0x13a: {  	[timem:s3], [sflag:s2] =	dma.local @!p0 [hbm:s0], s1  }
0x13b: {  	s0 =	simm.s32 @!p0 $0x2  }
0x13c: {  	_ =	swait.ge @!p0 [sflag:s0], s1  }
0x13d: {  	s1 =	ssub.s32 @!p0 $0x0, s1;
	[sflag:s0] =	ssyncset.done @!p0 $0x0  }
0x13e: {  	[sflag:s0] =	ssyncadd.s32 @!p0 s1  }
0x13f: {  	[bflag:$0x3] =	sbarrier.arrive $0xFFFF  }
0x140: {  	_ =	shalt  }

</sc_bundles>
